<compile_context>
chip_gen: v7x
topology: tpu7x:2x2x1
jax: 0.10.2.dev20260603
libtpu: 0.0.44.dev20260713+nightly
codegen_flags: <defaults>
</compile_context>

<pallas_src>
import functools

import jax
import jax.numpy as jnp
from jax import lax
from jax.experimental import pallas as pl
from jax.experimental.pallas import tpu as pltpu
import jax.experimental.pallas.tpu_sc as plsc

N = 10000
E = 160000
D = 256
H = 128
NC = 2
NS = 16
NW = NC * NS
CHUNK = 128
EP = 163840
NUM_CHUNKS = EP // CHUNK
NT = N + 8
CHUNKS_PER_W = NUM_CHUNKS // NW
CHUNKS_PER_TILE = NUM_CHUNKS // NS
ZROWS = 624
BN = 1000
GRID = N // BN

_mesh = plsc.VectorSubcoreMesh(core_axis_name="c", subcore_axis_name="s",
                               num_cores=NC, num_subcores=NS)



@functools.partial(
    pl.kernel,
    out_type=jax.ShapeDtypeStruct((NC * N, 16), jnp.float32),
    mesh=_mesh,
    scratch_types=[
        pltpu.VMEM_SHARED((NT, 16), jnp.float32),
        pltpu.VMEM((CHUNK,), jnp.int32),
        pltpu.VMEM((CHUNK, 16), jnp.float32),
        pltpu.VMEM((ZROWS, 16), jnp.float32),
        pltpu.SemaphoreType.DMA,
    ],
)
def _sc_degree(dst_hbm, out_hbm, acc_sh, idx_v, ones_v, zero_v, sem):
    c = lax.axis_index("c")
    s = lax.axis_index("s")
    w = s * NC + c

    def _fill(i, _):
        zero_v[i, :] = jnp.zeros((16,), jnp.float32)
        return 0
    lax.fori_loop(0, ZROWS, _fill, 0)

    def _fill1(i, _):
        ones_v[i, :] = jnp.full((16,), 1.0, jnp.float32)
        return 0
    lax.fori_loop(0, CHUNK, _fill1, 0)

    pltpu.sync_copy(zero_v, acc_sh.at[pl.ds(s * ZROWS, ZROWS)])

    @pl.when(s == NS - 1)
    def _():
        pltpu.sync_copy(zero_v.at[pl.ds(0, 16)],
                        acc_sh.at[pl.ds(NS * ZROWS, N - NS * ZROWS)])
    plsc.subcore_barrier()

    def _body(t, _):
        off = (w * CHUNKS_PER_W + t) * CHUNK
        pltpu.sync_copy(dst_hbm.at[pl.ds(off, CHUNK)], idx_v)
        pltpu.sync_copy(ones_v, acc_sh.at[idx_v], add=True)
        return 0
    lax.fori_loop(0, CHUNKS_PER_W, _body, 0)

    plsc.subcore_barrier()

    @pl.when(s == 0)
    def _():
        pltpu.sync_copy(acc_sh.at[pl.ds(0, N)], out_hbm.at[pl.ds(c * N, N)])


@functools.partial(
    pl.kernel,
    out_type=jax.ShapeDtypeStruct((NC * N, H), jnp.float32),
    mesh=_mesh,
    scratch_types=[
        pltpu.VMEM_SHARED((NT, H), jnp.float32),
        pltpu.VMEM((CHUNKS_PER_TILE, CHUNK), jnp.int32),
        pltpu.VMEM((CHUNK,), jnp.int32),
        pltpu.VMEM((CHUNK,), jnp.int32),
        pltpu.VMEM((CHUNK,), jnp.int32),
        pltpu.VMEM((CHUNK,), jnp.int32),
        pltpu.VMEM((CHUNK, H), jnp.float32),
        pltpu.VMEM((CHUNK, H), jnp.float32),
        pltpu.VMEM((16, H), jnp.float32),
        pltpu.SemaphoreType.DMA,
        pltpu.SemaphoreType.DMA,
        pltpu.SemaphoreType.DMA,
        pltpu.SemaphoreType.DMA,
    ],
)
def _sc_aggregate(g_hbm, gsrc_hbm, dst_hbm, out_hbm,
                  acc_sh, gbulk, gidx0, gidx1, didx0, didx1, rows0, rows1,
                  zero_v, gsem0, gsem1, ssem0, ssem1):
    c = lax.axis_index("c")
    s = lax.axis_index("s")

    pltpu.sync_copy(
        gsrc_hbm.at[pl.ds(c * NUM_CHUNKS + s * CHUNKS_PER_TILE,
                          CHUNKS_PER_TILE)], gbulk)

    def _fill(i, _):
        def _fill_row(j, _):
            zero_v[i, pl.ds(j * 16, 16)] = jnp.zeros((16,), jnp.float32)
            return 0
        lax.fori_loop(0, H // 16, _fill_row, 0)
        return 0
    lax.fori_loop(0, 16, _fill, 0)

    def _zero(r, _):
        pltpu.sync_copy(zero_v, acc_sh.at[pl.ds(s * ZROWS + r * 16, 16)])
        return 0
    lax.fori_loop(0, ZROWS // 16, _zero, 0)

    @pl.when(s == NS - 1)
    def _():
        pltpu.sync_copy(zero_v,
                        acc_sh.at[pl.ds(NS * ZROWS, N - NS * ZROWS)])
    plsc.subcore_barrier()

    def _cp_idx(dst_small, row):
        def _cp(j, _):
            dst_small[pl.ds(j * 16, 16)] = gbulk[row, pl.ds(j * 16, 16)]
            return 0
        lax.fori_loop(0, CHUNK // 16, _cp, 0)

    def _body(t, _):
        a = 2 * t
        off_a = (s * CHUNKS_PER_TILE + a) * CHUNK
        off_b = off_a + CHUNK
        _cp_idx(gidx0, a)
        dg0 = pltpu.async_copy(g_hbm.at[gidx0], rows0, gsem0)
        _cp_idx(gidx1, a + 1)
        dg1 = pltpu.async_copy(g_hbm.at[gidx1], rows1, gsem1)
        pltpu.sync_copy(dst_hbm.at[pl.ds(off_a, CHUNK)], didx0)
        pltpu.sync_copy(dst_hbm.at[pl.ds(off_b, CHUNK)], didx1)
        dg0.wait()
        ds0 = pltpu.async_copy(rows0, acc_sh.at[didx0], ssem0, add=True)
        dg1.wait()
        ds1 = pltpu.async_copy(rows1, acc_sh.at[didx1], ssem1, add=True)
        ds0.wait()
        ds1.wait()
        return 0
    lax.fori_loop(0, CHUNKS_PER_TILE // 2, _body, 0)

    plsc.subcore_barrier()

    @pl.when(s == 0)
    def _():
        pltpu.sync_copy(acc_sh.at[pl.ds(0, N)], out_hbm.at[pl.ds(c * N, N)])



def _dis_block(dp_ref):
    deg = dp_ref[0, :, 0:1] + dp_ref[1, :, 0:1] + 1.0
    return lax.rsqrt(deg)


def _accum_stats(st_ref, m):
    @pl.when(pl.program_id(0) == 0)
    def _():
        st_ref[...] = jnp.zeros_like(st_ref)
    st_ref[0:1, :] = st_ref[0:1, :] + jnp.sum(m, axis=0, keepdims=True)
    st_ref[1:2, :] = st_ref[1:2, :] + jnp.sum(m * m, axis=0, keepdims=True)


def _tc_first_body(x_ref, w_ref, dp_ref, g_ref, st_ref):
    dis = _dis_block(dp_ref)
    xb = x_ref[...]
    _accum_stats(st_ref, xb)
    g = jnp.dot(xb, w_ref[...], preferred_element_type=jnp.float32) * dis
    g_ref[0] = g[:, :H]
    g_ref[1] = g[:, H:]


def _tc_mid_body(a_ref, g_ref, dp_ref, b_ref, w_ref, h_ref, gn_ref, st_ref):
    dis = _dis_block(dp_ref)
    hl = jnp.maximum((a_ref[0] + g_ref[0]) * dis + b_ref[0, :H], 0.0)
    hr = jnp.maximum((a_ref[1] + g_ref[1]) * dis + b_ref[0, H:], 0.0)
    h = jnp.concatenate([hl, hr], axis=1)
    h_ref[...] = h
    _accum_stats(st_ref, h)
    gn = jnp.dot(h, w_ref[...], preferred_element_type=jnp.float32) * dis
    gn_ref[0] = gn[:, :H]
    gn_ref[1] = gn[:, H:]


def _tc_last_body(a_ref, g_ref, dp_ref, b_ref, h_ref, st_ref):
    dis = _dis_block(dp_ref)
    hl = jnp.maximum((a_ref[0] + g_ref[0]) * dis + b_ref[0, :H], 0.0)
    hr = jnp.maximum((a_ref[1] + g_ref[1]) * dis + b_ref[0, H:], 0.0)
    h = jnp.concatenate([hl, hr], axis=1)
    h_ref[...] = h
    _accum_stats(st_ref, h)


def _tc_out_body(x_ref, h1_ref, h2_ref, h3_ref, sx_ref, s1_ref, s2_ref,
                 s3_ref, gam_ref, bet_ref, wo_ref, bo_ref, o_ref):
    n = jnp.float32(N)
    s_all = jnp.concatenate(
        [sx_ref[...], s1_ref[...], s2_ref[...], s3_ref[...]], axis=1)
    mean = s_all[0:1, :] / n
    var = s_all[1:2, :] / n - mean * mean
    a = gam_ref[...] * lax.rsqrt(var + 1e-5)
    cvec = bet_ref[...] - mean * a
    px = jnp.concatenate(
        [x_ref[...], h1_ref[...], h2_ref[...], h3_ref[...]], axis=1)
    o = jnp.dot(px * a, wo_ref[...], preferred_element_type=jnp.float32)
    o = o + jnp.dot(cvec, wo_ref[...], preferred_element_type=jnp.float32)
    o_ref[...] = o + bo_ref[...]


_rb = lambda i: (i, 0)
_full = lambda i: (0, 0)
_half = lambda i: (0, i, 0)

_spec_x = pl.BlockSpec((BN, D), _rb)
_spec_w = pl.BlockSpec((D, D), _full)
_spec_dp = pl.BlockSpec((2, BN, 16), _half)
_spec_g = pl.BlockSpec((2, BN, H), _half)
_spec_b = pl.BlockSpec((1, D), _full)
_spec_st = pl.BlockSpec((8, D), _full)
_st_shape = jax.ShapeDtypeStruct((8, D), jnp.float32)


def _tc_first(x, W, dp):
    return pl.pallas_call(
        _tc_first_body,
        grid=(GRID,),
        in_specs=[_spec_x, _spec_w, _spec_dp],
        out_specs=[_spec_g, _spec_st],
        out_shape=[jax.ShapeDtypeStruct((2, N, H), jnp.float32), _st_shape],
    )(x, W, dp)


def _tc_mid(a, g, dp, b, Wn):
    return pl.pallas_call(
        _tc_mid_body,
        grid=(GRID,),
        in_specs=[_spec_g, _spec_g, _spec_dp, _spec_b, _spec_w],
        out_specs=[_spec_x, _spec_g, _spec_st],
        out_shape=[jax.ShapeDtypeStruct((N, D), jnp.float32),
                   jax.ShapeDtypeStruct((2, N, H), jnp.float32), _st_shape],
    )(a, g, dp, b, Wn)


def _tc_last(a, g, dp, b):
    return pl.pallas_call(
        _tc_last_body,
        grid=(GRID,),
        in_specs=[_spec_g, _spec_g, _spec_dp, _spec_b],
        out_specs=[_spec_x, _spec_st],
        out_shape=[jax.ShapeDtypeStruct((N, D), jnp.float32), _st_shape],
    )(a, g, dp, b)


def _tc_out(x, h1, h2, h3, sx, s1, s2, s3, gamma, beta, Wout, bout):
    return pl.pallas_call(
        _tc_out_body,
        grid=(GRID,),
        in_specs=[_spec_x] * 4 + [_spec_st] * 4 + [
            pl.BlockSpec((1, 4 * D), _full),
            pl.BlockSpec((1, 4 * D), _full),
            pl.BlockSpec((4 * D, D), _full),
            pl.BlockSpec((1, D), _full),
        ],
        out_specs=_spec_x,
        out_shape=jax.ShapeDtypeStruct((N, D), jnp.float32),
    )(x, h1, h2, h3, sx, s1, s2, s3, gamma, beta, Wout, bout)



def kernel(x, edge_index, W1, b1, W2, b2, W3, b3, bn_gamma, bn_beta,
           Wout, bout):
    ei = edge_index.astype(jnp.int32)
    src = ei[0]
    dst = ei[1]
    pad = EP - E
    src_p = jnp.concatenate([src, jnp.zeros((pad,), jnp.int32)])
    dst2d = jnp.concatenate([dst, jnp.full((pad,), N, jnp.int32)])
    gsrc = jnp.concatenate([src_p, src_p + N]).reshape(2 * NUM_CHUNKS, CHUNK)

    dflat = _sc_degree(dst2d)
    dp = dflat.reshape(NC, N, 16)

    b1r = b1.reshape(1, D)
    b2r = b2.reshape(1, D)
    b3r = b3.reshape(1, D)
    gamr = bn_gamma.reshape(1, 4 * D)
    betr = bn_beta.reshape(1, 4 * D)
    bor = bout.reshape(1, D)

    g1, sx = _tc_first(x, W1, dp)
    a1 = _sc_aggregate(g1.reshape(NC * N, H), gsrc, dst2d).reshape(NC, N, H)
    h1, g2, s1 = _tc_mid(a1, g1, dp, b1r, W2)
    a2 = _sc_aggregate(g2.reshape(NC * N, H), gsrc, dst2d).reshape(NC, N, H)
    h2, g3, s2 = _tc_mid(a2, g2, dp, b2r, W3)
    a3 = _sc_aggregate(g3.reshape(NC * N, H), gsrc, dst2d).reshape(NC, N, H)
    h3, s3 = _tc_last(a3, g3, dp, b3r)

    return _tc_out(x, h1, h2, h3, sx, s1, s2, s3, gamr, betr, Wout, bor)

# --- scband reference (transcript-rebuilt; emitter-appended) ---
"""Pipeline reference for scband-structure-extractor-7344394076408 (READ-ONLY COPY).

The authoritative reference and input builder live on the scoring server;
editing this copy changes nothing except your own understanding.
"""

import jax, jax.numpy as jnp
import numpy as np

N_NODES = 10000
N_EDGES = 160000
D = 256
NUM_LAYERS = 3
INNER = (NUM_LAYERS + 1) * D  # 1024


def setup_inputs(seed: int = 0) -> dict:
    key = jax.random.key(seed)
    ks = jax.random.split(key, 12)
    x = jax.random.normal(ks[0], (N_NODES, D), dtype=jnp.float32)
    edge_index = jax.random.randint(ks[1], (2, N_EDGES), 0, N_NODES, dtype=jnp.int64)
    s = 1.0 / np.sqrt(D)
    W1 = jax.random.uniform(ks[2], (D, D), minval=-s, maxval=s, dtype=jnp.float32)
    b1 = jnp.zeros((D,), dtype=jnp.float32)
    W2 = jax.random.uniform(ks[3], (D, D), minval=-s, maxval=s, dtype=jnp.float32)
    b2 = jnp.zeros((D,), dtype=jnp.float32)
    W3 = jax.random.uniform(ks[4], (D, D), minval=-s, maxval=s, dtype=jnp.float32)
    b3 = jnp.zeros((D,), dtype=jnp.float32)
    bn_gamma = jnp.ones((INNER,), dtype=jnp.float32)
    bn_beta = jnp.zeros((INNER,), dtype=jnp.float32)
    so = 1.0 / np.sqrt(INNER)
    Wout = jax.random.uniform(ks[5], (INNER, D), minval=-so, maxval=so, dtype=jnp.float32)
    bout = jax.random.uniform(ks[6], (D,), minval=-so, maxval=so, dtype=jnp.float32)
    return {"x": x, "edge_index": edge_index, "W1": W1, "b1": b1, "W2": W2,
            "b2": b2, "W3": W3, "b3": b3, "bn_gamma": bn_gamma,
            "bn_beta": bn_beta, "Wout": Wout, "bout": bout}


def _gcn_conv(h, src, dst, norm, W, b):
    # PyG GCNConv: linear transform, then normalized sum aggregation (self-loops included in src/dst)
    h = h @ W
    msg = h[src] * norm[:, None]
    agg = jnp.zeros_like(h).at[dst].add(msg)
    return agg + b


def reference(x, edge_index, W1, b1, W2, b2, W3, b3, bn_gamma, bn_beta, Wout, bout):
    n = x.shape[0]
    loop = jnp.arange(n, dtype=edge_index.dtype)
    src = jnp.concatenate([edge_index[0], loop])
    dst = jnp.concatenate([edge_index[1], loop])
    deg = jnp.zeros((n,), dtype=x.dtype).at[dst].add(1.0)
    deg_inv_sqrt = jnp.where(deg > 0, deg ** -0.5, 0.0)
    norm = deg_inv_sqrt[src] * deg_inv_sqrt[dst]

    x_cat = [x]
    h = x
    for (W, b) in ((W1, b1), (W2, b2), (W3, b3)):
        h = jax.nn.relu(_gcn_conv(h, src, dst, norm, W, b))
        x_cat.append(h)
    px = jnp.concatenate(x_cat, axis=-1)

    # BatchNorm1d (training-mode batch statistics)
    mean = jnp.mean(px, axis=0)
    var = jnp.var(px, axis=0)
    px = (px - mean) / jnp.sqrt(var + 1e-5) * bn_gamma + bn_beta

    out = px @ Wout + bout
    return out


if False:  # reference __main__ guard neutralized (emitter)
    inp = setup_inputs()
    o = reference(**inp)
    print(o.shape, o.dtype)

if __name__ == "__main__":
    import jax
    _d = setup_inputs()
    print(jax.jit(kernel)(*tuple(_d.values())))

</pallas_src>

<mosaic_0001>
#map = affine_map<(d0, d1) -> (0)>
#map1 = affine_map<(d0, d1) -> (0, 0)>
module attributes {stable_mosaic.version = 14 : i64} {
  func.func @_sc_degree(%arg0: i32, %arg1: i32, %arg2: memref<163840xi32, #tpu.memory_space<hbm>>, %arg3: memref<20000x16xf32, #tpu.memory_space<hbm>>, %arg4: memref<10008x16xf32, #tpu.memory_space<vmem_shared>>, %arg5: memref<128xi32, #tpu.memory_space<vmem>>, %arg6: memref<128x16xf32, #tpu.memory_space<vmem>>, %arg7: memref<624x16xf32, #tpu.memory_space<vmem>>, %arg8: memref<!tpu.dma_semaphore, #tpu.memory_space<semaphore_mem>>) attributes {dimension_semantics = [#tpu.dimension_semantics<core_parallel>, #tpu.dimension_semantics<subcore_parallel>], iteration_bounds = array<i64: 2, 16>, scalar_prefetch = 0 : i64, scratch_operands = 5 : i64, tpu.core_type = #tpu.core_type<sc_vector_subcore>, window_params = [{transform_indices = #map}, {transform_indices = #map1}]} {
    %mul3A = arith.constant 2 : i32
    %mul3A_0 = arith.muli %arg1, %mul3A : i32
    %add3A = arith.addi %mul3A_0, %arg0 : i32
    %scan3A = arith.constant 0 : i32
    %scan3A_1 = arith.constant 0 : i32
    %scan3A_2 = arith.constant 624 : i32
    %scan3A_3 = arith.addi %scan3A_1, %scan3A_2 : i32
    %scan3A_4 = arith.constant 1 : i32
    %scan3A_5 = scf.for %scan3A_31 = %scan3A_1 to %scan3A_3 step %scan3A_4 iter_args(%scan3A_32 = %scan3A) -> (i32)  : i32 {
      %broadcast_in_dim3A = arith.constant 0.000000e+00 : f32
      %broadcast_in_dim3A_33 = vector.broadcast %broadcast_in_dim3A : f32 to vector<16xf32>
      %swap3A = arith.index_cast %scan3A_31 : i32 to index
      %swap3A_34 = arith.constant 0 : index
      %swap3A_35 = tpu.vector_load %arg7[%swap3A, %swap3A_34] {strides = array<i32>} : memref<624x16xf32, #tpu.memory_space<vmem>>, vector<1x16xf32>,
      %swap3A_36 = vector.shape_cast %swap3A_35 : vector<1x16xf32> to vector<16xf32>
      %swap3A_37 = vector.shape_cast %broadcast_in_dim3A_33 : vector<16xf32> to vector<1x16xf32>
      tpu.vector_store %arg7[%swap3A, %swap3A_34], %swap3A_37 {strides = array<i32>} : memref<624x16xf32, #tpu.memory_space<vmem>>, vector<1x16xf32>,
      %scan3A_38 = arith.constant 0 : i32
      scf.yield %scan3A_38 : i32
    }
    %scan3A_6 = arith.constant 624 : i32
    %scan3A_7 = arith.constant 0 : i32
    %scan3A_8 = arith.constant 0 : i32
    %scan3A_9 = arith.constant 128 : i32
    %scan3A_10 = arith.addi %scan3A_8, %scan3A_9 : i32
    %scan3A_11 = arith.constant 1 : i32
    %scan3A_12 = scf.for %scan3A_31 = %scan3A_8 to %scan3A_10 step %scan3A_11 iter_args(%scan3A_32 = %scan3A_7) -> (i32)  : i32 {
      %broadcast_in_dim3A = arith.constant 1.000000e+00 : f32
      %broadcast_in_dim3A_33 = vector.broadcast %broadcast_in_dim3A : f32 to vector<16xf32>
      %swap3A = arith.index_cast %scan3A_31 : i32 to index
      %swap3A_34 = arith.constant 0 : index
      %swap3A_35 = tpu.vector_load %arg6[%swap3A, %swap3A_34] {strides = array<i32>} : memref<128x16xf32, #tpu.memory_space<vmem>>, vector<1x16xf32>,
      %swap3A_36 = vector.shape_cast %swap3A_35 : vector<1x16xf32> to vector<16xf32>
      %swap3A_37 = vector.shape_cast %broadcast_in_dim3A_33 : vector<16xf32> to vector<1x16xf32>
      tpu.vector_store %arg6[%swap3A, %swap3A_34], %swap3A_37 {strides = array<i32>} : memref<128x16xf32, #tpu.memory_space<vmem>>, vector<1x16xf32>,
      %scan3A_38 = arith.constant 0 : i32
      scf.yield %scan3A_38 : i32
    }
    %scan3A_13 = arith.constant 128 : i32
    %mul3A_14 = arith.constant 624 : i32
    %mul3A_15 = arith.muli %arg1, %mul3A_14 : i32
    "tpu.region"() ({
      %run_scoped3A = tpu.sem_alloc : memref<!tpu.dma_semaphore, #tpu.memory_space<semaphore_mem>>
      %dma_start3A = arith.constant 0 : i32
      %dma_start3A_31 = tpu.memref_slice %arg4[%mul3A_15, %dma_start3A] : memref<10008x16xf32, #tpu.memory_space<vmem_shared>> -> memref<624x16xf32, #tpu.memory_space<vmem_shared>>
      %dma_start3A_32 = arith.constant 0 : i32
      %dma_start3A_33 = tpu.memref_slice %arg4[%mul3A_15, %dma_start3A_32] : memref<10008x16xf32, #tpu.memory_space<vmem_shared>> -> memref<624x16xf32, #tpu.memory_space<vmem_shared>>
      tpu.enqueue_dma source(%arg7 : memref<624x16xf32, #tpu.memory_space<vmem>>) target(%dma_start3A_33 : memref<624x16xf32, #tpu.memory_space<vmem_shared>>) target_semaphore(%run_scoped3A : memref<!tpu.dma_semaphore, #tpu.memory_space<semaphore_mem>>)
      %dma_wait3A = arith.constant 0 : i32
      %dma_wait3A_34 = tpu.memref_slice %arg4[%mul3A_15, %dma_wait3A] : memref<10008x16xf32, #tpu.memory_space<vmem_shared>> -> memref<624x16xf32, #tpu.memory_space<vmem_shared>>
      %dma_wait3A_35 = arith.constant 0 : i32
      %dma_wait3A_36 = tpu.memref_slice %arg4[%mul3A_15, %dma_wait3A_35] : memref<10008x16xf32, #tpu.memory_space<vmem_shared>> -> memref<624x16xf32, #tpu.memory_space<vmem_shared>>
      tpu.wait_dma2 semaphore(%run_scoped3A : memref<!tpu.dma_semaphore, #tpu.memory_space<semaphore_mem>>) src(%arg7 : memref<624x16xf32, #tpu.memory_space<vmem>>) dst(%dma_wait3A_36 : memref<624x16xf32, #tpu.memory_space<vmem_shared>>)
      tpu.yield
    }) : () -> ()
    %eq3A = arith.constant 15 : i32
    %eq3A_16 = arith.cmpi eq, %arg1, %eq3A : i32
    %convert_element_type3A = arith.extui %eq3A_16 : i1 to i32
    %cond3A = arith.constant 0 : i32
    %cond3A_17 = arith.cmpi ne, %convert_element_type3A, %cond3A : i32
    scf.if %cond3A_17 {
      "tpu.region"() ({
        %run_scoped3A = tpu.sem_alloc : memref<!tpu.dma_semaphore, #tpu.memory_space<semaphore_mem>>
        %dma_start3A = arith.constant 0 : i32
        %dma_start3A_31 = arith.constant 0 : i32
        %dma_start3A_32 = tpu.memref_slice %arg7[%dma_start3A, %dma_start3A_31] : memref<624x16xf32, #tpu.memory_space<vmem>> -> memref<16x16xf32, #tpu.memory_space<vmem>>
        %dma_start3A_33 = arith.constant 9984 : i32
        %dma_start3A_34 = arith.constant 0 : i32
        %dma_start3A_35 = tpu.memref_slice %arg4[%dma_start3A_33, %dma_start3A_34] : memref<10008x16xf32, #tpu.memory_space<vmem_shared>> -> memref<16x16xf32, #tpu.memory_space<vmem_shared>>
        %dma_start3A_36 = arith.constant 9984 : i32
        %dma_start3A_37 = arith.constant 0 : i32
        %dma_start3A_38 = tpu.memref_slice %arg4[%dma_start3A_36, %dma_start3A_37] : memref<10008x16xf32, #tpu.memory_space<vmem_shared>> -> memref<16x16xf32, #tpu.memory_space<vmem_shared>>
        %dma_start3A_39 = arith.constant 0 : i32
        %dma_start3A_40 = arith.constant 0 : i32
        %dma_start3A_41 = tpu.memref_slice %arg7[%dma_start3A_39, %dma_start3A_40] : memref<624x16xf32, #tpu.memory_space<vmem>> -> memref<16x16xf32, #tpu.memory_space<vmem>>
        tpu.enqueue_dma source(%dma_start3A_41 : memref<16x16xf32, #tpu.memory_space<vmem>>) target(%dma_start3A_38 : memref<16x16xf32, #tpu.memory_space<vmem_shared>>) target_semaphore(%run_scoped3A : memref<!tpu.dma_semaphore, #tpu.memory_space<semaphore_mem>>)
        %dma_wait3A = arith.constant 0 : i32
        %dma_wait3A_42 = arith.constant 0 : i32
        %dma_wait3A_43 = tpu.memref_slice %arg7[%dma_wait3A, %dma_wait3A_42] : memref<624x16xf32, #tpu.memory_space<vmem>> -> memref<16x16xf32, #tpu.memory_space<vmem>>
        %dma_wait3A_44 = arith.constant 9984 : i32
        %dma_wait3A_45 = arith.constant 0 : i32
        %dma_wait3A_46 = tpu.memref_slice %arg4[%dma_wait3A_44, %dma_wait3A_45] : memref<10008x16xf32, #tpu.memory_space<vmem_shared>> -> memref<16x16xf32, #tpu.memory_space<vmem_shared>>
        %dma_wait3A_47 = arith.constant 9984 : i32
        %dma_wait3A_48 = arith.constant 0 : i32
        %dma_wait3A_49 = tpu.memref_slice %arg4[%dma_wait3A_47, %dma_wait3A_48] : memref<10008x16xf32, #tpu.memory_space<vmem_shared>> -> memref<16x16xf32, #tpu.memory_space<vmem_shared>>
        %dma_wait3A_50 = arith.constant 0 : i32
        %dma_wait3A_51 = arith.constant 0 : i32
        %dma_wait3A_52 = tpu.memref_slice %arg7[%dma_wait3A_50, %dma_wait3A_51] : memref<624x16xf32, #tpu.memory_space<vmem>> -> memref<16x16xf32, #tpu.memory_space<vmem>>
        tpu.wait_dma2 semaphore(%run_scoped3A : memref<!tpu.dma_semaphore, #tpu.memory_space<semaphore_mem>>) src(%dma_wait3A_52 : memref<16x16xf32, #tpu.memory_space<vmem>>) dst(%dma_wait3A_49 : memref<16x16xf32, #tpu.memory_space<vmem_shared>>)
        tpu.yield
      }) : () -> ()
    } else {
    }
    %barrier3A = arith.constant 0 : index
    tpu.barrier barrier_id(%barrier3A)
    %scan3A_18 = arith.constant 0 : i32
    %scan3A_19 = arith.constant 0 : i32
    %scan3A_20 = arith.constant 40 : i32
    %scan3A_21 = arith.addi %scan3A_19, %scan3A_20 : i32
    %scan3A_22 = arith.constant 1 : i32
    %scan3A_23 = scf.for %scan3A_31 = %scan3A_19 to %scan3A_21 step %scan3A_22 iter_args(%scan3A_32 = %scan3A_18) -> (i32)  : i32 {
      %mul3A_33 = arith.constant 40 : i32
      %mul3A_34 = arith.muli %add3A, %mul3A_33 : i32
      %add3A_35 = arith.addi %mul3A_34, %scan3A_31 : i32
      %mul3A_36 = arith.constant 128 : i32
      %mul3A_37 = arith.muli %add3A_35, %mul3A_36 : i32
      "tpu.region"() ({
        %run_scoped3A = tpu.sem_alloc : memref<!tpu.dma_semaphore, #tpu.memory_space<semaphore_mem>>
        %dma_start3A = tpu.memref_slice %arg2[%mul3A_37] : memref<163840xi32, #tpu.memory_space<hbm>> -> memref<128xi32, #tpu.memory_space<hbm>>
        %dma_start3A_39 = tpu.memref_slice %arg2[%mul3A_37] : memref<163840xi32, #tpu.memory_space<hbm>> -> memref<128xi32, #tpu.memory_space<hbm>>
        tpu.enqueue_dma source(%dma_start3A_39 : memref<128xi32, #tpu.memory_space<hbm>>) target(%arg5 : memref<128xi32, #tpu.memory_space<vmem>>) target_semaphore(%run_scoped3A : memref<!tpu.dma_semaphore, #tpu.memory_space<semaphore_mem>>)
        %dma_wait3A = tpu.memref_slice %arg2[%mul3A_37] : memref<163840xi32, #tpu.memory_space<hbm>> -> memref<128xi32, #tpu.memory_space<hbm>>
        %dma_wait3A_40 = tpu.memref_slice %arg2[%mul3A_37] : memref<163840xi32, #tpu.memory_space<hbm>> -> memref<128xi32, #tpu.memory_space<hbm>>
        tpu.wait_dma2 semaphore(%run_scoped3A : memref<!tpu.dma_semaphore, #tpu.memory_space<semaphore_mem>>) src(%dma_wait3A_40 : memref<128xi32, #tpu.memory_space<hbm>>) dst(%arg5 : memref<128xi32, #tpu.memory_space<vmem>>)
        tpu.yield
      }) : () -> ()
      "tpu.region"() ({
        %run_scoped3A = tpu.sem_alloc : memref<!tpu.dma_semaphore, #tpu.memory_space<semaphore_mem>>
        %dma_start3A = arith.constant 0 : i32
        %dma_start3A_39 = arith.constant 0 : i32
        %dma_start3A_40 = tpu.memref_slice %arg4[%dma_start3A, %dma_start3A_39] : memref<10008x16xf32, #tpu.memory_space<vmem_shared>> -> memref<10008x16xf32, #tpu.memory_space<vmem_shared>>
        tpu.enqueue_indirect_dma source(%arg6 : memref<128x16xf32, #tpu.memory_space<vmem>>) target(%dma_start3A_40 : memref<10008x16xf32, #tpu.memory_space<vmem_shared>>) offsets(%arg5 : memref<128xi32, #tpu.memory_space<vmem>>) semaphore(%run_scoped3A : memref<!tpu.dma_semaphore, #tpu.memory_space<semaphore_mem>>) {add = true}
        %dma_wait3A = arith.constant 0 : i32
        %dma_wait3A_41 = arith.constant 0 : i32
        %dma_wait3A_42 = tpu.memref_slice %arg4[%dma_wait3A, %dma_wait3A_41] : memref<10008x16xf32, #tpu.memory_space<vmem_shared>> -> memref<10008x16xf32, #tpu.memory_space<vmem_shared>>
        tpu.wait_indirect_dma semaphore(%run_scoped3A : memref<!tpu.dma_semaphore, #tpu.memory_space<semaphore_mem>>) src(%arg6 : memref<128x16xf32, #tpu.memory_space<vmem>>) dst(%dma_wait3A_42 : memref<10008x16xf32, #tpu.memory_space<vmem_shared>>)
        tpu.yield
      }) : () -> ()
      %scan3A_38 = arith.constant 0 : i32
      scf.yield %scan3A_38 : i32
    }
    %scan3A_24 = arith.constant 40 : i32
    %barrier3A_25 = arith.constant 0 : index
    tpu.barrier barrier_id(%barrier3A_25)
    %eq3A_26 = arith.constant 0 : i32
    %eq3A_27 = arith.cmpi eq, %arg1, %eq3A_26 : i32
    %convert_element_type3A_28 = arith.extui %eq3A_27 : i1 to i32
    %cond3A_29 = arith.constant 0 : i32
    %cond3A_30 = arith.cmpi ne, %convert_element_type3A_28, %cond3A_29 : i32
    scf.if %cond3A_30 {
      %mul3A_31 = arith.constant 10000 : i32
      %mul3A_32 = arith.muli %arg0, %mul3A_31 : i32
      "tpu.region"() ({
        %run_scoped3A = tpu.sem_alloc : memref<!tpu.dma_semaphore, #tpu.memory_space<semaphore_mem>>
        %dma_start3A = arith.constant 0 : i32
        %dma_start3A_33 = tpu.memref_slice %arg3[%mul3A_32, %dma_start3A] : memref<20000x16xf32, #tpu.memory_space<hbm>> -> memref<10000x16xf32, #tpu.memory_space<hbm>>
        %dma_start3A_34 = arith.constant 0 : i32
        %dma_start3A_35 = arith.constant 0 : i32
        %dma_start3A_36 = tpu.memref_slice %arg4[%dma_start3A_34, %dma_start3A_35] : memref<10008x16xf32, #tpu.memory_space<vmem_shared>> -> memref<10000x16xf32, #tpu.memory_space<vmem_shared>>
        tpu.enqueue_dma source(%dma_start3A_36 : memref<10000x16xf32, #tpu.memory_space<vmem_shared>>) target(%dma_start3A_33 : memref<10000x16xf32, #tpu.memory_space<hbm>>) target_semaphore(%run_scoped3A : memref<!tpu.dma_semaphore, #tpu.memory_space<semaphore_mem>>)
        %dma_wait3A = arith.constant 0 : i32
        %dma_wait3A_37 = tpu.memref_slice %arg3[%mul3A_32, %dma_wait3A] : memref<20000x16xf32, #tpu.memory_space<hbm>> -> memref<10000x16xf32, #tpu.memory_space<hbm>>
        %dma_wait3A_38 = arith.constant 0 : i32
        %dma_wait3A_39 = arith.constant 0 : i32
        %dma_wait3A_40 = tpu.memref_slice %arg4[%dma_wait3A_38, %dma_wait3A_39] : memref<10008x16xf32, #tpu.memory_space<vmem_shared>> -> memref<10000x16xf32, #tpu.memory_space<vmem_shared>>
        tpu.wait_dma2 semaphore(%run_scoped3A : memref<!tpu.dma_semaphore, #tpu.memory_space<semaphore_mem>>) src(%dma_wait3A_40 : memref<10000x16xf32, #tpu.memory_space<vmem_shared>>) dst(%dma_wait3A_37 : memref<10000x16xf32, #tpu.memory_space<hbm>>)
        tpu.yield
      }) : () -> ()
    } else {
    }
    return
  }
}

#map = affine_map<(d0, d1) -> (0, 0)>
#map1 = affine_map<(d0, d1) -> (0)>
module attributes {stable_mosaic.version = 14 : i64} {
  func.func @_sc_aggregate(%arg0: i32, %arg1: i32, %arg2: memref<20000x128xf32, #tpu.memory_space<hbm>>, %arg3: memref<2560x128xi32, #tpu.memory_space<hbm>>, %arg4: memref<163840xi32, #tpu.memory_space<hbm>>, %arg5: memref<20000x128xf32, #tpu.memory_space<hbm>>, %arg6: memref<10008x128xf32, #tpu.memory_space<vmem_shared>>, %arg7: memref<80x128xi32, #tpu.memory_space<vmem>>, %arg8: memref<128xi32, #tpu.memory_space<vmem>>, %arg9: memref<128xi32, #tpu.memory_space<vmem>>, %arg10: memref<128xi32, #tpu.memory_space<vmem>>, %arg11: memref<128xi32, #tpu.memory_space<vmem>>, %arg12: memref<128x128xf32, #tpu.memory_space<vmem>>, %arg13: memref<128x128xf32, #tpu.memory_space<vmem>>, %arg14: memref<16x128xf32, #tpu.memory_space<vmem>>, %arg15: memref<!tpu.dma_semaphore, #tpu.memory_space<semaphore_mem>>, %arg16: memref<!tpu.dma_semaphore, #tpu.memory_space<semaphore_mem>>, %arg17: memref<!tpu.dma_semaphore, #tpu.memory_space<semaphore_mem>>, %arg18: memref<!tpu.dma_semaphore, #tpu.memory_space<semaphore_mem>>) attributes {dimension_semantics = [#tpu.dimension_semantics<core_parallel>, #tpu.dimension_semantics<subcore_parallel>], iteration_bounds = array<i64: 2, 16>, scalar_prefetch = 0 : i64, scratch_operands = 13 : i64, tpu.core_type = #tpu.core_type<sc_vector_subcore>, window_params = [{transform_indices = #map}, {transform_indices = #map}, {transform_indices = #map1}, {transform_indices = #map}]} {
    %mul3A = arith.constant 1280 : i32
    %mul3A_0 = arith.muli %arg0, %mul3A : i32
    %mul3A_1 = arith.constant 80 : i32
    %mul3A_2 = arith.muli %arg1, %mul3A_1 : i32
    %add3A = arith.addi %mul3A_0, %mul3A_2 : i32
    "tpu.region"() ({
      %run_scoped3A = tpu.sem_alloc : memref<!tpu.dma_semaphore, #tpu.memory_space<semaphore_mem>>
      %dma_start3A = arith.constant 0 : i32
      %dma_start3A_31 = tpu.memref_slice %arg3[%add3A, %dma_start3A] : memref<2560x128xi32, #tpu.memory_space<hbm>> -> memref<80x128xi32, #tpu.memory_space<hbm>>
      %dma_start3A_32 = arith.constant 0 : i32
      %dma_start3A_33 = tpu.memref_slice %arg3[%add3A, %dma_start3A_32] : memref<2560x128xi32, #tpu.memory_space<hbm>> -> memref<80x128xi32, #tpu.memory_space<hbm>>
      tpu.enqueue_dma source(%dma_start3A_33 : memref<80x128xi32, #tpu.memory_space<hbm>>) target(%arg7 : memref<80x128xi32, #tpu.memory_space<vmem>>) target_semaphore(%run_scoped3A : memref<!tpu.dma_semaphore, #tpu.memory_space<semaphore_mem>>)
      %dma_wait3A = arith.constant 0 : i32
      %dma_wait3A_34 = tpu.memref_slice %arg3[%add3A, %dma_wait3A] : memref<2560x128xi32, #tpu.memory_space<hbm>> -> memref<80x128xi32, #tpu.memory_space<hbm>>
      %dma_wait3A_35 = arith.constant 0 : i32
      %dma_wait3A_36 = tpu.memref_slice %arg3[%add3A, %dma_wait3A_35] : memref<2560x128xi32, #tpu.memory_space<hbm>> -> memref<80x128xi32, #tpu.memory_space<hbm>>
      tpu.wait_dma2 semaphore(%run_scoped3A : memref<!tpu.dma_semaphore, #tpu.memory_space<semaphore_mem>>) src(%dma_wait3A_36 : memref<80x128xi32, #tpu.memory_space<hbm>>) dst(%arg7 : memref<80x128xi32, #tpu.memory_space<vmem>>)
      tpu.yield
    }) : () -> ()
    %scan3A = arith.constant 0 : i32
    %scan3A_3 = arith.constant 0 : i32
    %scan3A_4 = arith.constant 16 : i32
    %scan3A_5 = arith.addi %scan3A_3, %scan3A_4 : i32
    %scan3A_6 = arith.constant 1 : i32
    %scan3A_7 = scf.for %scan3A_31 = %scan3A_3 to %scan3A_5 step %scan3A_6 iter_args(%scan3A_32 = %scan3A) -> (i32)  : i32 {
      %scan3A_33 = arith.constant 0 : i32
      %scan3A_34 = arith.constant 0 : i32
      %scan3A_35 = arith.constant 8 : i32
      %scan3A_36 = arith.addi %scan3A_34, %scan3A_35 : i32
      %scan3A_37 = arith.constant 1 : i32
      %scan3A_38 = scf.for %scan3A_41 = %scan3A_34 to %scan3A_36 step %scan3A_37 iter_args(%scan3A_42 = %scan3A_33) -> (i32)  : i32 {
        %broadcast_in_dim3A = arith.constant 0.000000e+00 : f32
        %broadcast_in_dim3A_43 = vector.broadcast %broadcast_in_dim3A : f32 to vector<16xf32>
        %mul3A_44 = arith.constant 16 : i32
        %mul3A_45 = arith.muli %scan3A_41, %mul3A_44 : i32
        %swap3A = arith.index_cast %scan3A_31 : i32 to index
        %swap3A_46 = arith.index_cast %mul3A_45 : i32 to index
        %swap3A_47 = tpu.vector_load %arg14[%swap3A, %swap3A_46] {strides = array<i32>} : memref<16x128xf32, #tpu.memory_space<vmem>>, vector<1x16xf32>,
        %swap3A_48 = vector.shape_cast %swap3A_47 : vector<1x16xf32> to vector<16xf32>
        %swap3A_49 = vector.shape_cast %broadcast_in_dim3A_43 : vector<16xf32> to vector<1x16xf32>
        tpu.vector_store %arg14[%swap3A, %swap3A_46], %swap3A_49 {strides = array<i32>} : memref<16x128xf32, #tpu.memory_space<vmem>>, vector<1x16xf32>,
        %scan3A_50 = arith.constant 0 : i32
        scf.yield %scan3A_50 : i32
      }
      %scan3A_39 = arith.constant 8 : i32
      %scan3A_40 = arith.constant 0 : i32
      scf.yield %scan3A_40 : i32
    }
    %scan3A_8 = arith.constant 16 : i32
    %scan3A_9 = arith.constant 0 : i32
    %scan3A_10 = arith.constant 0 : i32
    %scan3A_11 = arith.constant 39 : i32
    %scan3A_12 = arith.addi %scan3A_10, %scan3A_11 : i32
    %scan3A_13 = arith.constant 1 : i32
    %scan3A_14 = scf.for %scan3A_31 = %scan3A_10 to %scan3A_12 step %scan3A_13 iter_args(%scan3A_32 = %scan3A_9) -> (i32)  : i32 {
      %mul3A_33 = arith.constant 624 : i32
      %mul3A_34 = arith.muli %arg1, %mul3A_33 : i32
      %mul3A_35 = arith.constant 16 : i32
      %mul3A_36 = arith.muli %scan3A_31, %mul3A_35 : i32
      %add3A_37 = arith.addi %mul3A_34, %mul3A_36 : i32
      "tpu.region"() ({
        %run_scoped3A = tpu.sem_alloc : memref<!tpu.dma_semaphore, #tpu.memory_space<semaphore_mem>>
        %dma_start3A = arith.constant 0 : i32
        %dma_start3A_39 = tpu.memref_slice %arg6[%add3A_37, %dma_start3A] : memref<10008x128xf32, #tpu.memory_space<vmem_shared>> -> memref<16x128xf32, #tpu.memory_space<vmem_shared>>
        %dma_start3A_40 = arith.constant 0 : i32
        %dma_start3A_41 = tpu.memref_slice %arg6[%add3A_37, %dma_start3A_40] : memref<10008x128xf32, #tpu.memory_space<vmem_shared>> -> memref<16x128xf32, #tpu.memory_space<vmem_shared>>
        tpu.enqueue_dma source(%arg14 : memref<16x128xf32, #tpu.memory_space<vmem>>) target(%dma_start3A_41 : memref<16x128xf32, #tpu.memory_space<vmem_shared>>) target_semaphore(%run_scoped3A : memref<!tpu.dma_semaphore, #tpu.memory_space<semaphore_mem>>)
        %dma_wait3A = arith.constant 0 : i32
        %dma_wait3A_42 = tpu.memref_slice %arg6[%add3A_37, %dma_wait3A] : memref<10008x128xf32, #tpu.memory_space<vmem_shared>> -> memref<16x128xf32, #tpu.memory_space<vmem_shared>>
        %dma_wait3A_43 = arith.constant 0 : i32
        %dma_wait3A_44 = tpu.memref_slice %arg6[%add3A_37, %dma_wait3A_43] : memref<10008x128xf32, #tpu.memory_space<vmem_shared>> -> memref<16x128xf32, #tpu.memory_space<vmem_shared>>
        tpu.wait_dma2 semaphore(%run_scoped3A : memref<!tpu.dma_semaphore, #tpu.memory_space<semaphore_mem>>) src(%arg14 : memref<16x128xf32, #tpu.memory_space<vmem>>) dst(%dma_wait3A_44 : memref<16x128xf32, #tpu.memory_space<vmem_shared>>)
        tpu.yield
      }) : () -> ()
      %scan3A_38 = arith.constant 0 : i32
      scf.yield %scan3A_38 : i32
    }
    %scan3A_15 = arith.constant 39 : i32
    %eq3A = arith.constant 15 : i32
    %eq3A_16 = arith.cmpi eq, %arg1, %eq3A : i32
    %convert_element_type3A = arith.extui %eq3A_16 : i1 to i32
    %cond3A = arith.constant 0 : i32
    %cond3A_17 = arith.cmpi ne, %convert_element_type3A, %cond3A : i32
    scf.if %cond3A_17 {
      "tpu.region"() ({
        %run_scoped3A = tpu.sem_alloc : memref<!tpu.dma_semaphore, #tpu.memory_space<semaphore_mem>>
        %dma_start3A = arith.constant 9984 : i32
        %dma_start3A_31 = arith.constant 0 : i32
        %dma_start3A_32 = tpu.memref_slice %arg6[%dma_start3A, %dma_start3A_31] : memref<10008x128xf32, #tpu.memory_space<vmem_shared>> -> memref<16x128xf32, #tpu.memory_space<vmem_shared>>
        %dma_start3A_33 = arith.constant 9984 : i32
        %dma_start3A_34 = arith.constant 0 : i32
        %dma_start3A_35 = tpu.memref_slice %arg6[%dma_start3A_33, %dma_start3A_34] : memref<10008x128xf32, #tpu.memory_space<vmem_shared>> -> memref<16x128xf32, #tpu.memory_space<vmem_shared>>
        tpu.enqueue_dma source(%arg14 : memref<16x128xf32, #tpu.memory_space<vmem>>) target(%dma_start3A_35 : memref<16x128xf32, #tpu.memory_space<vmem_shared>>) target_semaphore(%run_scoped3A : memref<!tpu.dma_semaphore, #tpu.memory_space<semaphore_mem>>)
        %dma_wait3A = arith.constant 9984 : i32
        %dma_wait3A_36 = arith.constant 0 : i32
        %dma_wait3A_37 = tpu.memref_slice %arg6[%dma_wait3A, %dma_wait3A_36] : memref<10008x128xf32, #tpu.memory_space<vmem_shared>> -> memref<16x128xf32, #tpu.memory_space<vmem_shared>>
        %dma_wait3A_38 = arith.constant 9984 : i32
        %dma_wait3A_39 = arith.constant 0 : i32
        %dma_wait3A_40 = tpu.memref_slice %arg6[%dma_wait3A_38, %dma_wait3A_39] : memref<10008x128xf32, #tpu.memory_space<vmem_shared>> -> memref<16x128xf32, #tpu.memory_space<vmem_shared>>
        tpu.wait_dma2 semaphore(%run_scoped3A : memref<!tpu.dma_semaphore, #tpu.memory_space<semaphore_mem>>) src(%arg14 : memref<16x128xf32, #tpu.memory_space<vmem>>) dst(%dma_wait3A_40 : memref<16x128xf32, #tpu.memory_space<vmem_shared>>)
        tpu.yield
      }) : () -> ()
    } else {
    }
    %barrier3A = arith.constant 0 : index
    tpu.barrier barrier_id(%barrier3A)
    %scan3A_18 = arith.constant 0 : i32
    %scan3A_19 = arith.constant 0 : i32
    %scan3A_20 = arith.constant 40 : i32
    %scan3A_21 = arith.addi %scan3A_19, %scan3A_20 : i32
    %scan3A_22 = arith.constant 1 : i32
    %scan3A_23 = scf.for %scan3A_31 = %scan3A_19 to %scan3A_21 step %scan3A_22 iter_args(%scan3A_32 = %scan3A_18) -> (i32)  : i32 {
      %mul3A_33 = arith.constant 2 : i32
      %mul3A_34 = arith.muli %mul3A_33, %scan3A_31 : i32
      %mul3A_35 = arith.constant 80 : i32
      %mul3A_36 = arith.muli %arg1, %mul3A_35 : i32
      %add3A_37 = arith.addi %mul3A_36, %mul3A_34 : i32
      %mul3A_38 = arith.constant 128 : i32
      %mul3A_39 = arith.muli %add3A_37, %mul3A_38 : i32
      %add3A_40 = arith.constant 128 : i32
      %add3A_41 = arith.addi %mul3A_39, %add3A_40 : i32
      %scan3A_42 = arith.constant 0 : i32
      %scan3A_43 = arith.constant 0 : i32
      %scan3A_44 = arith.constant 8 : i32
      %scan3A_45 = arith.addi %scan3A_43, %scan3A_44 : i32
      %scan3A_46 = arith.constant 1 : i32
      %scan3A_47 = scf.for %scan3A_81 = %scan3A_43 to %scan3A_45 step %scan3A_46 iter_args(%scan3A_82 = %scan3A_42) -> (i32)  : i32 {
        %mul3A_83 = arith.constant 16 : i32
        %mul3A_84 = arith.muli %scan3A_81, %mul3A_83 : i32
        %get3A = arith.index_cast %mul3A_34 : i32 to index
        %get3A_85 = arith.index_cast %mul3A_84 : i32 to index
        %get3A_86 = tpu.vector_load %arg7[%get3A, %get3A_85] {strides = array<i32>} : memref<80x128xi32, #tpu.memory_space<vmem>>, vector<1x16xi32>,
        %get3A_87 = vector.shape_cast %get3A_86 : vector<1x16xi32> to vector<16xi32>
        %mul3A_88 = arith.constant 16 : i32
        %mul3A_89 = arith.muli %scan3A_81, %mul3A_88 : i32
        %swap3A = arith.index_cast %mul3A_89 : i32 to index
        %swap3A_90 = tpu.vector_load %arg8[%swap3A] {strides = array<i32>} : memref<128xi32, #tpu.memory_space<vmem>>, vector<16xi32>,
        %swap3A_91 = vector.shape_cast %swap3A_90 : vector<16xi32> to vector<16xi32>
        %swap3A_92 = vector.shape_cast %get3A_87 : vector<16xi32> to vector<16xi32>
        tpu.vector_store %arg8[%swap3A], %swap3A_92 {strides = array<i32>} : memref<128xi32, #tpu.memory_space<vmem>>, vector<16xi32>,
        %scan3A_93 = arith.constant 0 : i32
        scf.yield %scan3A_93 : i32
      }
      %scan3A_48 = arith.constant 8 : i32
      %dma_start3A = arith.constant 0 : i32
      %dma_start3A_49 = arith.constant 0 : i32
      %dma_start3A_50 = tpu.memref_slice %arg2[%dma_start3A, %dma_start3A_49] : memref<20000x128xf32, #tpu.memory_space<hbm>> -> memref<20000x128xf32, #tpu.memory_space<hbm>>
      tpu.enqueue_indirect_dma source(%dma_start3A_50 : memref<20000x128xf32, #tpu.memory_space<hbm>>) target(%arg12 : memref<128x128xf32, #tpu.memory_space<vmem>>) offsets(%arg8 : memref<128xi32, #tpu.memory_space<vmem>>) semaphore(%arg15 : memref<!tpu.dma_semaphore, #tpu.memory_space<semaphore_mem>>)
      %add3A_51 = arith.constant 1 : i32
      %add3A_52 = arith.addi %mul3A_34, %add3A_51 : i32
      %scan3A_53 = arith.constant 0 : i32
      %scan3A_54 = arith.constant 0 : i32
      %scan3A_55 = arith.constant 8 : i32
      %scan3A_56 = arith.addi %scan3A_54, %scan3A_55 : i32
      %scan3A_57 = arith.constant 1 : i32
      %scan3A_58 = scf.for %scan3A_81 = %scan3A_54 to %scan3A_56 step %scan3A_57 iter_args(%scan3A_82 = %scan3A_53) -> (i32)  : i32 {
        %mul3A_83 = arith.constant 16 : i32
        %mul3A_84 = arith.muli %scan3A_81, %mul3A_83 : i32
        %get3A = arith.index_cast %add3A_52 : i32 to index
        %get3A_85 = arith.index_cast %mul3A_84 : i32 to index
        %get3A_86 = tpu.vector_load %arg7[%get3A, %get3A_85] {strides = array<i32>} : memref<80x128xi32, #tpu.memory_space<vmem>>, vector<1x16xi32>,
        %get3A_87 = vector.shape_cast %get3A_86 : vector<1x16xi32> to vector<16xi32>
        %mul3A_88 = arith.constant 16 : i32
        %mul3A_89 = arith.muli %scan3A_81, %mul3A_88 : i32
        %swap3A = arith.index_cast %mul3A_89 : i32 to index
        %swap3A_90 = tpu.vector_load %arg9[%swap3A] {strides = array<i32>} : memref<128xi32, #tpu.memory_space<vmem>>, vector<16xi32>,
        %swap3A_91 = vector.shape_cast %swap3A_90 : vector<16xi32> to vector<16xi32>
        %swap3A_92 = vector.shape_cast %get3A_87 : vector<16xi32> to vector<16xi32>
        tpu.vector_store %arg9[%swap3A], %swap3A_92 {strides = array<i32>} : memref<128xi32, #tpu.memory_space<vmem>>, vector<16xi32>,
        %scan3A_93 = arith.constant 0 : i32
        scf.yield %scan3A_93 : i32
      }
      %scan3A_59 = arith.constant 8 : i32
      %dma_start3A_60 = arith.constant 0 : i32
      %dma_start3A_61 = arith.constant 0 : i32
      %dma_start3A_62 = tpu.memref_slice %arg2[%dma_start3A_60, %dma_start3A_61] : memref<20000x128xf32, #tpu.memory_space<hbm>> -> memref<20000x128xf32, #tpu.memory_space<hbm>>
      tpu.enqueue_indirect_dma source(%dma_start3A_62 : memref<20000x128xf32, #tpu.memory_space<hbm>>) target(%arg13 : memref<128x128xf32, #tpu.memory_space<vmem>>) offsets(%arg9 : memref<128xi32, #tpu.memory_space<vmem>>) semaphore(%arg16 : memref<!tpu.dma_semaphore, #tpu.memory_space<semaphore_mem>>)
      "tpu.region"() ({
        %run_scoped3A = tpu.sem_alloc : memref<!tpu.dma_semaphore, #tpu.memory_space<semaphore_mem>>
        %dma_start3A_81 = tpu.memref_slice %arg4[%mul3A_39] : memref<163840xi32, #tpu.memory_space<hbm>> -> memref<128xi32, #tpu.memory_space<hbm>>
        %dma_start3A_82 = tpu.memref_slice %arg4[%mul3A_39] : memref<163840xi32, #tpu.memory_space<hbm>> -> memref<128xi32, #tpu.memory_space<hbm>>
        tpu.enqueue_dma source(%dma_start3A_82 : memref<128xi32, #tpu.memory_space<hbm>>) target(%arg10 : memref<128xi32, #tpu.memory_space<vmem>>) target_semaphore(%run_scoped3A : memref<!tpu.dma_semaphore, #tpu.memory_space<semaphore_mem>>)
        %dma_wait3A_83 = tpu.memref_slice %arg4[%mul3A_39] : memref<163840xi32, #tpu.memory_space<hbm>> -> memref<128xi32, #tpu.memory_space<hbm>>
        %dma_wait3A_84 = tpu.memref_slice %arg4[%mul3A_39] : memref<163840xi32, #tpu.memory_space<hbm>> -> memref<128xi32, #tpu.memory_space<hbm>>
        tpu.wait_dma2 semaphore(%run_scoped3A : memref<!tpu.dma_semaphore, #tpu.memory_space<semaphore_mem>>) src(%dma_wait3A_84 : memref<128xi32, #tpu.memory_space<hbm>>) dst(%arg10 : memref<128xi32, #tpu.memory_space<vmem>>)
        tpu.yield
      }) : () -> ()
      "tpu.region"() ({
        %run_scoped3A = tpu.sem_alloc : memref<!tpu.dma_semaphore, #tpu.memory_space<semaphore_mem>>
        %dma_start3A_81 = tpu.memref_slice %arg4[%add3A_41] : memref<163840xi32, #tpu.memory_space<hbm>> -> memref<128xi32, #tpu.memory_space<hbm>>
        %dma_start3A_82 = tpu.memref_slice %arg4[%add3A_41] : memref<163840xi32, #tpu.memory_space<hbm>> -> memref<128xi32, #tpu.memory_space<hbm>>
        tpu.enqueue_dma source(%dma_start3A_82 : memref<128xi32, #tpu.memory_space<hbm>>) target(%arg11 : memref<128xi32, #tpu.memory_space<vmem>>) target_semaphore(%run_scoped3A : memref<!tpu.dma_semaphore, #tpu.memory_space<semaphore_mem>>)
        %dma_wait3A_83 = tpu.memref_slice %arg4[%add3A_41] : memref<163840xi32, #tpu.memory_space<hbm>> -> memref<128xi32, #tpu.memory_space<hbm>>
        %dma_wait3A_84 = tpu.memref_slice %arg4[%add3A_41] : memref<163840xi32, #tpu.memory_space<hbm>> -> memref<128xi32, #tpu.memory_space<hbm>>
        tpu.wait_dma2 semaphore(%run_scoped3A : memref<!tpu.dma_semaphore, #tpu.memory_space<semaphore_mem>>) src(%dma_wait3A_84 : memref<128xi32, #tpu.memory_space<hbm>>) dst(%arg11 : memref<128xi32, #tpu.memory_space<vmem>>)
        tpu.yield
      }) : () -> ()
      %dma_wait3A = arith.constant 0 : i32
      %dma_wait3A_63 = arith.constant 0 : i32
      %dma_wait3A_64 = tpu.memref_slice %arg2[%dma_wait3A, %dma_wait3A_63] : memref<20000x128xf32, #tpu.memory_space<hbm>> -> memref<20000x128xf32, #tpu.memory_space<hbm>>
      tpu.wait_indirect_dma semaphore(%arg15 : memref<!tpu.dma_semaphore, #tpu.memory_space<semaphore_mem>>) src(%dma_wait3A_64 : memref<20000x128xf32, #tpu.memory_space<hbm>>) dst(%arg12 : memref<128x128xf32, #tpu.memory_space<vmem>>)
      %dma_start3A_65 = arith.constant 0 : i32
      %dma_start3A_66 = arith.constant 0 : i32
      %dma_start3A_67 = tpu.memref_slice %arg6[%dma_start3A_65, %dma_start3A_66] : memref<10008x128xf32, #tpu.memory_space<vmem_shared>> -> memref<10008x128xf32, #tpu.memory_space<vmem_shared>>
      tpu.enqueue_indirect_dma source(%arg12 : memref<128x128xf32, #tpu.memory_space<vmem>>) target(%dma_start3A_67 : memref<10008x128xf32, #tpu.memory_space<vmem_shared>>) offsets(%arg10 : memref<128xi32, #tpu.memory_space<vmem>>) semaphore(%arg17 : memref<!tpu.dma_semaphore, #tpu.memory_space<semaphore_mem>>) {add = true}
      %dma_wait3A_68 = arith.constant 0 : i32
      %dma_wait3A_69 = arith.constant 0 : i32
      %dma_wait3A_70 = tpu.memref_slice %arg2[%dma_wait3A_68, %dma_wait3A_69] : memref<20000x128xf32, #tpu.memory_space<hbm>> -> memref<20000x128xf32, #tpu.memory_space<hbm>>
      tpu.wait_indirect_dma semaphore(%arg16 : memref<!tpu.dma_semaphore, #tpu.memory_space<semaphore_mem>>) src(%dma_wait3A_70 : memref<20000x128xf32, #tpu.memory_space<hbm>>) dst(%arg13 : memref<128x128xf32, #tpu.memory_space<vmem>>)
      %dma_start3A_71 = arith.constant 0 : i32
      %dma_start3A_72 = arith.constant 0 : i32
      %dma_start3A_73 = tpu.memref_slice %arg6[%dma_start3A_71, %dma_start3A_72] : memref<10008x128xf32, #tpu.memory_space<vmem_shared>> -> memref<10008x128xf32, #tpu.memory_space<vmem_shared>>
      tpu.enqueue_indirect_dma source(%arg13 : memref<128x128xf32, #tpu.memory_space<vmem>>) target(%dma_start3A_73 : memref<10008x128xf32, #tpu.memory_space<vmem_shared>>) offsets(%arg11 : memref<128xi32, #tpu.memory_space<vmem>>) semaphore(%arg18 : memref<!tpu.dma_semaphore, #tpu.memory_space<semaphore_mem>>) {add = true}
      %dma_wait3A_74 = arith.constant 0 : i32
      %dma_wait3A_75 = arith.constant 0 : i32
      %dma_wait3A_76 = tpu.memref_slice %arg6[%dma_wait3A_74, %dma_wait3A_75] : memref<10008x128xf32, #tpu.memory_space<vmem_shared>> -> memref<10008x128xf32, #tpu.memory_space<vmem_shared>>
      tpu.wait_indirect_dma semaphore(%arg17 : memref<!tpu.dma_semaphore, #tpu.memory_space<semaphore_mem>>) src(%arg12 : memref<128x128xf32, #tpu.memory_space<vmem>>) dst(%dma_wait3A_76 : memref<10008x128xf32, #tpu.memory_space<vmem_shared>>)
      %dma_wait3A_77 = arith.constant 0 : i32
      %dma_wait3A_78 = arith.constant 0 : i32
      %dma_wait3A_79 = tpu.memref_slice %arg6[%dma_wait3A_77, %dma_wait3A_78] : memref<10008x128xf32, #tpu.memory_space<vmem_shared>> -> memref<10008x128xf32, #tpu.memory_space<vmem_shared>>
      tpu.wait_indirect_dma semaphore(%arg18 : memref<!tpu.dma_semaphore, #tpu.memory_space<semaphore_mem>>) src(%arg13 : memref<128x128xf32, #tpu.memory_space<vmem>>) dst(%dma_wait3A_79 : memref<10008x128xf32, #tpu.memory_space<vmem_shared>>)
      %scan3A_80 = arith.constant 0 : i32
      scf.yield %scan3A_80 : i32
    }
    %scan3A_24 = arith.constant 40 : i32
    %barrier3A_25 = arith.constant 0 : index
    tpu.barrier barrier_id(%barrier3A_25)
    %eq3A_26 = arith.constant 0 : i32
    %eq3A_27 = arith.cmpi eq, %arg1, %eq3A_26 : i32
    %convert_element_type3A_28 = arith.extui %eq3A_27 : i1 to i32
    %cond3A_29 = arith.constant 0 : i32
    %cond3A_30 = arith.cmpi ne, %convert_element_type3A_28, %cond3A_29 : i32
    scf.if %cond3A_30 {
      %mul3A_31 = arith.constant 10000 : i32
      %mul3A_32 = arith.muli %arg0, %mul3A_31 : i32
      "tpu.region"() ({
        %run_scoped3A = tpu.sem_alloc : memref<!tpu.dma_semaphore, #tpu.memory_space<semaphore_mem>>
        %dma_start3A = arith.constant 0 : i32
        %dma_start3A_33 = tpu.memref_slice %arg5[%mul3A_32, %dma_start3A] : memref<20000x128xf32, #tpu.memory_space<hbm>> -> memref<10000x128xf32, #tpu.memory_space<hbm>>
        %dma_start3A_34 = arith.constant 0 : i32
        %dma_start3A_35 = arith.constant 0 : i32
        %dma_start3A_36 = tpu.memref_slice %arg6[%dma_start3A_34, %dma_start3A_35] : memref<10008x128xf32, #tpu.memory_space<vmem_shared>> -> memref<10000x128xf32, #tpu.memory_space<vmem_shared>>
        tpu.enqueue_dma source(%dma_start3A_36 : memref<10000x128xf32, #tpu.memory_space<vmem_shared>>) target(%dma_start3A_33 : memref<10000x128xf32, #tpu.memory_space<hbm>>) target_semaphore(%run_scoped3A : memref<!tpu.dma_semaphore, #tpu.memory_space<semaphore_mem>>)
        %dma_wait3A = arith.constant 0 : i32
        %dma_wait3A_37 = tpu.memref_slice %arg5[%mul3A_32, %dma_wait3A] : memref<20000x128xf32, #tpu.memory_space<hbm>> -> memref<10000x128xf32, #tpu.memory_space<hbm>>
        %dma_wait3A_38 = arith.constant 0 : i32
        %dma_wait3A_39 = arith.constant 0 : i32
        %dma_wait3A_40 = tpu.memref_slice %arg6[%dma_wait3A_38, %dma_wait3A_39] : memref<10008x128xf32, #tpu.memory_space<vmem_shared>> -> memref<10000x128xf32, #tpu.memory_space<vmem_shared>>
        tpu.wait_dma2 semaphore(%run_scoped3A : memref<!tpu.dma_semaphore, #tpu.memory_space<semaphore_mem>>) src(%dma_wait3A_40 : memref<10000x128xf32, #tpu.memory_space<vmem_shared>>) dst(%dma_wait3A_37 : memref<10000x128xf32, #tpu.memory_space<hbm>>)
        tpu.yield
      }) : () -> ()
    } else {
    }
    return
  }
}

#map = affine_map<(d0, d1) -> (0, 0)>
#map1 = affine_map<(d0, d1) -> (0)>
module attributes {stable_mosaic.version = 14 : i64} {
  func.func @_sc_aggregate(%arg0: i32, %arg1: i32, %arg2: memref<20000x128xf32, #tpu.memory_space<hbm>>, %arg3: memref<2560x128xi32, #tpu.memory_space<hbm>>, %arg4: memref<163840xi32, #tpu.memory_space<hbm>>, %arg5: memref<20000x128xf32, #tpu.memory_space<hbm>>, %arg6: memref<10008x128xf32, #tpu.memory_space<vmem_shared>>, %arg7: memref<80x128xi32, #tpu.memory_space<vmem>>, %arg8: memref<128xi32, #tpu.memory_space<vmem>>, %arg9: memref<128xi32, #tpu.memory_space<vmem>>, %arg10: memref<128xi32, #tpu.memory_space<vmem>>, %arg11: memref<128xi32, #tpu.memory_space<vmem>>, %arg12: memref<128x128xf32, #tpu.memory_space<vmem>>, %arg13: memref<128x128xf32, #tpu.memory_space<vmem>>, %arg14: memref<16x128xf32, #tpu.memory_space<vmem>>, %arg15: memref<!tpu.dma_semaphore, #tpu.memory_space<semaphore_mem>>, %arg16: memref<!tpu.dma_semaphore, #tpu.memory_space<semaphore_mem>>, %arg17: memref<!tpu.dma_semaphore, #tpu.memory_space<semaphore_mem>>, %arg18: memref<!tpu.dma_semaphore, #tpu.memory_space<semaphore_mem>>) attributes {dimension_semantics = [#tpu.dimension_semantics<core_parallel>, #tpu.dimension_semantics<subcore_parallel>], iteration_bounds = array<i64: 2, 16>, scalar_prefetch = 0 : i64, scratch_operands = 13 : i64, tpu.core_type = #tpu.core_type<sc_vector_subcore>, window_params = [{transform_indices = #map}, {transform_indices = #map}, {transform_indices = #map1}, {transform_indices = #map}]} {
    %mul3A = arith.constant 1280 : i32
    %mul3A_0 = arith.muli %arg0, %mul3A : i32
    %mul3A_1 = arith.constant 80 : i32
    %mul3A_2 = arith.muli %arg1, %mul3A_1 : i32
    %add3A = arith.addi %mul3A_0, %mul3A_2 : i32
    "tpu.region"() ({
      %run_scoped3A = tpu.sem_alloc : memref<!tpu.dma_semaphore, #tpu.memory_space<semaphore_mem>>
      %dma_start3A = arith.constant 0 : i32
      %dma_start3A_31 = tpu.memref_slice %arg3[%add3A, %dma_start3A] : memref<2560x128xi32, #tpu.memory_space<hbm>> -> memref<80x128xi32, #tpu.memory_space<hbm>>
      %dma_start3A_32 = arith.constant 0 : i32
      %dma_start3A_33 = tpu.memref_slice %arg3[%add3A, %dma_start3A_32] : memref<2560x128xi32, #tpu.memory_space<hbm>> -> memref<80x128xi32, #tpu.memory_space<hbm>>
      tpu.enqueue_dma source(%dma_start3A_33 : memref<80x128xi32, #tpu.memory_space<hbm>>) target(%arg7 : memref<80x128xi32, #tpu.memory_space<vmem>>) target_semaphore(%run_scoped3A : memref<!tpu.dma_semaphore, #tpu.memory_space<semaphore_mem>>)
      %dma_wait3A = arith.constant 0 : i32
      %dma_wait3A_34 = tpu.memref_slice %arg3[%add3A, %dma_wait3A] : memref<2560x128xi32, #tpu.memory_space<hbm>> -> memref<80x128xi32, #tpu.memory_space<hbm>>
      %dma_wait3A_35 = arith.constant 0 : i32
      %dma_wait3A_36 = tpu.memref_slice %arg3[%add3A, %dma_wait3A_35] : memref<2560x128xi32, #tpu.memory_space<hbm>> -> memref<80x128xi32, #tpu.memory_space<hbm>>
      tpu.wait_dma2 semaphore(%run_scoped3A : memref<!tpu.dma_semaphore, #tpu.memory_space<semaphore_mem>>) src(%dma_wait3A_36 : memref<80x128xi32, #tpu.memory_space<hbm>>) dst(%arg7 : memref<80x128xi32, #tpu.memory_space<vmem>>)
      tpu.yield
    }) : () -> ()
    %scan3A = arith.constant 0 : i32
    %scan3A_3 = arith.constant 0 : i32
    %scan3A_4 = arith.constant 16 : i32
    %scan3A_5 = arith.addi %scan3A_3, %scan3A_4 : i32
    %scan3A_6 = arith.constant 1 : i32
    %scan3A_7 = scf.for %scan3A_31 = %scan3A_3 to %scan3A_5 step %scan3A_6 iter_args(%scan3A_32 = %scan3A) -> (i32)  : i32 {
      %scan3A_33 = arith.constant 0 : i32
      %scan3A_34 = arith.constant 0 : i32
      %scan3A_35 = arith.constant 8 : i32
      %scan3A_36 = arith.addi %scan3A_34, %scan3A_35 : i32
      %scan3A_37 = arith.constant 1 : i32
      %scan3A_38 = scf.for %scan3A_41 = %scan3A_34 to %scan3A_36 step %scan3A_37 iter_args(%scan3A_42 = %scan3A_33) -> (i32)  : i32 {
        %broadcast_in_dim3A = arith.constant 0.000000e+00 : f32
        %broadcast_in_dim3A_43 = vector.broadcast %broadcast_in_dim3A : f32 to vector<16xf32>
        %mul3A_44 = arith.constant 16 : i32
        %mul3A_45 = arith.muli %scan3A_41, %mul3A_44 : i32
        %swap3A = arith.index_cast %scan3A_31 : i32 to index
        %swap3A_46 = arith.index_cast %mul3A_45 : i32 to index
        %swap3A_47 = tpu.vector_load %arg14[%swap3A, %swap3A_46] {strides = array<i32>} : memref<16x128xf32, #tpu.memory_space<vmem>>, vector<1x16xf32>,
        %swap3A_48 = vector.shape_cast %swap3A_47 : vector<1x16xf32> to vector<16xf32>
        %swap3A_49 = vector.shape_cast %broadcast_in_dim3A_43 : vector<16xf32> to vector<1x16xf32>
        tpu.vector_store %arg14[%swap3A, %swap3A_46], %swap3A_49 {strides = array<i32>} : memref<16x128xf32, #tpu.memory_space<vmem>>, vector<1x16xf32>,
        %scan3A_50 = arith.constant 0 : i32
        scf.yield %scan3A_50 : i32
      }
      %scan3A_39 = arith.constant 8 : i32
      %scan3A_40 = arith.constant 0 : i32
      scf.yield %scan3A_40 : i32
    }
    %scan3A_8 = arith.constant 16 : i32
    %scan3A_9 = arith.constant 0 : i32
    %scan3A_10 = arith.constant 0 : i32
    %scan3A_11 = arith.constant 39 : i32
    %scan3A_12 = arith.addi %scan3A_10, %scan3A_11 : i32
    %scan3A_13 = arith.constant 1 : i32
    %scan3A_14 = scf.for %scan3A_31 = %scan3A_10 to %scan3A_12 step %scan3A_13 iter_args(%scan3A_32 = %scan3A_9) -> (i32)  : i32 {
      %mul3A_33 = arith.constant 624 : i32
      %mul3A_34 = arith.muli %arg1, %mul3A_33 : i32
      %mul3A_35 = arith.constant 16 : i32
      %mul3A_36 = arith.muli %scan3A_31, %mul3A_35 : i32
      %add3A_37 = arith.addi %mul3A_34, %mul3A_36 : i32
      "tpu.region"() ({
        %run_scoped3A = tpu.sem_alloc : memref<!tpu.dma_semaphore, #tpu.memory_space<semaphore_mem>>
        %dma_start3A = arith.constant 0 : i32
        %dma_start3A_39 = tpu.memref_slice %arg6[%add3A_37, %dma_start3A] : memref<10008x128xf32, #tpu.memory_space<vmem_shared>> -> memref<16x128xf32, #tpu.memory_space<vmem_shared>>
        %dma_start3A_40 = arith.constant 0 : i32
        %dma_start3A_41 = tpu.memref_slice %arg6[%add3A_37, %dma_start3A_40] : memref<10008x128xf32, #tpu.memory_space<vmem_shared>> -> memref<16x128xf32, #tpu.memory_space<vmem_shared>>
        tpu.enqueue_dma source(%arg14 : memref<16x128xf32, #tpu.memory_space<vmem>>) target(%dma_start3A_41 : memref<16x128xf32, #tpu.memory_space<vmem_shared>>) target_semaphore(%run_scoped3A : memref<!tpu.dma_semaphore, #tpu.memory_space<semaphore_mem>>)
        %dma_wait3A = arith.constant 0 : i32
        %dma_wait3A_42 = tpu.memref_slice %arg6[%add3A_37, %dma_wait3A] : memref<10008x128xf32, #tpu.memory_space<vmem_shared>> -> memref<16x128xf32, #tpu.memory_space<vmem_shared>>
        %dma_wait3A_43 = arith.constant 0 : i32
        %dma_wait3A_44 = tpu.memref_slice %arg6[%add3A_37, %dma_wait3A_43] : memref<10008x128xf32, #tpu.memory_space<vmem_shared>> -> memref<16x128xf32, #tpu.memory_space<vmem_shared>>
        tpu.wait_dma2 semaphore(%run_scoped3A : memref<!tpu.dma_semaphore, #tpu.memory_space<semaphore_mem>>) src(%arg14 : memref<16x128xf32, #tpu.memory_space<vmem>>) dst(%dma_wait3A_44 : memref<16x128xf32, #tpu.memory_space<vmem_shared>>)
        tpu.yield
      }) : () -> ()
      %scan3A_38 = arith.constant 0 : i32
      scf.yield %scan3A_38 : i32
    }
    %scan3A_15 = arith.constant 39 : i32
    %eq3A = arith.constant 15 : i32
    %eq3A_16 = arith.cmpi eq, %arg1, %eq3A : i32
    %convert_element_type3A = arith.extui %eq3A_16 : i1 to i32
    %cond3A = arith.constant 0 : i32
    %cond3A_17 = arith.cmpi ne, %convert_element_type3A, %cond3A : i32
    scf.if %cond3A_17 {
      "tpu.region"() ({
        %run_scoped3A = tpu.sem_alloc : memref<!tpu.dma_semaphore, #tpu.memory_space<semaphore_mem>>
        %dma_start3A = arith.constant 9984 : i32
        %dma_start3A_31 = arith.constant 0 : i32
        %dma_start3A_32 = tpu.memref_slice %arg6[%dma_start3A, %dma_start3A_31] : memref<10008x128xf32, #tpu.memory_space<vmem_shared>> -> memref<16x128xf32, #tpu.memory_space<vmem_shared>>
        %dma_start3A_33 = arith.constant 9984 : i32
        %dma_start3A_34 = arith.constant 0 : i32
        %dma_start3A_35 = tpu.memref_slice %arg6[%dma_start3A_33, %dma_start3A_34] : memref<10008x128xf32, #tpu.memory_space<vmem_shared>> -> memref<16x128xf32, #tpu.memory_space<vmem_shared>>
        tpu.enqueue_dma source(%arg14 : memref<16x128xf32, #tpu.memory_space<vmem>>) target(%dma_start3A_35 : memref<16x128xf32, #tpu.memory_space<vmem_shared>>) target_semaphore(%run_scoped3A : memref<!tpu.dma_semaphore, #tpu.memory_space<semaphore_mem>>)
        %dma_wait3A = arith.constant 9984 : i32
        %dma_wait3A_36 = arith.constant 0 : i32
        %dma_wait3A_37 = tpu.memref_slice %arg6[%dma_wait3A, %dma_wait3A_36] : memref<10008x128xf32, #tpu.memory_space<vmem_shared>> -> memref<16x128xf32, #tpu.memory_space<vmem_shared>>
        %dma_wait3A_38 = arith.constant 9984 : i32
        %dma_wait3A_39 = arith.constant 0 : i32
        %dma_wait3A_40 = tpu.memref_slice %arg6[%dma_wait3A_38, %dma_wait3A_39] : memref<10008x128xf32, #tpu.memory_space<vmem_shared>> -> memref<16x128xf32, #tpu.memory_space<vmem_shared>>
        tpu.wait_dma2 semaphore(%run_scoped3A : memref<!tpu.dma_semaphore, #tpu.memory_space<semaphore_mem>>) src(%arg14 : memref<16x128xf32, #tpu.memory_space<vmem>>) dst(%dma_wait3A_40 : memref<16x128xf32, #tpu.memory_space<vmem_shared>>)
        tpu.yield
      }) : () -> ()
    } else {
    }
    %barrier3A = arith.constant 0 : index
    tpu.barrier barrier_id(%barrier3A)
    %scan3A_18 = arith.constant 0 : i32
    %scan3A_19 = arith.constant 0 : i32
    %scan3A_20 = arith.constant 40 : i32
    %scan3A_21 = arith.addi %scan3A_19, %scan3A_20 : i32
    %scan3A_22 = arith.constant 1 : i32
    %scan3A_23 = scf.for %scan3A_31 = %scan3A_19 to %scan3A_21 step %scan3A_22 iter_args(%scan3A_32 = %scan3A_18) -> (i32)  : i32 {
      %mul3A_33 = arith.constant 2 : i32
      %mul3A_34 = arith.muli %mul3A_33, %scan3A_31 : i32
      %mul3A_35 = arith.constant 80 : i32
      %mul3A_36 = arith.muli %arg1, %mul3A_35 : i32
      %add3A_37 = arith.addi %mul3A_36, %mul3A_34 : i32
      %mul3A_38 = arith.constant 128 : i32
      %mul3A_39 = arith.muli %add3A_37, %mul3A_38 : i32
      %add3A_40 = arith.constant 128 : i32
      %add3A_41 = arith.addi %mul3A_39, %add3A_40 : i32
      %scan3A_42 = arith.constant 0 : i32
      %scan3A_43 = arith.constant 0 : i32
      %scan3A_44 = arith.constant 8 : i32
      %scan3A_45 = arith.addi %scan3A_43, %scan3A_44 : i32
      %scan3A_46 = arith.constant 1 : i32
      %scan3A_47 = scf.for %scan3A_81 = %scan3A_43 to %scan3A_45 step %scan3A_46 iter_args(%scan3A_82 = %scan3A_42) -> (i32)  : i32 {
        %mul3A_83 = arith.constant 16 : i32
        %mul3A_84 = arith.muli %scan3A_81, %mul3A_83 : i32
        %get3A = arith.index_cast %mul3A_34 : i32 to index
        %get3A_85 = arith.index_cast %mul3A_84 : i32 to index
        %get3A_86 = tpu.vector_load %arg7[%get3A, %get3A_85] {strides = array<i32>} : memref<80x128xi32, #tpu.memory_space<vmem>>, vector<1x16xi32>,
        %get3A_87 = vector.shape_cast %get3A_86 : vector<1x16xi32> to vector<16xi32>
        %mul3A_88 = arith.constant 16 : i32
        %mul3A_89 = arith.muli %scan3A_81, %mul3A_88 : i32
        %swap3A = arith.index_cast %mul3A_89 : i32 to index
        %swap3A_90 = tpu.vector_load %arg8[%swap3A] {strides = array<i32>} : memref<128xi32, #tpu.memory_space<vmem>>, vector<16xi32>,
        %swap3A_91 = vector.shape_cast %swap3A_90 : vector<16xi32> to vector<16xi32>
        %swap3A_92 = vector.shape_cast %get3A_87 : vector<16xi32> to vector<16xi32>
        tpu.vector_store %arg8[%swap3A], %swap3A_92 {strides = array<i32>} : memref<128xi32, #tpu.memory_space<vmem>>, vector<16xi32>,
        %scan3A_93 = arith.constant 0 : i32
        scf.yield %scan3A_93 : i32
      }
      %scan3A_48 = arith.constant 8 : i32
      %dma_start3A = arith.constant 0 : i32
      %dma_start3A_49 = arith.constant 0 : i32
      %dma_start3A_50 = tpu.memref_slice %arg2[%dma_start3A, %dma_start3A_49] : memref<20000x128xf32, #tpu.memory_space<hbm>> -> memref<20000x128xf32, #tpu.memory_space<hbm>>
      tpu.enqueue_indirect_dma source(%dma_start3A_50 : memref<20000x128xf32, #tpu.memory_space<hbm>>) target(%arg12 : memref<128x128xf32, #tpu.memory_space<vmem>>) offsets(%arg8 : memref<128xi32, #tpu.memory_space<vmem>>) semaphore(%arg15 : memref<!tpu.dma_semaphore, #tpu.memory_space<semaphore_mem>>)
      %add3A_51 = arith.constant 1 : i32
      %add3A_52 = arith.addi %mul3A_34, %add3A_51 : i32
      %scan3A_53 = arith.constant 0 : i32
      %scan3A_54 = arith.constant 0 : i32
      %scan3A_55 = arith.constant 8 : i32
      %scan3A_56 = arith.addi %scan3A_54, %scan3A_55 : i32
      %scan3A_57 = arith.constant 1 : i32
      %scan3A_58 = scf.for %scan3A_81 = %scan3A_54 to %scan3A_56 step %scan3A_57 iter_args(%scan3A_82 = %scan3A_53) -> (i32)  : i32 {
        %mul3A_83 = arith.constant 16 : i32
        %mul3A_84 = arith.muli %scan3A_81, %mul3A_83 : i32
        %get3A = arith.index_cast %add3A_52 : i32 to index
        %get3A_85 = arith.index_cast %mul3A_84 : i32 to index
        %get3A_86 = tpu.vector_load %arg7[%get3A, %get3A_85] {strides = array<i32>} : memref<80x128xi32, #tpu.memory_space<vmem>>, vector<1x16xi32>,
        %get3A_87 = vector.shape_cast %get3A_86 : vector<1x16xi32> to vector<16xi32>
        %mul3A_88 = arith.constant 16 : i32
        %mul3A_89 = arith.muli %scan3A_81, %mul3A_88 : i32
        %swap3A = arith.index_cast %mul3A_89 : i32 to index
        %swap3A_90 = tpu.vector_load %arg9[%swap3A] {strides = array<i32>} : memref<128xi32, #tpu.memory_space<vmem>>, vector<16xi32>,
        %swap3A_91 = vector.shape_cast %swap3A_90 : vector<16xi32> to vector<16xi32>
        %swap3A_92 = vector.shape_cast %get3A_87 : vector<16xi32> to vector<16xi32>
        tpu.vector_store %arg9[%swap3A], %swap3A_92 {strides = array<i32>} : memref<128xi32, #tpu.memory_space<vmem>>, vector<16xi32>,
        %scan3A_93 = arith.constant 0 : i32
        scf.yield %scan3A_93 : i32
      }
      %scan3A_59 = arith.constant 8 : i32
      %dma_start3A_60 = arith.constant 0 : i32
      %dma_start3A_61 = arith.constant 0 : i32
      %dma_start3A_62 = tpu.memref_slice %arg2[%dma_start3A_60, %dma_start3A_61] : memref<20000x128xf32, #tpu.memory_space<hbm>> -> memref<20000x128xf32, #tpu.memory_space<hbm>>
      tpu.enqueue_indirect_dma source(%dma_start3A_62 : memref<20000x128xf32, #tpu.memory_space<hbm>>) target(%arg13 : memref<128x128xf32, #tpu.memory_space<vmem>>) offsets(%arg9 : memref<128xi32, #tpu.memory_space<vmem>>) semaphore(%arg16 : memref<!tpu.dma_semaphore, #tpu.memory_space<semaphore_mem>>)
      "tpu.region"() ({
        %run_scoped3A = tpu.sem_alloc : memref<!tpu.dma_semaphore, #tpu.memory_space<semaphore_mem>>
        %dma_start3A_81 = tpu.memref_slice %arg4[%mul3A_39] : memref<163840xi32, #tpu.memory_space<hbm>> -> memref<128xi32, #tpu.memory_space<hbm>>
        %dma_start3A_82 = tpu.memref_slice %arg4[%mul3A_39] : memref<163840xi32, #tpu.memory_space<hbm>> -> memref<128xi32, #tpu.memory_space<hbm>>
        tpu.enqueue_dma source(%dma_start3A_82 : memref<128xi32, #tpu.memory_space<hbm>>) target(%arg10 : memref<128xi32, #tpu.memory_space<vmem>>) target_semaphore(%run_scoped3A : memref<!tpu.dma_semaphore, #tpu.memory_space<semaphore_mem>>)
        %dma_wait3A_83 = tpu.memref_slice %arg4[%mul3A_39] : memref<163840xi32, #tpu.memory_space<hbm>> -> memref<128xi32, #tpu.memory_space<hbm>>
        %dma_wait3A_84 = tpu.memref_slice %arg4[%mul3A_39] : memref<163840xi32, #tpu.memory_space<hbm>> -> memref<128xi32, #tpu.memory_space<hbm>>
        tpu.wait_dma2 semaphore(%run_scoped3A : memref<!tpu.dma_semaphore, #tpu.memory_space<semaphore_mem>>) src(%dma_wait3A_84 : memref<128xi32, #tpu.memory_space<hbm>>) dst(%arg10 : memref<128xi32, #tpu.memory_space<vmem>>)
        tpu.yield
      }) : () -> ()
      "tpu.region"() ({
        %run_scoped3A = tpu.sem_alloc : memref<!tpu.dma_semaphore, #tpu.memory_space<semaphore_mem>>
        %dma_start3A_81 = tpu.memref_slice %arg4[%add3A_41] : memref<163840xi32, #tpu.memory_space<hbm>> -> memref<128xi32, #tpu.memory_space<hbm>>
        %dma_start3A_82 = tpu.memref_slice %arg4[%add3A_41] : memref<163840xi32, #tpu.memory_space<hbm>> -> memref<128xi32, #tpu.memory_space<hbm>>
        tpu.enqueue_dma source(%dma_start3A_82 : memref<128xi32, #tpu.memory_space<hbm>>) target(%arg11 : memref<128xi32, #tpu.memory_space<vmem>>) target_semaphore(%run_scoped3A : memref<!tpu.dma_semaphore, #tpu.memory_space<semaphore_mem>>)
        %dma_wait3A_83 = tpu.memref_slice %arg4[%add3A_41] : memref<163840xi32, #tpu.memory_space<hbm>> -> memref<128xi32, #tpu.memory_space<hbm>>
        %dma_wait3A_84 = tpu.memref_slice %arg4[%add3A_41] : memref<163840xi32, #tpu.memory_space<hbm>> -> memref<128xi32, #tpu.memory_space<hbm>>
        tpu.wait_dma2 semaphore(%run_scoped3A : memref<!tpu.dma_semaphore, #tpu.memory_space<semaphore_mem>>) src(%dma_wait3A_84 : memref<128xi32, #tpu.memory_space<hbm>>) dst(%arg11 : memref<128xi32, #tpu.memory_space<vmem>>)
        tpu.yield
      }) : () -> ()
      %dma_wait3A = arith.constant 0 : i32
      %dma_wait3A_63 = arith.constant 0 : i32
      %dma_wait3A_64 = tpu.memref_slice %arg2[%dma_wait3A, %dma_wait3A_63] : memref<20000x128xf32, #tpu.memory_space<hbm>> -> memref<20000x128xf32, #tpu.memory_space<hbm>>
      tpu.wait_indirect_dma semaphore(%arg15 : memref<!tpu.dma_semaphore, #tpu.memory_space<semaphore_mem>>) src(%dma_wait3A_64 : memref<20000x128xf32, #tpu.memory_space<hbm>>) dst(%arg12 : memref<128x128xf32, #tpu.memory_space<vmem>>)
      %dma_start3A_65 = arith.constant 0 : i32
      %dma_start3A_66 = arith.constant 0 : i32
      %dma_start3A_67 = tpu.memref_slice %arg6[%dma_start3A_65, %dma_start3A_66] : memref<10008x128xf32, #tpu.memory_space<vmem_shared>> -> memref<10008x128xf32, #tpu.memory_space<vmem_shared>>
      tpu.enqueue_indirect_dma source(%arg12 : memref<128x128xf32, #tpu.memory_space<vmem>>) target(%dma_start3A_67 : memref<10008x128xf32, #tpu.memory_space<vmem_shared>>) offsets(%arg10 : memref<128xi32, #tpu.memory_space<vmem>>) semaphore(%arg17 : memref<!tpu.dma_semaphore, #tpu.memory_space<semaphore_mem>>) {add = true}
      %dma_wait3A_68 = arith.constant 0 : i32
      %dma_wait3A_69 = arith.constant 0 : i32
      %dma_wait3A_70 = tpu.memref_slice %arg2[%dma_wait3A_68, %dma_wait3A_69] : memref<20000x128xf32, #tpu.memory_space<hbm>> -> memref<20000x128xf32, #tpu.memory_space<hbm>>
      tpu.wait_indirect_dma semaphore(%arg16 : memref<!tpu.dma_semaphore, #tpu.memory_space<semaphore_mem>>) src(%dma_wait3A_70 : memref<20000x128xf32, #tpu.memory_space<hbm>>) dst(%arg13 : memref<128x128xf32, #tpu.memory_space<vmem>>)
      %dma_start3A_71 = arith.constant 0 : i32
      %dma_start3A_72 = arith.constant 0 : i32
      %dma_start3A_73 = tpu.memref_slice %arg6[%dma_start3A_71, %dma_start3A_72] : memref<10008x128xf32, #tpu.memory_space<vmem_shared>> -> memref<10008x128xf32, #tpu.memory_space<vmem_shared>>
      tpu.enqueue_indirect_dma source(%arg13 : memref<128x128xf32, #tpu.memory_space<vmem>>) target(%dma_start3A_73 : memref<10008x128xf32, #tpu.memory_space<vmem_shared>>) offsets(%arg11 : memref<128xi32, #tpu.memory_space<vmem>>) semaphore(%arg18 : memref<!tpu.dma_semaphore, #tpu.memory_space<semaphore_mem>>) {add = true}
      %dma_wait3A_74 = arith.constant 0 : i32
      %dma_wait3A_75 = arith.constant 0 : i32
      %dma_wait3A_76 = tpu.memref_slice %arg6[%dma_wait3A_74, %dma_wait3A_75] : memref<10008x128xf32, #tpu.memory_space<vmem_shared>> -> memref<10008x128xf32, #tpu.memory_space<vmem_shared>>
      tpu.wait_indirect_dma semaphore(%arg17 : memref<!tpu.dma_semaphore, #tpu.memory_space<semaphore_mem>>) src(%arg12 : memref<128x128xf32, #tpu.memory_space<vmem>>) dst(%dma_wait3A_76 : memref<10008x128xf32, #tpu.memory_space<vmem_shared>>)
      %dma_wait3A_77 = arith.constant 0 : i32
      %dma_wait3A_78 = arith.constant 0 : i32
      %dma_wait3A_79 = tpu.memref_slice %arg6[%dma_wait3A_77, %dma_wait3A_78] : memref<10008x128xf32, #tpu.memory_space<vmem_shared>> -> memref<10008x128xf32, #tpu.memory_space<vmem_shared>>
      tpu.wait_indirect_dma semaphore(%arg18 : memref<!tpu.dma_semaphore, #tpu.memory_space<semaphore_mem>>) src(%arg13 : memref<128x128xf32, #tpu.memory_space<vmem>>) dst(%dma_wait3A_79 : memref<10008x128xf32, #tpu.memory_space<vmem_shared>>)
      %scan3A_80 = arith.constant 0 : i32
      scf.yield %scan3A_80 : i32
    }
    %scan3A_24 = arith.constant 40 : i32
    %barrier3A_25 = arith.constant 0 : index
    tpu.barrier barrier_id(%barrier3A_25)
    %eq3A_26 = arith.constant 0 : i32
    %eq3A_27 = arith.cmpi eq, %arg1, %eq3A_26 : i32
    %convert_element_type3A_28 = arith.extui %eq3A_27 : i1 to i32
    %cond3A_29 = arith.constant 0 : i32
    %cond3A_30 = arith.cmpi ne, %convert_element_type3A_28, %cond3A_29 : i32
    scf.if %cond3A_30 {
      %mul3A_31 = arith.constant 10000 : i32
      %mul3A_32 = arith.muli %arg0, %mul3A_31 : i32
      "tpu.region"() ({
        %run_scoped3A = tpu.sem_alloc : memref<!tpu.dma_semaphore, #tpu.memory_space<semaphore_mem>>
        %dma_start3A = arith.constant 0 : i32
        %dma_start3A_33 = tpu.memref_slice %arg5[%mul3A_32, %dma_start3A] : memref<20000x128xf32, #tpu.memory_space<hbm>> -> memref<10000x128xf32, #tpu.memory_space<hbm>>
        %dma_start3A_34 = arith.constant 0 : i32
        %dma_start3A_35 = arith.constant 0 : i32
        %dma_start3A_36 = tpu.memref_slice %arg6[%dma_start3A_34, %dma_start3A_35] : memref<10008x128xf32, #tpu.memory_space<vmem_shared>> -> memref<10000x128xf32, #tpu.memory_space<vmem_shared>>
        tpu.enqueue_dma source(%dma_start3A_36 : memref<10000x128xf32, #tpu.memory_space<vmem_shared>>) target(%dma_start3A_33 : memref<10000x128xf32, #tpu.memory_space<hbm>>) target_semaphore(%run_scoped3A : memref<!tpu.dma_semaphore, #tpu.memory_space<semaphore_mem>>)
        %dma_wait3A = arith.constant 0 : i32
        %dma_wait3A_37 = tpu.memref_slice %arg5[%mul3A_32, %dma_wait3A] : memref<20000x128xf32, #tpu.memory_space<hbm>> -> memref<10000x128xf32, #tpu.memory_space<hbm>>
        %dma_wait3A_38 = arith.constant 0 : i32
        %dma_wait3A_39 = arith.constant 0 : i32
        %dma_wait3A_40 = tpu.memref_slice %arg6[%dma_wait3A_38, %dma_wait3A_39] : memref<10008x128xf32, #tpu.memory_space<vmem_shared>> -> memref<10000x128xf32, #tpu.memory_space<vmem_shared>>
        tpu.wait_dma2 semaphore(%run_scoped3A : memref<!tpu.dma_semaphore, #tpu.memory_space<semaphore_mem>>) src(%dma_wait3A_40 : memref<10000x128xf32, #tpu.memory_space<vmem_shared>>) dst(%dma_wait3A_37 : memref<10000x128xf32, #tpu.memory_space<hbm>>)
        tpu.yield
      }) : () -> ()
    } else {
    }
    return
  }
}

#map = affine_map<(d0, d1) -> (0, 0)>
#map1 = affine_map<(d0, d1) -> (0)>
module attributes {stable_mosaic.version = 14 : i64} {
  func.func @_sc_aggregate(%arg0: i32, %arg1: i32, %arg2: memref<20000x128xf32, #tpu.memory_space<hbm>>, %arg3: memref<2560x128xi32, #tpu.memory_space<hbm>>, %arg4: memref<163840xi32, #tpu.memory_space<hbm>>, %arg5: memref<20000x128xf32, #tpu.memory_space<hbm>>, %arg6: memref<10008x128xf32, #tpu.memory_space<vmem_shared>>, %arg7: memref<80x128xi32, #tpu.memory_space<vmem>>, %arg8: memref<128xi32, #tpu.memory_space<vmem>>, %arg9: memref<128xi32, #tpu.memory_space<vmem>>, %arg10: memref<128xi32, #tpu.memory_space<vmem>>, %arg11: memref<128xi32, #tpu.memory_space<vmem>>, %arg12: memref<128x128xf32, #tpu.memory_space<vmem>>, %arg13: memref<128x128xf32, #tpu.memory_space<vmem>>, %arg14: memref<16x128xf32, #tpu.memory_space<vmem>>, %arg15: memref<!tpu.dma_semaphore, #tpu.memory_space<semaphore_mem>>, %arg16: memref<!tpu.dma_semaphore, #tpu.memory_space<semaphore_mem>>, %arg17: memref<!tpu.dma_semaphore, #tpu.memory_space<semaphore_mem>>, %arg18: memref<!tpu.dma_semaphore, #tpu.memory_space<semaphore_mem>>) attributes {dimension_semantics = [#tpu.dimension_semantics<core_parallel>, #tpu.dimension_semantics<subcore_parallel>], iteration_bounds = array<i64: 2, 16>, scalar_prefetch = 0 : i64, scratch_operands = 13 : i64, tpu.core_type = #tpu.core_type<sc_vector_subcore>, window_params = [{transform_indices = #map}, {transform_indices = #map}, {transform_indices = #map1}, {transform_indices = #map}]} {
    %mul3A = arith.constant 1280 : i32
    %mul3A_0 = arith.muli %arg0, %mul3A : i32
    %mul3A_1 = arith.constant 80 : i32
    %mul3A_2 = arith.muli %arg1, %mul3A_1 : i32
    %add3A = arith.addi %mul3A_0, %mul3A_2 : i32
    "tpu.region"() ({
      %run_scoped3A = tpu.sem_alloc : memref<!tpu.dma_semaphore, #tpu.memory_space<semaphore_mem>>
      %dma_start3A = arith.constant 0 : i32
      %dma_start3A_31 = tpu.memref_slice %arg3[%add3A, %dma_start3A] : memref<2560x128xi32, #tpu.memory_space<hbm>> -> memref<80x128xi32, #tpu.memory_space<hbm>>
      %dma_start3A_32 = arith.constant 0 : i32
      %dma_start3A_33 = tpu.memref_slice %arg3[%add3A, %dma_start3A_32] : memref<2560x128xi32, #tpu.memory_space<hbm>> -> memref<80x128xi32, #tpu.memory_space<hbm>>
      tpu.enqueue_dma source(%dma_start3A_33 : memref<80x128xi32, #tpu.memory_space<hbm>>) target(%arg7 : memref<80x128xi32, #tpu.memory_space<vmem>>) target_semaphore(%run_scoped3A : memref<!tpu.dma_semaphore, #tpu.memory_space<semaphore_mem>>)
      %dma_wait3A = arith.constant 0 : i32
      %dma_wait3A_34 = tpu.memref_slice %arg3[%add3A, %dma_wait3A] : memref<2560x128xi32, #tpu.memory_space<hbm>> -> memref<80x128xi32, #tpu.memory_space<hbm>>
      %dma_wait3A_35 = arith.constant 0 : i32
      %dma_wait3A_36 = tpu.memref_slice %arg3[%add3A, %dma_wait3A_35] : memref<2560x128xi32, #tpu.memory_space<hbm>> -> memref<80x128xi32, #tpu.memory_space<hbm>>
      tpu.wait_dma2 semaphore(%run_scoped3A : memref<!tpu.dma_semaphore, #tpu.memory_space<semaphore_mem>>) src(%dma_wait3A_36 : memref<80x128xi32, #tpu.memory_space<hbm>>) dst(%arg7 : memref<80x128xi32, #tpu.memory_space<vmem>>)
      tpu.yield
    }) : () -> ()
    %scan3A = arith.constant 0 : i32
    %scan3A_3 = arith.constant 0 : i32
    %scan3A_4 = arith.constant 16 : i32
    %scan3A_5 = arith.addi %scan3A_3, %scan3A_4 : i32
    %scan3A_6 = arith.constant 1 : i32
    %scan3A_7 = scf.for %scan3A_31 = %scan3A_3 to %scan3A_5 step %scan3A_6 iter_args(%scan3A_32 = %scan3A) -> (i32)  : i32 {
      %scan3A_33 = arith.constant 0 : i32
      %scan3A_34 = arith.constant 0 : i32
      %scan3A_35 = arith.constant 8 : i32
      %scan3A_36 = arith.addi %scan3A_34, %scan3A_35 : i32
      %scan3A_37 = arith.constant 1 : i32
      %scan3A_38 = scf.for %scan3A_41 = %scan3A_34 to %scan3A_36 step %scan3A_37 iter_args(%scan3A_42 = %scan3A_33) -> (i32)  : i32 {
        %broadcast_in_dim3A = arith.constant 0.000000e+00 : f32
        %broadcast_in_dim3A_43 = vector.broadcast %broadcast_in_dim3A : f32 to vector<16xf32>
        %mul3A_44 = arith.constant 16 : i32
        %mul3A_45 = arith.muli %scan3A_41, %mul3A_44 : i32
        %swap3A = arith.index_cast %scan3A_31 : i32 to index
        %swap3A_46 = arith.index_cast %mul3A_45 : i32 to index
        %swap3A_47 = tpu.vector_load %arg14[%swap3A, %swap3A_46] {strides = array<i32>} : memref<16x128xf32, #tpu.memory_space<vmem>>, vector<1x16xf32>,
        %swap3A_48 = vector.shape_cast %swap3A_47 : vector<1x16xf32> to vector<16xf32>
        %swap3A_49 = vector.shape_cast %broadcast_in_dim3A_43 : vector<16xf32> to vector<1x16xf32>
        tpu.vector_store %arg14[%swap3A, %swap3A_46], %swap3A_49 {strides = array<i32>} : memref<16x128xf32, #tpu.memory_space<vmem>>, vector<1x16xf32>,
        %scan3A_50 = arith.constant 0 : i32
        scf.yield %scan3A_50 : i32
      }
      %scan3A_39 = arith.constant 8 : i32
      %scan3A_40 = arith.constant 0 : i32
      scf.yield %scan3A_40 : i32
    }
    %scan3A_8 = arith.constant 16 : i32
    %scan3A_9 = arith.constant 0 : i32
    %scan3A_10 = arith.constant 0 : i32
    %scan3A_11 = arith.constant 39 : i32
    %scan3A_12 = arith.addi %scan3A_10, %scan3A_11 : i32
    %scan3A_13 = arith.constant 1 : i32
    %scan3A_14 = scf.for %scan3A_31 = %scan3A_10 to %scan3A_12 step %scan3A_13 iter_args(%scan3A_32 = %scan3A_9) -> (i32)  : i32 {
      %mul3A_33 = arith.constant 624 : i32
      %mul3A_34 = arith.muli %arg1, %mul3A_33 : i32
      %mul3A_35 = arith.constant 16 : i32
      %mul3A_36 = arith.muli %scan3A_31, %mul3A_35 : i32
      %add3A_37 = arith.addi %mul3A_34, %mul3A_36 : i32
      "tpu.region"() ({
        %run_scoped3A = tpu.sem_alloc : memref<!tpu.dma_semaphore, #tpu.memory_space<semaphore_mem>>
        %dma_start3A = arith.constant 0 : i32
        %dma_start3A_39 = tpu.memref_slice %arg6[%add3A_37, %dma_start3A] : memref<10008x128xf32, #tpu.memory_space<vmem_shared>> -> memref<16x128xf32, #tpu.memory_space<vmem_shared>>
        %dma_start3A_40 = arith.constant 0 : i32
        %dma_start3A_41 = tpu.memref_slice %arg6[%add3A_37, %dma_start3A_40] : memref<10008x128xf32, #tpu.memory_space<vmem_shared>> -> memref<16x128xf32, #tpu.memory_space<vmem_shared>>
        tpu.enqueue_dma source(%arg14 : memref<16x128xf32, #tpu.memory_space<vmem>>) target(%dma_start3A_41 : memref<16x128xf32, #tpu.memory_space<vmem_shared>>) target_semaphore(%run_scoped3A : memref<!tpu.dma_semaphore, #tpu.memory_space<semaphore_mem>>)
        %dma_wait3A = arith.constant 0 : i32
        %dma_wait3A_42 = tpu.memref_slice %arg6[%add3A_37, %dma_wait3A] : memref<10008x128xf32, #tpu.memory_space<vmem_shared>> -> memref<16x128xf32, #tpu.memory_space<vmem_shared>>
        %dma_wait3A_43 = arith.constant 0 : i32
        %dma_wait3A_44 = tpu.memref_slice %arg6[%add3A_37, %dma_wait3A_43] : memref<10008x128xf32, #tpu.memory_space<vmem_shared>> -> memref<16x128xf32, #tpu.memory_space<vmem_shared>>
        tpu.wait_dma2 semaphore(%run_scoped3A : memref<!tpu.dma_semaphore, #tpu.memory_space<semaphore_mem>>) src(%arg14 : memref<16x128xf32, #tpu.memory_space<vmem>>) dst(%dma_wait3A_44 : memref<16x128xf32, #tpu.memory_space<vmem_shared>>)
        tpu.yield
      }) : () -> ()
      %scan3A_38 = arith.constant 0 : i32
      scf.yield %scan3A_38 : i32
    }
    %scan3A_15 = arith.constant 39 : i32
    %eq3A = arith.constant 15 : i32
    %eq3A_16 = arith.cmpi eq, %arg1, %eq3A : i32
    %convert_element_type3A = arith.extui %eq3A_16 : i1 to i32
    %cond3A = arith.constant 0 : i32
    %cond3A_17 = arith.cmpi ne, %convert_element_type3A, %cond3A : i32
    scf.if %cond3A_17 {
      "tpu.region"() ({
        %run_scoped3A = tpu.sem_alloc : memref<!tpu.dma_semaphore, #tpu.memory_space<semaphore_mem>>
        %dma_start3A = arith.constant 9984 : i32
        %dma_start3A_31 = arith.constant 0 : i32
        %dma_start3A_32 = tpu.memref_slice %arg6[%dma_start3A, %dma_start3A_31] : memref<10008x128xf32, #tpu.memory_space<vmem_shared>> -> memref<16x128xf32, #tpu.memory_space<vmem_shared>>
        %dma_start3A_33 = arith.constant 9984 : i32
        %dma_start3A_34 = arith.constant 0 : i32
        %dma_start3A_35 = tpu.memref_slice %arg6[%dma_start3A_33, %dma_start3A_34] : memref<10008x128xf32, #tpu.memory_space<vmem_shared>> -> memref<16x128xf32, #tpu.memory_space<vmem_shared>>
        tpu.enqueue_dma source(%arg14 : memref<16x128xf32, #tpu.memory_space<vmem>>) target(%dma_start3A_35 : memref<16x128xf32, #tpu.memory_space<vmem_shared>>) target_semaphore(%run_scoped3A : memref<!tpu.dma_semaphore, #tpu.memory_space<semaphore_mem>>)
        %dma_wait3A = arith.constant 9984 : i32
        %dma_wait3A_36 = arith.constant 0 : i32
        %dma_wait3A_37 = tpu.memref_slice %arg6[%dma_wait3A, %dma_wait3A_36] : memref<10008x128xf32, #tpu.memory_space<vmem_shared>> -> memref<16x128xf32, #tpu.memory_space<vmem_shared>>
        %dma_wait3A_38 = arith.constant 9984 : i32
        %dma_wait3A_39 = arith.constant 0 : i32
        %dma_wait3A_40 = tpu.memref_slice %arg6[%dma_wait3A_38, %dma_wait3A_39] : memref<10008x128xf32, #tpu.memory_space<vmem_shared>> -> memref<16x128xf32, #tpu.memory_space<vmem_shared>>
        tpu.wait_dma2 semaphore(%run_scoped3A : memref<!tpu.dma_semaphore, #tpu.memory_space<semaphore_mem>>) src(%arg14 : memref<16x128xf32, #tpu.memory_space<vmem>>) dst(%dma_wait3A_40 : memref<16x128xf32, #tpu.memory_space<vmem_shared>>)
        tpu.yield
      }) : () -> ()
    } else {
    }
    %barrier3A = arith.constant 0 : index
    tpu.barrier barrier_id(%barrier3A)
    %scan3A_18 = arith.constant 0 : i32
    %scan3A_19 = arith.constant 0 : i32
    %scan3A_20 = arith.constant 40 : i32
    %scan3A_21 = arith.addi %scan3A_19, %scan3A_20 : i32
    %scan3A_22 = arith.constant 1 : i32
    %scan3A_23 = scf.for %scan3A_31 = %scan3A_19 to %scan3A_21 step %scan3A_22 iter_args(%scan3A_32 = %scan3A_18) -> (i32)  : i32 {
      %mul3A_33 = arith.constant 2 : i32
      %mul3A_34 = arith.muli %mul3A_33, %scan3A_31 : i32
      %mul3A_35 = arith.constant 80 : i32
      %mul3A_36 = arith.muli %arg1, %mul3A_35 : i32
      %add3A_37 = arith.addi %mul3A_36, %mul3A_34 : i32
      %mul3A_38 = arith.constant 128 : i32
      %mul3A_39 = arith.muli %add3A_37, %mul3A_38 : i32
      %add3A_40 = arith.constant 128 : i32
      %add3A_41 = arith.addi %mul3A_39, %add3A_40 : i32
      %scan3A_42 = arith.constant 0 : i32
      %scan3A_43 = arith.constant 0 : i32
      %scan3A_44 = arith.constant 8 : i32
      %scan3A_45 = arith.addi %scan3A_43, %scan3A_44 : i32
      %scan3A_46 = arith.constant 1 : i32
      %scan3A_47 = scf.for %scan3A_81 = %scan3A_43 to %scan3A_45 step %scan3A_46 iter_args(%scan3A_82 = %scan3A_42) -> (i32)  : i32 {
        %mul3A_83 = arith.constant 16 : i32
        %mul3A_84 = arith.muli %scan3A_81, %mul3A_83 : i32
        %get3A = arith.index_cast %mul3A_34 : i32 to index
        %get3A_85 = arith.index_cast %mul3A_84 : i32 to index
        %get3A_86 = tpu.vector_load %arg7[%get3A, %get3A_85] {strides = array<i32>} : memref<80x128xi32, #tpu.memory_space<vmem>>, vector<1x16xi32>,
        %get3A_87 = vector.shape_cast %get3A_86 : vector<1x16xi32> to vector<16xi32>
        %mul3A_88 = arith.constant 16 : i32
        %mul3A_89 = arith.muli %scan3A_81, %mul3A_88 : i32
        %swap3A = arith.index_cast %mul3A_89 : i32 to index
        %swap3A_90 = tpu.vector_load %arg8[%swap3A] {strides = array<i32>} : memref<128xi32, #tpu.memory_space<vmem>>, vector<16xi32>,
        %swap3A_91 = vector.shape_cast %swap3A_90 : vector<16xi32> to vector<16xi32>
        %swap3A_92 = vector.shape_cast %get3A_87 : vector<16xi32> to vector<16xi32>
        tpu.vector_store %arg8[%swap3A], %swap3A_92 {strides = array<i32>} : memref<128xi32, #tpu.memory_space<vmem>>, vector<16xi32>,
        %scan3A_93 = arith.constant 0 : i32
        scf.yield %scan3A_93 : i32
      }
      %scan3A_48 = arith.constant 8 : i32
      %dma_start3A = arith.constant 0 : i32
      %dma_start3A_49 = arith.constant 0 : i32
      %dma_start3A_50 = tpu.memref_slice %arg2[%dma_start3A, %dma_start3A_49] : memref<20000x128xf32, #tpu.memory_space<hbm>> -> memref<20000x128xf32, #tpu.memory_space<hbm>>
      tpu.enqueue_indirect_dma source(%dma_start3A_50 : memref<20000x128xf32, #tpu.memory_space<hbm>>) target(%arg12 : memref<128x128xf32, #tpu.memory_space<vmem>>) offsets(%arg8 : memref<128xi32, #tpu.memory_space<vmem>>) semaphore(%arg15 : memref<!tpu.dma_semaphore, #tpu.memory_space<semaphore_mem>>)
      %add3A_51 = arith.constant 1 : i32
      %add3A_52 = arith.addi %mul3A_34, %add3A_51 : i32
      %scan3A_53 = arith.constant 0 : i32
      %scan3A_54 = arith.constant 0 : i32
      %scan3A_55 = arith.constant 8 : i32
      %scan3A_56 = arith.addi %scan3A_54, %scan3A_55 : i32
      %scan3A_57 = arith.constant 1 : i32
      %scan3A_58 = scf.for %scan3A_81 = %scan3A_54 to %scan3A_56 step %scan3A_57 iter_args(%scan3A_82 = %scan3A_53) -> (i32)  : i32 {
        %mul3A_83 = arith.constant 16 : i32
        %mul3A_84 = arith.muli %scan3A_81, %mul3A_83 : i32
        %get3A = arith.index_cast %add3A_52 : i32 to index
        %get3A_85 = arith.index_cast %mul3A_84 : i32 to index
        %get3A_86 = tpu.vector_load %arg7[%get3A, %get3A_85] {strides = array<i32>} : memref<80x128xi32, #tpu.memory_space<vmem>>, vector<1x16xi32>,
        %get3A_87 = vector.shape_cast %get3A_86 : vector<1x16xi32> to vector<16xi32>
        %mul3A_88 = arith.constant 16 : i32
        %mul3A_89 = arith.muli %scan3A_81, %mul3A_88 : i32
        %swap3A = arith.index_cast %mul3A_89 : i32 to index
        %swap3A_90 = tpu.vector_load %arg9[%swap3A] {strides = array<i32>} : memref<128xi32, #tpu.memory_space<vmem>>, vector<16xi32>,
        %swap3A_91 = vector.shape_cast %swap3A_90 : vector<16xi32> to vector<16xi32>
        %swap3A_92 = vector.shape_cast %get3A_87 : vector<16xi32> to vector<16xi32>
        tpu.vector_store %arg9[%swap3A], %swap3A_92 {strides = array<i32>} : memref<128xi32, #tpu.memory_space<vmem>>, vector<16xi32>,
        %scan3A_93 = arith.constant 0 : i32
        scf.yield %scan3A_93 : i32
      }
      %scan3A_59 = arith.constant 8 : i32
      %dma_start3A_60 = arith.constant 0 : i32
      %dma_start3A_61 = arith.constant 0 : i32
      %dma_start3A_62 = tpu.memref_slice %arg2[%dma_start3A_60, %dma_start3A_61] : memref<20000x128xf32, #tpu.memory_space<hbm>> -> memref<20000x128xf32, #tpu.memory_space<hbm>>
      tpu.enqueue_indirect_dma source(%dma_start3A_62 : memref<20000x128xf32, #tpu.memory_space<hbm>>) target(%arg13 : memref<128x128xf32, #tpu.memory_space<vmem>>) offsets(%arg9 : memref<128xi32, #tpu.memory_space<vmem>>) semaphore(%arg16 : memref<!tpu.dma_semaphore, #tpu.memory_space<semaphore_mem>>)
      "tpu.region"() ({
        %run_scoped3A = tpu.sem_alloc : memref<!tpu.dma_semaphore, #tpu.memory_space<semaphore_mem>>
        %dma_start3A_81 = tpu.memref_slice %arg4[%mul3A_39] : memref<163840xi32, #tpu.memory_space<hbm>> -> memref<128xi32, #tpu.memory_space<hbm>>
        %dma_start3A_82 = tpu.memref_slice %arg4[%mul3A_39] : memref<163840xi32, #tpu.memory_space<hbm>> -> memref<128xi32, #tpu.memory_space<hbm>>
        tpu.enqueue_dma source(%dma_start3A_82 : memref<128xi32, #tpu.memory_space<hbm>>) target(%arg10 : memref<128xi32, #tpu.memory_space<vmem>>) target_semaphore(%run_scoped3A : memref<!tpu.dma_semaphore, #tpu.memory_space<semaphore_mem>>)
        %dma_wait3A_83 = tpu.memref_slice %arg4[%mul3A_39] : memref<163840xi32, #tpu.memory_space<hbm>> -> memref<128xi32, #tpu.memory_space<hbm>>
        %dma_wait3A_84 = tpu.memref_slice %arg4[%mul3A_39] : memref<163840xi32, #tpu.memory_space<hbm>> -> memref<128xi32, #tpu.memory_space<hbm>>
        tpu.wait_dma2 semaphore(%run_scoped3A : memref<!tpu.dma_semaphore, #tpu.memory_space<semaphore_mem>>) src(%dma_wait3A_84 : memref<128xi32, #tpu.memory_space<hbm>>) dst(%arg10 : memref<128xi32, #tpu.memory_space<vmem>>)
        tpu.yield
      }) : () -> ()
      "tpu.region"() ({
        %run_scoped3A = tpu.sem_alloc : memref<!tpu.dma_semaphore, #tpu.memory_space<semaphore_mem>>
        %dma_start3A_81 = tpu.memref_slice %arg4[%add3A_41] : memref<163840xi32, #tpu.memory_space<hbm>> -> memref<128xi32, #tpu.memory_space<hbm>>
        %dma_start3A_82 = tpu.memref_slice %arg4[%add3A_41] : memref<163840xi32, #tpu.memory_space<hbm>> -> memref<128xi32, #tpu.memory_space<hbm>>
        tpu.enqueue_dma source(%dma_start3A_82 : memref<128xi32, #tpu.memory_space<hbm>>) target(%arg11 : memref<128xi32, #tpu.memory_space<vmem>>) target_semaphore(%run_scoped3A : memref<!tpu.dma_semaphore, #tpu.memory_space<semaphore_mem>>)
        %dma_wait3A_83 = tpu.memref_slice %arg4[%add3A_41] : memref<163840xi32, #tpu.memory_space<hbm>> -> memref<128xi32, #tpu.memory_space<hbm>>
        %dma_wait3A_84 = tpu.memref_slice %arg4[%add3A_41] : memref<163840xi32, #tpu.memory_space<hbm>> -> memref<128xi32, #tpu.memory_space<hbm>>
        tpu.wait_dma2 semaphore(%run_scoped3A : memref<!tpu.dma_semaphore, #tpu.memory_space<semaphore_mem>>) src(%dma_wait3A_84 : memref<128xi32, #tpu.memory_space<hbm>>) dst(%arg11 : memref<128xi32, #tpu.memory_space<vmem>>)
        tpu.yield
      }) : () -> ()
      %dma_wait3A = arith.constant 0 : i32
      %dma_wait3A_63 = arith.constant 0 : i32
      %dma_wait3A_64 = tpu.memref_slice %arg2[%dma_wait3A, %dma_wait3A_63] : memref<20000x128xf32, #tpu.memory_space<hbm>> -> memref<20000x128xf32, #tpu.memory_space<hbm>>
      tpu.wait_indirect_dma semaphore(%arg15 : memref<!tpu.dma_semaphore, #tpu.memory_space<semaphore_mem>>) src(%dma_wait3A_64 : memref<20000x128xf32, #tpu.memory_space<hbm>>) dst(%arg12 : memref<128x128xf32, #tpu.memory_space<vmem>>)
      %dma_start3A_65 = arith.constant 0 : i32
      %dma_start3A_66 = arith.constant 0 : i32
      %dma_start3A_67 = tpu.memref_slice %arg6[%dma_start3A_65, %dma_start3A_66] : memref<10008x128xf32, #tpu.memory_space<vmem_shared>> -> memref<10008x128xf32, #tpu.memory_space<vmem_shared>>
      tpu.enqueue_indirect_dma source(%arg12 : memref<128x128xf32, #tpu.memory_space<vmem>>) target(%dma_start3A_67 : memref<10008x128xf32, #tpu.memory_space<vmem_shared>>) offsets(%arg10 : memref<128xi32, #tpu.memory_space<vmem>>) semaphore(%arg17 : memref<!tpu.dma_semaphore, #tpu.memory_space<semaphore_mem>>) {add = true}
      %dma_wait3A_68 = arith.constant 0 : i32
      %dma_wait3A_69 = arith.constant 0 : i32
      %dma_wait3A_70 = tpu.memref_slice %arg2[%dma_wait3A_68, %dma_wait3A_69] : memref<20000x128xf32, #tpu.memory_space<hbm>> -> memref<20000x128xf32, #tpu.memory_space<hbm>>
      tpu.wait_indirect_dma semaphore(%arg16 : memref<!tpu.dma_semaphore, #tpu.memory_space<semaphore_mem>>) src(%dma_wait3A_70 : memref<20000x128xf32, #tpu.memory_space<hbm>>) dst(%arg13 : memref<128x128xf32, #tpu.memory_space<vmem>>)
      %dma_start3A_71 = arith.constant 0 : i32
      %dma_start3A_72 = arith.constant 0 : i32
      %dma_start3A_73 = tpu.memref_slice %arg6[%dma_start3A_71, %dma_start3A_72] : memref<10008x128xf32, #tpu.memory_space<vmem_shared>> -> memref<10008x128xf32, #tpu.memory_space<vmem_shared>>
      tpu.enqueue_indirect_dma source(%arg13 : memref<128x128xf32, #tpu.memory_space<vmem>>) target(%dma_start3A_73 : memref<10008x128xf32, #tpu.memory_space<vmem_shared>>) offsets(%arg11 : memref<128xi32, #tpu.memory_space<vmem>>) semaphore(%arg18 : memref<!tpu.dma_semaphore, #tpu.memory_space<semaphore_mem>>) {add = true}
      %dma_wait3A_74 = arith.constant 0 : i32
      %dma_wait3A_75 = arith.constant 0 : i32
      %dma_wait3A_76 = tpu.memref_slice %arg6[%dma_wait3A_74, %dma_wait3A_75] : memref<10008x128xf32, #tpu.memory_space<vmem_shared>> -> memref<10008x128xf32, #tpu.memory_space<vmem_shared>>
      tpu.wait_indirect_dma semaphore(%arg17 : memref<!tpu.dma_semaphore, #tpu.memory_space<semaphore_mem>>) src(%arg12 : memref<128x128xf32, #tpu.memory_space<vmem>>) dst(%dma_wait3A_76 : memref<10008x128xf32, #tpu.memory_space<vmem_shared>>)
      %dma_wait3A_77 = arith.constant 0 : i32
      %dma_wait3A_78 = arith.constant 0 : i32
      %dma_wait3A_79 = tpu.memref_slice %arg6[%dma_wait3A_77, %dma_wait3A_78] : memref<10008x128xf32, #tpu.memory_space<vmem_shared>> -> memref<10008x128xf32, #tpu.memory_space<vmem_shared>>
      tpu.wait_indirect_dma semaphore(%arg18 : memref<!tpu.dma_semaphore, #tpu.memory_space<semaphore_mem>>) src(%arg13 : memref<128x128xf32, #tpu.memory_space<vmem>>) dst(%dma_wait3A_79 : memref<10008x128xf32, #tpu.memory_space<vmem_shared>>)
      %scan3A_80 = arith.constant 0 : i32
      scf.yield %scan3A_80 : i32
    }
    %scan3A_24 = arith.constant 40 : i32
    %barrier3A_25 = arith.constant 0 : index
    tpu.barrier barrier_id(%barrier3A_25)
    %eq3A_26 = arith.constant 0 : i32
    %eq3A_27 = arith.cmpi eq, %arg1, %eq3A_26 : i32
    %convert_element_type3A_28 = arith.extui %eq3A_27 : i1 to i32
    %cond3A_29 = arith.constant 0 : i32
    %cond3A_30 = arith.cmpi ne, %convert_element_type3A_28, %cond3A_29 : i32
    scf.if %cond3A_30 {
      %mul3A_31 = arith.constant 10000 : i32
      %mul3A_32 = arith.muli %arg0, %mul3A_31 : i32
      "tpu.region"() ({
        %run_scoped3A = tpu.sem_alloc : memref<!tpu.dma_semaphore, #tpu.memory_space<semaphore_mem>>
        %dma_start3A = arith.constant 0 : i32
        %dma_start3A_33 = tpu.memref_slice %arg5[%mul3A_32, %dma_start3A] : memref<20000x128xf32, #tpu.memory_space<hbm>> -> memref<10000x128xf32, #tpu.memory_space<hbm>>
        %dma_start3A_34 = arith.constant 0 : i32
        %dma_start3A_35 = arith.constant 0 : i32
        %dma_start3A_36 = tpu.memref_slice %arg6[%dma_start3A_34, %dma_start3A_35] : memref<10008x128xf32, #tpu.memory_space<vmem_shared>> -> memref<10000x128xf32, #tpu.memory_space<vmem_shared>>
        tpu.enqueue_dma source(%dma_start3A_36 : memref<10000x128xf32, #tpu.memory_space<vmem_shared>>) target(%dma_start3A_33 : memref<10000x128xf32, #tpu.memory_space<hbm>>) target_semaphore(%run_scoped3A : memref<!tpu.dma_semaphore, #tpu.memory_space<semaphore_mem>>)
        %dma_wait3A = arith.constant 0 : i32
        %dma_wait3A_37 = tpu.memref_slice %arg5[%mul3A_32, %dma_wait3A] : memref<20000x128xf32, #tpu.memory_space<hbm>> -> memref<10000x128xf32, #tpu.memory_space<hbm>>
        %dma_wait3A_38 = arith.constant 0 : i32
        %dma_wait3A_39 = arith.constant 0 : i32
        %dma_wait3A_40 = tpu.memref_slice %arg6[%dma_wait3A_38, %dma_wait3A_39] : memref<10008x128xf32, #tpu.memory_space<vmem_shared>> -> memref<10000x128xf32, #tpu.memory_space<vmem_shared>>
        tpu.wait_dma2 semaphore(%run_scoped3A : memref<!tpu.dma_semaphore, #tpu.memory_space<semaphore_mem>>) src(%dma_wait3A_40 : memref<10000x128xf32, #tpu.memory_space<vmem_shared>>) dst(%dma_wait3A_37 : memref<10000x128xf32, #tpu.memory_space<hbm>>)
        tpu.yield
      }) : () -> ()
    } else {
    }
    return
  }
}

module attributes {stable_mosaic.version = 14 : i64} {
  func.func @_tc_mid_body(%arg0: i32, %arg1: memref<2x1000x128xf32, #tpu.memory_space<vmem>>, %arg2: memref<2x1000x128xf32, #tpu.memory_space<vmem>>, %arg3: memref<2x1000x16xf32, #tpu.memory_space<vmem>>, %arg4: memref<1x256xf32, #tpu.memory_space<vmem>>, %arg5: memref<256x256xf32, #tpu.memory_space<vmem>>, %arg6: memref<1000x256xf32, #tpu.memory_space<vmem>>, %arg7: memref<2x1000x128xf32, #tpu.memory_space<vmem>>, %arg8: memref<8x256xf32, #tpu.memory_space<vmem>>) attributes {dimension_semantics = [#tpu.dimension_semantics<arbitrary>], iteration_bounds = array<i64: 10>, scalar_prefetch = 0 : i64, scratch_operands = 0 : i64, tpu.core_type = #tpu.core_type<tc>, window_params = [{transform_indices = @transform_0, window_bounds = array<i64: 2, 1000, 128>}, {transform_indices = @transform_1, window_bounds = array<i64: 2, 1000, 128>}, {transform_indices = @transform_2, window_bounds = array<i64: 2, 1000, 16>}, {pipeline_mode = #tpu.pipeline_mode<synchronous>, transform_indices = @transform_3, window_bounds = array<i64: 1, 256>}, {pipeline_mode = #tpu.pipeline_mode<synchronous>, transform_indices = @transform_4, window_bounds = array<i64: 256, 256>}, {transform_indices = @transform_5, window_bounds = array<i64: 1000, 256>}, {transform_indices = @transform_6, window_bounds = array<i64: 2, 1000, 128>}, {pipeline_mode = #tpu.pipeline_mode<synchronous>, transform_indices = @transform_7, window_bounds = array<i64: 8, 256>}]} {
    %get3A = arith.constant 0 : index
    %get3A_0 = arith.constant 0 : index
    %get3A_1 = arith.constant 0 : index
    %get3A_2 = vector.load %arg3[%get3A, %get3A_0, %get3A_1] : memref<2x1000x16xf32, #tpu.memory_space<vmem>>, vector<1x1000x1xf32>
    %get3A_3 = vector.shape_cast %get3A_2 : vector<1x1000x1xf32> to vector<1000x1xf32>
    %get3A_4 = arith.constant 1 : index
    %get3A_5 = arith.constant 0 : index
    %get3A_6 = arith.constant 0 : index
    %get3A_7 = vector.load %arg3[%get3A_4, %get3A_5, %get3A_6] : memref<2x1000x16xf32, #tpu.memory_space<vmem>>, vector<1x1000x1xf32>
    %get3A_8 = vector.shape_cast %get3A_7 : vector<1x1000x1xf32> to vector<1000x1xf32>
    %add3A = arith.addf %get3A_3, %get3A_8 : vector<1000x1xf32>
    %add3A_9 = arith.constant 1.000000e+00 : f32
    %add3A_10 = vector.broadcast %add3A_9 : f32 to vector<1000x1xf32>
    %add3A_11 = arith.addf %add3A, %add3A_10 : vector<1000x1xf32>
    %rsqrt3A = math.rsqrt %add3A_11 : vector<1000x1xf32>
    %get3A_12 = arith.constant 0 : index
    %get3A_13 = arith.constant 0 : index
    %get3A_14 = arith.constant 0 : index
    %get3A_15 = vector.load %arg1[%get3A_12, %get3A_13, %get3A_14] : memref<2x1000x128xf32, #tpu.memory_space<vmem>>, vector<1x1000x128xf32>
    %get3A_16 = vector.shape_cast %get3A_15 : vector<1x1000x128xf32> to vector<1000x128xf32>
    %get3A_17 = arith.constant 0 : index
    %get3A_18 = arith.constant 0 : index
    %get3A_19 = arith.constant 0 : index
    %get3A_20 = vector.load %arg2[%get3A_17, %get3A_18, %get3A_19] : memref<2x1000x128xf32, #tpu.memory_space<vmem>>, vector<1x1000x128xf32>
    %get3A_21 = vector.shape_cast %get3A_20 : vector<1x1000x128xf32> to vector<1000x128xf32>
    %add3A_22 = arith.addf %get3A_16, %get3A_21 : vector<1000x128xf32>
    %mul3A = vector.broadcast %rsqrt3A : vector<1000x1xf32> to vector<1000x128xf32>
    %mul3A_23 = arith.mulf %add3A_22, %mul3A : vector<1000x128xf32>
    %get3A_24 = arith.constant 0 : index
    %get3A_25 = arith.constant 0 : index
    %get3A_26 = vector.load %arg4[%get3A_24, %get3A_25] : memref<1x256xf32, #tpu.memory_space<vmem>>, vector<1x128xf32>
    %get3A_27 = vector.shape_cast %get3A_26 : vector<1x128xf32> to vector<128xf32>
    %broadcast_in_dim3A = vector.shape_cast %get3A_27 : vector<128xf32> to vector<1x128xf32>
    %add3A_28 = vector.broadcast %broadcast_in_dim3A : vector<1x128xf32> to vector<1000x128xf32>
    %add3A_29 = arith.addf %mul3A_23, %add3A_28 : vector<1000x128xf32>
    %max3A = arith.constant 0.000000e+00 : f32
    %max3A_30 = vector.broadcast %max3A : f32 to vector<1000x128xf32>
    %max3A_31 = arith.maximumf %add3A_29, %max3A_30 : vector<1000x128xf32>
    %get3A_32 = arith.constant 1 : index
    %get3A_33 = arith.constant 0 : index
    %get3A_34 = arith.constant 0 : index
    %get3A_35 = vector.load %arg1[%get3A_32, %get3A_33, %get3A_34] : memref<2x1000x128xf32, #tpu.memory_space<vmem>>, vector<1x1000x128xf32>
    %get3A_36 = vector.shape_cast %get3A_35 : vector<1x1000x128xf32> to vector<1000x128xf32>
    %get3A_37 = arith.constant 1 : index
    %get3A_38 = arith.constant 0 : index
    %get3A_39 = arith.constant 0 : index
    %get3A_40 = vector.load %arg2[%get3A_37, %get3A_38, %get3A_39] : memref<2x1000x128xf32, #tpu.memory_space<vmem>>, vector<1x1000x128xf32>
    %get3A_41 = vector.shape_cast %get3A_40 : vector<1x1000x128xf32> to vector<1000x128xf32>
    %add3A_42 = arith.addf %get3A_36, %get3A_41 : vector<1000x128xf32>
    %mul3A_43 = vector.broadcast %rsqrt3A : vector<1000x1xf32> to vector<1000x128xf32>
    %mul3A_44 = arith.mulf %add3A_42, %mul3A_43 : vector<1000x128xf32>
    %get3A_45 = arith.constant 0 : index
    %get3A_46 = arith.constant 128 : index
    %get3A_47 = vector.load %arg4[%get3A_45, %get3A_46] : memref<1x256xf32, #tpu.memory_space<vmem>>, vector<1x128xf32>
    %get3A_48 = vector.shape_cast %get3A_47 : vector<1x128xf32> to vector<128xf32>
    %broadcast_in_dim3A_49 = vector.shape_cast %get3A_48 : vector<128xf32> to vector<1x128xf32>
    %add3A_50 = vector.broadcast %broadcast_in_dim3A_49 : vector<1x128xf32> to vector<1000x128xf32>
    %add3A_51 = arith.addf %mul3A_44, %add3A_50 : vector<1000x128xf32>
    %max3A_52 = arith.constant 0.000000e+00 : f32
    %max3A_53 = vector.broadcast %max3A_52 : f32 to vector<1000x128xf32>
    %max3A_54 = arith.maximumf %add3A_51, %max3A_53 : vector<1000x128xf32>
    %concatenate3A = tpu.concatenate %max3A_31, %max3A_54 in 1 : vector<1000x128xf32>, vector<1000x128xf32> -> vector<1000x256xf32>
    %swap3A = arith.constant 0 : index
    %swap3A_55 = arith.constant 0 : index
    %swap3A_56 = vector.load %arg6[%swap3A, %swap3A_55] : memref<1000x256xf32, #tpu.memory_space<vmem>>, vector<1000x256xf32>
    tpu.vector_store %arg6[%swap3A, %swap3A_55], %concatenate3A {strides = array<i32>} : memref<1000x256xf32, #tpu.memory_space<vmem>>, vector<1000x256xf32>,
    %eq3A = arith.constant 0 : i32
    %eq3A_57 = arith.cmpi eq, %arg0, %eq3A : i32
    %convert_element_type3A = arith.extui %eq3A_57 : i1 to i32
    %cond3A = arith.constant 0 : i32
    %cond3A_58 = arith.cmpi ne, %convert_element_type3A, %cond3A : i32
    scf.if %cond3A_58 {
      %broadcast_in_dim3A_98 = arith.constant 0.000000e+00 : f32
      %broadcast_in_dim3A_99 = vector.broadcast %broadcast_in_dim3A_98 : f32 to vector<8x256xf32>
      %swap3A_100 = arith.constant 0 : index
      %swap3A_101 = arith.constant 0 : index
      %swap3A_102 = vector.load %arg8[%swap3A_100, %swap3A_101] : memref<8x256xf32, #tpu.memory_space<vmem>>, vector<8x256xf32>
      tpu.vector_store %arg8[%swap3A_100, %swap3A_101], %broadcast_in_dim3A_99 {strides = array<i32>} : memref<8x256xf32, #tpu.memory_space<vmem>>, vector<8x256xf32>,
    } else {
    }
    %get3A_59 = arith.constant 0 : index
    %get3A_60 = arith.constant 0 : index
    %get3A_61 = vector.load %arg8[%get3A_59, %get3A_60] : memref<8x256xf32, #tpu.memory_space<vmem>>, vector<1x256xf32>
    %reduce_sum3A = arith.constant dense<0.000000e+00> : vector<256xf32>
    %reduce_sum3A_62 = vector.multi_reduction <add>, %concatenate3A, %reduce_sum3A [0] : vector<1000x256xf32> to vector<256xf32>
    %broadcast_in_dim3A_63 = vector.shape_cast %reduce_sum3A_62 : vector<256xf32> to vector<1x256xf32>
    %add3A_64 = arith.addf %get3A_61, %broadcast_in_dim3A_63 : vector<1x256xf32>
    %swap3A_65 = arith.constant 0 : index
    %swap3A_66 = arith.constant 0 : index
    %swap3A_67 = vector.load %arg8[%swap3A_65, %swap3A_66] : memref<8x256xf32, #tpu.memory_space<vmem>>, vector<1x256xf32>
    tpu.vector_store %arg8[%swap3A_65, %swap3A_66], %add3A_64 {strides = array<i32>} : memref<8x256xf32, #tpu.memory_space<vmem>>, vector<1x256xf32>,
    %get3A_68 = arith.constant 1 : index
    %get3A_69 = arith.constant 0 : index
    %get3A_70 = vector.load %arg8[%get3A_68, %get3A_69] : memref<8x256xf32, #tpu.memory_space<vmem>>, vector<1x256xf32>
    %mul3A_71 = arith.mulf %concatenate3A, %concatenate3A : vector<1000x256xf32>
    %reduce_sum3A_72 = arith.constant dense<0.000000e+00> : vector<256xf32>
    %reduce_sum3A_73 = vector.multi_reduction <add>, %mul3A_71, %reduce_sum3A_72 [0] : vector<1000x256xf32> to vector<256xf32>
    %broadcast_in_dim3A_74 = vector.shape_cast %reduce_sum3A_73 : vector<256xf32> to vector<1x256xf32>
    %add3A_75 = arith.addf %get3A_70, %broadcast_in_dim3A_74 : vector<1x256xf32>
    %swap3A_76 = arith.constant 1 : index
    %swap3A_77 = arith.constant 0 : index
    %swap3A_78 = vector.load %arg8[%swap3A_76, %swap3A_77] : memref<8x256xf32, #tpu.memory_space<vmem>>, vector<1x256xf32>
    tpu.vector_store %arg8[%swap3A_76, %swap3A_77], %add3A_75 {strides = array<i32>} : memref<8x256xf32, #tpu.memory_space<vmem>>, vector<1x256xf32>,
    %get3A_79 = arith.constant 0 : index
    %get3A_80 = arith.constant 0 : index
    %get3A_81 = vector.load %arg5[%get3A_79, %get3A_80] : memref<256x256xf32, #tpu.memory_space<vmem>>, vector<256x256xf32>
    %dot_general3A = arith.constant dense<0.000000e+00> : vector<1000x256xf32>
    %dot_general3A_82 = tpu.matmul %concatenate3A, %get3A_81, %dot_general3A {dimension_numbers = #tpu.dot_dimension_numbers<[1], [0], [0], [1], [0, 0, 1, 1], [], []>, transpose_lhs_hint = false} : vector<1000x256xf32>, vector<256x256xf32>, vector<1000x256xf32> -> vector<1000x256xf32>
    %mul3A_83 = vector.broadcast %rsqrt3A : vector<1000x1xf32> to vector<1000x256xf32>
    %mul3A_84 = arith.mulf %dot_general3A_82, %mul3A_83 : vector<1000x256xf32>
    %slice3A = vector.extract_strided_slice %mul3A_84 {offsets = [0, 0], sizes = [1000, 128], strides = [1, 1]} : vector<1000x256xf32> to vector<1000x128xf32>
    %swap3A_85 = arith.constant 0 : index
    %swap3A_86 = arith.constant 0 : index
    %swap3A_87 = arith.constant 0 : index
    %swap3A_88 = vector.load %arg7[%swap3A_85, %swap3A_86, %swap3A_87] : memref<2x1000x128xf32, #tpu.memory_space<vmem>>, vector<1x1000x128xf32>
    %swap3A_89 = vector.shape_cast %swap3A_88 : vector<1x1000x128xf32> to vector<1000x128xf32>
    %swap3A_90 = vector.shape_cast %slice3A : vector<1000x128xf32> to vector<1x1000x128xf32>
    tpu.vector_store %arg7[%swap3A_85, %swap3A_86, %swap3A_87], %swap3A_90 {strides = array<i32>} : memref<2x1000x128xf32, #tpu.memory_space<vmem>>, vector<1x1000x128xf32>,
    %slice3A_91 = vector.extract_strided_slice %mul3A_84 {offsets = [0, 128], sizes = [1000, 128], strides = [1, 1]} : vector<1000x256xf32> to vector<1000x128xf32>
    %swap3A_92 = arith.constant 1 : index
    %swap3A_93 = arith.constant 0 : index
    %swap3A_94 = arith.constant 0 : index
    %swap3A_95 = vector.load %arg7[%swap3A_92, %swap3A_93, %swap3A_94] : memref<2x1000x128xf32, #tpu.memory_space<vmem>>, vector<1x1000x128xf32>
    %swap3A_96 = vector.shape_cast %swap3A_95 : vector<1x1000x128xf32> to vector<1000x128xf32>
    %swap3A_97 = vector.shape_cast %slice3A_91 : vector<1000x128xf32> to vector<1x1000x128xf32>
    tpu.vector_store %arg7[%swap3A_92, %swap3A_93, %swap3A_94], %swap3A_97 {strides = array<i32>} : memref<2x1000x128xf32, #tpu.memory_space<vmem>>, vector<1x1000x128xf32>,
    return
  }
  func.func @transform_0(%arg0: i32) -> (i32, i32, i32) {
    %c0_i32 = arith.constant 0 : i32
    %c0_i32_0 = arith.constant 0 : i32
    %c0_i32_1 = arith.constant 0 : i32
    return %c0_i32, %arg0, %c0_i32_0 : i32, i32, i32
  }
  func.func @transform_1(%arg0: i32) -> (i32, i32, i32) {
    %c0_i32 = arith.constant 0 : i32
    %c0_i32_0 = arith.constant 0 : i32
    %c0_i32_1 = arith.constant 0 : i32
    return %c0_i32, %arg0, %c0_i32_0 : i32, i32, i32
  }
  func.func @transform_2(%arg0: i32) -> (i32, i32, i32) {
    %c0_i32 = arith.constant 0 : i32
    %c0_i32_0 = arith.constant 0 : i32
    %c0_i32_1 = arith.constant 0 : i32
    return %c0_i32, %arg0, %c0_i32_0 : i32, i32, i32
  }
  func.func @transform_3(%arg0: i32) -> (i32, i32) {
    %c0_i32 = arith.constant 0 : i32
    %c0_i32_0 = arith.constant 0 : i32
    %c0_i32_1 = arith.constant 0 : i32
    return %c0_i32, %c0_i32_0 : i32, i32
  }
  func.func @transform_4(%arg0: i32) -> (i32, i32) {
    %c0_i32 = arith.constant 0 : i32
    %c0_i32_0 = arith.constant 0 : i32
    %c0_i32_1 = arith.constant 0 : i32
    return %c0_i32, %c0_i32_0 : i32, i32
  }
  func.func @transform_5(%arg0: i32) -> (i32, i32) {
    %c0_i32 = arith.constant 0 : i32
    %c0_i32_0 = arith.constant 0 : i32
    return %arg0, %c0_i32 : i32, i32
  }
  func.func @transform_6(%arg0: i32) -> (i32, i32, i32) {
    %c0_i32 = arith.constant 0 : i32
    %c0_i32_0 = arith.constant 0 : i32
    %c0_i32_1 = arith.constant 0 : i32
    return %c0_i32, %arg0, %c0_i32_0 : i32, i32, i32
  }
  func.func @transform_7(%arg0: i32) -> (i32, i32) {
    %c0_i32 = arith.constant 0 : i32
    %c0_i32_0 = arith.constant 0 : i32
    %c0_i32_1 = arith.constant 0 : i32
    return %c0_i32, %c0_i32_0 : i32, i32
  }
}

module attributes {stable_mosaic.version = 14 : i64} {
  func.func @_tc_first_body(%arg0: i32, %arg1: memref<1000x256xf32, #tpu.memory_space<vmem>>, %arg2: memref<256x256xf32, #tpu.memory_space<vmem>>, %arg3: memref<2x1000x16xf32, #tpu.memory_space<vmem>>, %arg4: memref<2x1000x128xf32, #tpu.memory_space<vmem>>, %arg5: memref<8x256xf32, #tpu.memory_space<vmem>>) attributes {dimension_semantics = [#tpu.dimension_semantics<arbitrary>], iteration_bounds = array<i64: 10>, scalar_prefetch = 0 : i64, scratch_operands = 0 : i64, tpu.core_type = #tpu.core_type<tc>, window_params = [{transform_indices = @transform_0, window_bounds = array<i64: 1000, 256>}, {pipeline_mode = #tpu.pipeline_mode<synchronous>, transform_indices = @transform_1, window_bounds = array<i64: 256, 256>}, {transform_indices = @transform_2, window_bounds = array<i64: 2, 1000, 16>}, {transform_indices = @transform_3, window_bounds = array<i64: 2, 1000, 128>}, {pipeline_mode = #tpu.pipeline_mode<synchronous>, transform_indices = @transform_4, window_bounds = array<i64: 8, 256>}]} {
    %get3A = arith.constant 0 : index
    %get3A_0 = arith.constant 0 : index
    %get3A_1 = arith.constant 0 : index
    %get3A_2 = vector.load %arg3[%get3A, %get3A_0, %get3A_1] : memref<2x1000x16xf32, #tpu.memory_space<vmem>>, vector<1x1000x1xf32>
    %get3A_3 = vector.shape_cast %get3A_2 : vector<1x1000x1xf32> to vector<1000x1xf32>
    %get3A_4 = arith.constant 1 : index
    %get3A_5 = arith.constant 0 : index
    %get3A_6 = arith.constant 0 : index
    %get3A_7 = vector.load %arg3[%get3A_4, %get3A_5, %get3A_6] : memref<2x1000x16xf32, #tpu.memory_space<vmem>>, vector<1x1000x1xf32>
    %get3A_8 = vector.shape_cast %get3A_7 : vector<1x1000x1xf32> to vector<1000x1xf32>
    %add3A = arith.addf %get3A_3, %get3A_8 : vector<1000x1xf32>
    %add3A_9 = arith.constant 1.000000e+00 : f32
    %add3A_10 = vector.broadcast %add3A_9 : f32 to vector<1000x1xf32>
    %add3A_11 = arith.addf %add3A, %add3A_10 : vector<1000x1xf32>
    %rsqrt3A = math.rsqrt %add3A_11 : vector<1000x1xf32>
    %get3A_12 = arith.constant 0 : index
    %get3A_13 = arith.constant 0 : index
    %get3A_14 = vector.load %arg1[%get3A_12, %get3A_13] : memref<1000x256xf32, #tpu.memory_space<vmem>>, vector<1000x256xf32>
    %eq3A = arith.constant 0 : i32
    %eq3A_15 = arith.cmpi eq, %arg0, %eq3A : i32
    %convert_element_type3A = arith.extui %eq3A_15 : i1 to i32
    %cond3A = arith.constant 0 : i32
    %cond3A_16 = arith.cmpi ne, %convert_element_type3A, %cond3A : i32
    scf.if %cond3A_16 {
      %broadcast_in_dim3A_53 = arith.constant 0.000000e+00 : f32
      %broadcast_in_dim3A_54 = vector.broadcast %broadcast_in_dim3A_53 : f32 to vector<8x256xf32>
      %swap3A_55 = arith.constant 0 : index
      %swap3A_56 = arith.constant 0 : index
      %swap3A_57 = vector.load %arg5[%swap3A_55, %swap3A_56] : memref<8x256xf32, #tpu.memory_space<vmem>>, vector<8x256xf32>
      tpu.vector_store %arg5[%swap3A_55, %swap3A_56], %broadcast_in_dim3A_54 {strides = array<i32>} : memref<8x256xf32, #tpu.memory_space<vmem>>, vector<8x256xf32>,
    } else {
    }
    %get3A_17 = arith.constant 0 : index
    %get3A_18 = arith.constant 0 : index
    %get3A_19 = vector.load %arg5[%get3A_17, %get3A_18] : memref<8x256xf32, #tpu.memory_space<vmem>>, vector<1x256xf32>
    %reduce_sum3A = arith.constant dense<0.000000e+00> : vector<256xf32>
    %reduce_sum3A_20 = vector.multi_reduction <add>, %get3A_14, %reduce_sum3A [0] : vector<1000x256xf32> to vector<256xf32>
    %broadcast_in_dim3A = vector.shape_cast %reduce_sum3A_20 : vector<256xf32> to vector<1x256xf32>
    %add3A_21 = arith.addf %get3A_19, %broadcast_in_dim3A : vector<1x256xf32>
    %swap3A = arith.constant 0 : index
    %swap3A_22 = arith.constant 0 : index
    %swap3A_23 = vector.load %arg5[%swap3A, %swap3A_22] : memref<8x256xf32, #tpu.memory_space<vmem>>, vector<1x256xf32>
    tpu.vector_store %arg5[%swap3A, %swap3A_22], %add3A_21 {strides = array<i32>} : memref<8x256xf32, #tpu.memory_space<vmem>>, vector<1x256xf32>,
    %get3A_24 = arith.constant 1 : index
    %get3A_25 = arith.constant 0 : index
    %get3A_26 = vector.load %arg5[%get3A_24, %get3A_25] : memref<8x256xf32, #tpu.memory_space<vmem>>, vector<1x256xf32>
    %mul3A = arith.mulf %get3A_14, %get3A_14 : vector<1000x256xf32>
    %reduce_sum3A_27 = arith.constant dense<0.000000e+00> : vector<256xf32>
    %reduce_sum3A_28 = vector.multi_reduction <add>, %mul3A, %reduce_sum3A_27 [0] : vector<1000x256xf32> to vector<256xf32>
    %broadcast_in_dim3A_29 = vector.shape_cast %reduce_sum3A_28 : vector<256xf32> to vector<1x256xf32>
    %add3A_30 = arith.addf %get3A_26, %broadcast_in_dim3A_29 : vector<1x256xf32>
    %swap3A_31 = arith.constant 1 : index
    %swap3A_32 = arith.constant 0 : index
    %swap3A_33 = vector.load %arg5[%swap3A_31, %swap3A_32] : memref<8x256xf32, #tpu.memory_space<vmem>>, vector<1x256xf32>
    tpu.vector_store %arg5[%swap3A_31, %swap3A_32], %add3A_30 {strides = array<i32>} : memref<8x256xf32, #tpu.memory_space<vmem>>, vector<1x256xf32>,
    %get3A_34 = arith.constant 0 : index
    %get3A_35 = arith.constant 0 : index
    %get3A_36 = vector.load %arg2[%get3A_34, %get3A_35] : memref<256x256xf32, #tpu.memory_space<vmem>>, vector<256x256xf32>
    %dot_general3A = arith.constant dense<0.000000e+00> : vector<1000x256xf32>
    %dot_general3A_37 = tpu.matmul %get3A_14, %get3A_36, %dot_general3A {dimension_numbers = #tpu.dot_dimension_numbers<[1], [0], [0], [1], [0, 0, 1, 1], [], []>, transpose_lhs_hint = false} : vector<1000x256xf32>, vector<256x256xf32>, vector<1000x256xf32> -> vector<1000x256xf32>
    %mul3A_38 = vector.broadcast %rsqrt3A : vector<1000x1xf32> to vector<1000x256xf32>
    %mul3A_39 = arith.mulf %dot_general3A_37, %mul3A_38 : vector<1000x256xf32>
    %slice3A = vector.extract_strided_slice %mul3A_39 {offsets = [0, 0], sizes = [1000, 128], strides = [1, 1]} : vector<1000x256xf32> to vector<1000x128xf32>
    %swap3A_40 = arith.constant 0 : index
    %swap3A_41 = arith.constant 0 : index
    %swap3A_42 = arith.constant 0 : index
    %swap3A_43 = vector.load %arg4[%swap3A_40, %swap3A_41, %swap3A_42] : memref<2x1000x128xf32, #tpu.memory_space<vmem>>, vector<1x1000x128xf32>
    %swap3A_44 = vector.shape_cast %swap3A_43 : vector<1x1000x128xf32> to vector<1000x128xf32>
    %swap3A_45 = vector.shape_cast %slice3A : vector<1000x128xf32> to vector<1x1000x128xf32>
    tpu.vector_store %arg4[%swap3A_40, %swap3A_41, %swap3A_42], %swap3A_45 {strides = array<i32>} : memref<2x1000x128xf32, #tpu.memory_space<vmem>>, vector<1x1000x128xf32>,
    %slice3A_46 = vector.extract_strided_slice %mul3A_39 {offsets = [0, 128], sizes = [1000, 128], strides = [1, 1]} : vector<1000x256xf32> to vector<1000x128xf32>
    %swap3A_47 = arith.constant 1 : index
    %swap3A_48 = arith.constant 0 : index
    %swap3A_49 = arith.constant 0 : index
    %swap3A_50 = vector.load %arg4[%swap3A_47, %swap3A_48, %swap3A_49] : memref<2x1000x128xf32, #tpu.memory_space<vmem>>, vector<1x1000x128xf32>
    %swap3A_51 = vector.shape_cast %swap3A_50 : vector<1x1000x128xf32> to vector<1000x128xf32>
    %swap3A_52 = vector.shape_cast %slice3A_46 : vector<1000x128xf32> to vector<1x1000x128xf32>
    tpu.vector_store %arg4[%swap3A_47, %swap3A_48, %swap3A_49], %swap3A_52 {strides = array<i32>} : memref<2x1000x128xf32, #tpu.memory_space<vmem>>, vector<1x1000x128xf32>,
    return
  }
  func.func @transform_0(%arg0: i32) -> (i32, i32) {
    %c0_i32 = arith.constant 0 : i32
    %c0_i32_0 = arith.constant 0 : i32
    return %arg0, %c0_i32 : i32, i32
  }
  func.func @transform_1(%arg0: i32) -> (i32, i32) {
    %c0_i32 = arith.constant 0 : i32
    %c0_i32_0 = arith.constant 0 : i32
    %c0_i32_1 = arith.constant 0 : i32
    return %c0_i32, %c0_i32_0 : i32, i32
  }
  func.func @transform_2(%arg0: i32) -> (i32, i32, i32) {
    %c0_i32 = arith.constant 0 : i32
    %c0_i32_0 = arith.constant 0 : i32
    %c0_i32_1 = arith.constant 0 : i32
    return %c0_i32, %arg0, %c0_i32_0 : i32, i32, i32
  }
  func.func @transform_3(%arg0: i32) -> (i32, i32, i32) {
    %c0_i32 = arith.constant 0 : i32
    %c0_i32_0 = arith.constant 0 : i32
    %c0_i32_1 = arith.constant 0 : i32
    return %c0_i32, %arg0, %c0_i32_0 : i32, i32, i32
  }
  func.func @transform_4(%arg0: i32) -> (i32, i32) {
    %c0_i32 = arith.constant 0 : i32
    %c0_i32_0 = arith.constant 0 : i32
    %c0_i32_1 = arith.constant 0 : i32
    return %c0_i32, %c0_i32_0 : i32, i32
  }
}

module attributes {stable_mosaic.version = 14 : i64} {
  func.func @_tc_last_body(%arg0: i32, %arg1: memref<2x1000x128xf32, #tpu.memory_space<vmem>>, %arg2: memref<2x1000x128xf32, #tpu.memory_space<vmem>>, %arg3: memref<2x1000x16xf32, #tpu.memory_space<vmem>>, %arg4: memref<1x256xf32, #tpu.memory_space<vmem>>, %arg5: memref<1000x256xf32, #tpu.memory_space<vmem>>, %arg6: memref<8x256xf32, #tpu.memory_space<vmem>>) attributes {dimension_semantics = [#tpu.dimension_semantics<arbitrary>], iteration_bounds = array<i64: 10>, scalar_prefetch = 0 : i64, scratch_operands = 0 : i64, tpu.core_type = #tpu.core_type<tc>, window_params = [{transform_indices = @transform_0, window_bounds = array<i64: 2, 1000, 128>}, {transform_indices = @transform_1, window_bounds = array<i64: 2, 1000, 128>}, {transform_indices = @transform_2, window_bounds = array<i64: 2, 1000, 16>}, {pipeline_mode = #tpu.pipeline_mode<synchronous>, transform_indices = @transform_3, window_bounds = array<i64: 1, 256>}, {transform_indices = @transform_4, window_bounds = array<i64: 1000, 256>}, {pipeline_mode = #tpu.pipeline_mode<synchronous>, transform_indices = @transform_5, window_bounds = array<i64: 8, 256>}]} {
    %get3A = arith.constant 0 : index
    %get3A_0 = arith.constant 0 : index
    %get3A_1 = arith.constant 0 : index
    %get3A_2 = vector.load %arg3[%get3A, %get3A_0, %get3A_1] : memref<2x1000x16xf32, #tpu.memory_space<vmem>>, vector<1x1000x1xf32>
    %get3A_3 = vector.shape_cast %get3A_2 : vector<1x1000x1xf32> to vector<1000x1xf32>
    %get3A_4 = arith.constant 1 : index
    %get3A_5 = arith.constant 0 : index
    %get3A_6 = arith.constant 0 : index
    %get3A_7 = vector.load %arg3[%get3A_4, %get3A_5, %get3A_6] : memref<2x1000x16xf32, #tpu.memory_space<vmem>>, vector<1x1000x1xf32>
    %get3A_8 = vector.shape_cast %get3A_7 : vector<1x1000x1xf32> to vector<1000x1xf32>
    %add3A = arith.addf %get3A_3, %get3A_8 : vector<1000x1xf32>
    %add3A_9 = arith.constant 1.000000e+00 : f32
    %add3A_10 = vector.broadcast %add3A_9 : f32 to vector<1000x1xf32>
    %add3A_11 = arith.addf %add3A, %add3A_10 : vector<1000x1xf32>
    %rsqrt3A = math.rsqrt %add3A_11 : vector<1000x1xf32>
    %get3A_12 = arith.constant 0 : index
    %get3A_13 = arith.constant 0 : index
    %get3A_14 = arith.constant 0 : index
    %get3A_15 = vector.load %arg1[%get3A_12, %get3A_13, %get3A_14] : memref<2x1000x128xf32, #tpu.memory_space<vmem>>, vector<1x1000x128xf32>
    %get3A_16 = vector.shape_cast %get3A_15 : vector<1x1000x128xf32> to vector<1000x128xf32>
    %get3A_17 = arith.constant 0 : index
    %get3A_18 = arith.constant 0 : index
    %get3A_19 = arith.constant 0 : index
    %get3A_20 = vector.load %arg2[%get3A_17, %get3A_18, %get3A_19] : memref<2x1000x128xf32, #tpu.memory_space<vmem>>, vector<1x1000x128xf32>
    %get3A_21 = vector.shape_cast %get3A_20 : vector<1x1000x128xf32> to vector<1000x128xf32>
    %add3A_22 = arith.addf %get3A_16, %get3A_21 : vector<1000x128xf32>
    %mul3A = vector.broadcast %rsqrt3A : vector<1000x1xf32> to vector<1000x128xf32>
    %mul3A_23 = arith.mulf %add3A_22, %mul3A : vector<1000x128xf32>
    %get3A_24 = arith.constant 0 : index
    %get3A_25 = arith.constant 0 : index
    %get3A_26 = vector.load %arg4[%get3A_24, %get3A_25] : memref<1x256xf32, #tpu.memory_space<vmem>>, vector<1x128xf32>
    %get3A_27 = vector.shape_cast %get3A_26 : vector<1x128xf32> to vector<128xf32>
    %broadcast_in_dim3A = vector.shape_cast %get3A_27 : vector<128xf32> to vector<1x128xf32>
    %add3A_28 = vector.broadcast %broadcast_in_dim3A : vector<1x128xf32> to vector<1000x128xf32>
    %add3A_29 = arith.addf %mul3A_23, %add3A_28 : vector<1000x128xf32>
    %max3A = arith.constant 0.000000e+00 : f32
    %max3A_30 = vector.broadcast %max3A : f32 to vector<1000x128xf32>
    %max3A_31 = arith.maximumf %add3A_29, %max3A_30 : vector<1000x128xf32>
    %get3A_32 = arith.constant 1 : index
    %get3A_33 = arith.constant 0 : index
    %get3A_34 = arith.constant 0 : index
    %get3A_35 = vector.load %arg1[%get3A_32, %get3A_33, %get3A_34] : memref<2x1000x128xf32, #tpu.memory_space<vmem>>, vector<1x1000x128xf32>
    %get3A_36 = vector.shape_cast %get3A_35 : vector<1x1000x128xf32> to vector<1000x128xf32>
    %get3A_37 = arith.constant 1 : index
    %get3A_38 = arith.constant 0 : index
    %get3A_39 = arith.constant 0 : index
    %get3A_40 = vector.load %arg2[%get3A_37, %get3A_38, %get3A_39] : memref<2x1000x128xf32, #tpu.memory_space<vmem>>, vector<1x1000x128xf32>
    %get3A_41 = vector.shape_cast %get3A_40 : vector<1x1000x128xf32> to vector<1000x128xf32>
    %add3A_42 = arith.addf %get3A_36, %get3A_41 : vector<1000x128xf32>
    %mul3A_43 = vector.broadcast %rsqrt3A : vector<1000x1xf32> to vector<1000x128xf32>
    %mul3A_44 = arith.mulf %add3A_42, %mul3A_43 : vector<1000x128xf32>
    %get3A_45 = arith.constant 0 : index
    %get3A_46 = arith.constant 128 : index
    %get3A_47 = vector.load %arg4[%get3A_45, %get3A_46] : memref<1x256xf32, #tpu.memory_space<vmem>>, vector<1x128xf32>
    %get3A_48 = vector.shape_cast %get3A_47 : vector<1x128xf32> to vector<128xf32>
    %broadcast_in_dim3A_49 = vector.shape_cast %get3A_48 : vector<128xf32> to vector<1x128xf32>
    %add3A_50 = vector.broadcast %broadcast_in_dim3A_49 : vector<1x128xf32> to vector<1000x128xf32>
    %add3A_51 = arith.addf %mul3A_44, %add3A_50 : vector<1000x128xf32>
    %max3A_52 = arith.constant 0.000000e+00 : f32
    %max3A_53 = vector.broadcast %max3A_52 : f32 to vector<1000x128xf32>
    %max3A_54 = arith.maximumf %add3A_51, %max3A_53 : vector<1000x128xf32>
    %concatenate3A = tpu.concatenate %max3A_31, %max3A_54 in 1 : vector<1000x128xf32>, vector<1000x128xf32> -> vector<1000x256xf32>
    %swap3A = arith.constant 0 : index
    %swap3A_55 = arith.constant 0 : index
    %swap3A_56 = vector.load %arg5[%swap3A, %swap3A_55] : memref<1000x256xf32, #tpu.memory_space<vmem>>, vector<1000x256xf32>
    tpu.vector_store %arg5[%swap3A, %swap3A_55], %concatenate3A {strides = array<i32>} : memref<1000x256xf32, #tpu.memory_space<vmem>>, vector<1000x256xf32>,
    %eq3A = arith.constant 0 : i32
    %eq3A_57 = arith.cmpi eq, %arg0, %eq3A : i32
    %convert_element_type3A = arith.extui %eq3A_57 : i1 to i32
    %cond3A = arith.constant 0 : i32
    %cond3A_58 = arith.cmpi ne, %convert_element_type3A, %cond3A : i32
    scf.if %cond3A_58 {
      %broadcast_in_dim3A_79 = arith.constant 0.000000e+00 : f32
      %broadcast_in_dim3A_80 = vector.broadcast %broadcast_in_dim3A_79 : f32 to vector<8x256xf32>
      %swap3A_81 = arith.constant 0 : index
      %swap3A_82 = arith.constant 0 : index
      %swap3A_83 = vector.load %arg6[%swap3A_81, %swap3A_82] : memref<8x256xf32, #tpu.memory_space<vmem>>, vector<8x256xf32>
      tpu.vector_store %arg6[%swap3A_81, %swap3A_82], %broadcast_in_dim3A_80 {strides = array<i32>} : memref<8x256xf32, #tpu.memory_space<vmem>>, vector<8x256xf32>,
    } else {
    }
    %get3A_59 = arith.constant 0 : index
    %get3A_60 = arith.constant 0 : index
    %get3A_61 = vector.load %arg6[%get3A_59, %get3A_60] : memref<8x256xf32, #tpu.memory_space<vmem>>, vector<1x256xf32>
    %reduce_sum3A = arith.constant dense<0.000000e+00> : vector<256xf32>
    %reduce_sum3A_62 = vector.multi_reduction <add>, %concatenate3A, %reduce_sum3A [0] : vector<1000x256xf32> to vector<256xf32>
    %broadcast_in_dim3A_63 = vector.shape_cast %reduce_sum3A_62 : vector<256xf32> to vector<1x256xf32>
    %add3A_64 = arith.addf %get3A_61, %broadcast_in_dim3A_63 : vector<1x256xf32>
    %swap3A_65 = arith.constant 0 : index
    %swap3A_66 = arith.constant 0 : index
    %swap3A_67 = vector.load %arg6[%swap3A_65, %swap3A_66] : memref<8x256xf32, #tpu.memory_space<vmem>>, vector<1x256xf32>
    tpu.vector_store %arg6[%swap3A_65, %swap3A_66], %add3A_64 {strides = array<i32>} : memref<8x256xf32, #tpu.memory_space<vmem>>, vector<1x256xf32>,
    %get3A_68 = arith.constant 1 : index
    %get3A_69 = arith.constant 0 : index
    %get3A_70 = vector.load %arg6[%get3A_68, %get3A_69] : memref<8x256xf32, #tpu.memory_space<vmem>>, vector<1x256xf32>
    %mul3A_71 = arith.mulf %concatenate3A, %concatenate3A : vector<1000x256xf32>
    %reduce_sum3A_72 = arith.constant dense<0.000000e+00> : vector<256xf32>
    %reduce_sum3A_73 = vector.multi_reduction <add>, %mul3A_71, %reduce_sum3A_72 [0] : vector<1000x256xf32> to vector<256xf32>
    %broadcast_in_dim3A_74 = vector.shape_cast %reduce_sum3A_73 : vector<256xf32> to vector<1x256xf32>
    %add3A_75 = arith.addf %get3A_70, %broadcast_in_dim3A_74 : vector<1x256xf32>
    %swap3A_76 = arith.constant 1 : index
    %swap3A_77 = arith.constant 0 : index
    %swap3A_78 = vector.load %arg6[%swap3A_76, %swap3A_77] : memref<8x256xf32, #tpu.memory_space<vmem>>, vector<1x256xf32>
    tpu.vector_store %arg6[%swap3A_76, %swap3A_77], %add3A_75 {strides = array<i32>} : memref<8x256xf32, #tpu.memory_space<vmem>>, vector<1x256xf32>,
    return
  }
  func.func @transform_0(%arg0: i32) -> (i32, i32, i32) {
    %c0_i32 = arith.constant 0 : i32
    %c0_i32_0 = arith.constant 0 : i32
    %c0_i32_1 = arith.constant 0 : i32
    return %c0_i32, %arg0, %c0_i32_0 : i32, i32, i32
  }
  func.func @transform_1(%arg0: i32) -> (i32, i32, i32) {
    %c0_i32 = arith.constant 0 : i32
    %c0_i32_0 = arith.constant 0 : i32
    %c0_i32_1 = arith.constant 0 : i32
    return %c0_i32, %arg0, %c0_i32_0 : i32, i32, i32
  }
  func.func @transform_2(%arg0: i32) -> (i32, i32, i32) {
    %c0_i32 = arith.constant 0 : i32
    %c0_i32_0 = arith.constant 0 : i32
    %c0_i32_1 = arith.constant 0 : i32
    return %c0_i32, %arg0, %c0_i32_0 : i32, i32, i32
  }
  func.func @transform_3(%arg0: i32) -> (i32, i32) {
    %c0_i32 = arith.constant 0 : i32
    %c0_i32_0 = arith.constant 0 : i32
    %c0_i32_1 = arith.constant 0 : i32
    return %c0_i32, %c0_i32_0 : i32, i32
  }
  func.func @transform_4(%arg0: i32) -> (i32, i32) {
    %c0_i32 = arith.constant 0 : i32
    %c0_i32_0 = arith.constant 0 : i32
    return %arg0, %c0_i32 : i32, i32
  }
  func.func @transform_5(%arg0: i32) -> (i32, i32) {
    %c0_i32 = arith.constant 0 : i32
    %c0_i32_0 = arith.constant 0 : i32
    %c0_i32_1 = arith.constant 0 : i32
    return %c0_i32, %c0_i32_0 : i32, i32
  }
}

module attributes {stable_mosaic.version = 14 : i64} {
  func.func @_tc_out_body(%arg0: i32, %arg1: memref<1000x256xf32, #tpu.memory_space<vmem>>, %arg2: memref<1000x256xf32, #tpu.memory_space<vmem>>, %arg3: memref<1000x256xf32, #tpu.memory_space<vmem>>, %arg4: memref<1000x256xf32, #tpu.memory_space<vmem>>, %arg5: memref<8x256xf32, #tpu.memory_space<vmem>>, %arg6: memref<8x256xf32, #tpu.memory_space<vmem>>, %arg7: memref<8x256xf32, #tpu.memory_space<vmem>>, %arg8: memref<8x256xf32, #tpu.memory_space<vmem>>, %arg9: memref<1x1024xf32, #tpu.memory_space<vmem>>, %arg10: memref<1x1024xf32, #tpu.memory_space<vmem>>, %arg11: memref<1024x256xf32, #tpu.memory_space<vmem>>, %arg12: memref<1x256xf32, #tpu.memory_space<vmem>>, %arg13: memref<1000x256xf32, #tpu.memory_space<vmem>>) attributes {dimension_semantics = [#tpu.dimension_semantics<arbitrary>], iteration_bounds = array<i64: 10>, scalar_prefetch = 0 : i64, scratch_operands = 0 : i64, tpu.core_type = #tpu.core_type<tc>, window_params = [{transform_indices = @transform_0, window_bounds = array<i64: 1000, 256>}, {transform_indices = @transform_1, window_bounds = array<i64: 1000, 256>}, {transform_indices = @transform_2, window_bounds = array<i64: 1000, 256>}, {transform_indices = @transform_3, window_bounds = array<i64: 1000, 256>}, {pipeline_mode = #tpu.pipeline_mode<synchronous>, transform_indices = @transform_4, window_bounds = array<i64: 8, 256>}, {pipeline_mode = #tpu.pipeline_mode<synchronous>, transform_indices = @transform_5, window_bounds = array<i64: 8, 256>}, {pipeline_mode = #tpu.pipeline_mode<synchronous>, transform_indices = @transform_6, window_bounds = array<i64: 8, 256>}, {pipeline_mode = #tpu.pipeline_mode<synchronous>, transform_indices = @transform_7, window_bounds = array<i64: 8, 256>}, {pipeline_mode = #tpu.pipeline_mode<synchronous>, transform_indices = @transform_8, window_bounds = array<i64: 1, 1024>}, {pipeline_mode = #tpu.pipeline_mode<synchronous>, transform_indices = @transform_9, window_bounds = array<i64: 1, 1024>}, {pipeline_mode = #tpu.pipeline_mode<synchronous>, transform_indices = @transform_10, window_bounds = array<i64: 1024, 256>}, {pipeline_mode = #tpu.pipeline_mode<synchronous>, transform_indices = @transform_11, window_bounds = array<i64: 1, 256>}, {transform_indices = @transform_12, window_bounds = array<i64: 1000, 256>}]} {
    %get3A = arith.constant 0 : index
    %get3A_0 = arith.constant 0 : index
    %get3A_1 = vector.load %arg5[%get3A, %get3A_0] : memref<8x256xf32, #tpu.memory_space<vmem>>, vector<8x256xf32>
    %get3A_2 = arith.constant 0 : index
    %get3A_3 = arith.constant 0 : index
    %get3A_4 = vector.load %arg6[%get3A_2, %get3A_3] : memref<8x256xf32, #tpu.memory_space<vmem>>, vector<8x256xf32>
    %get3A_5 = arith.constant 0 : index
    %get3A_6 = arith.constant 0 : index
    %get3A_7 = vector.load %arg7[%get3A_5, %get3A_6] : memref<8x256xf32, #tpu.memory_space<vmem>>, vector<8x256xf32>
    %get3A_8 = arith.constant 0 : index
    %get3A_9 = arith.constant 0 : index
    %get3A_10 = vector.load %arg8[%get3A_8, %get3A_9] : memref<8x256xf32, #tpu.memory_space<vmem>>, vector<8x256xf32>
    %concatenate3A = tpu.concatenate %get3A_1, %get3A_4, %get3A_7, %get3A_10 in 1 : vector<8x256xf32>, vector<8x256xf32>, vector<8x256xf32>, vector<8x256xf32> -> vector<8x1024xf32>
    %slice3A = vector.extract_strided_slice %concatenate3A {offsets = [0, 0], sizes = [1, 1024], strides = [1, 1]} : vector<8x1024xf32> to vector<1x1024xf32>
    %div3A = arith.constant 1.000000e+04 : f32
    %div3A_11 = vector.broadcast %div3A : f32 to vector<1x1024xf32>
    %div3A_12 = arith.divf %slice3A, %div3A_11 : vector<1x1024xf32>
    %slice3A_13 = vector.extract_strided_slice %concatenate3A {offsets = [1, 0], sizes = [1, 1024], strides = [1, 1]} : vector<8x1024xf32> to vector<1x1024xf32>
    %div3A_14 = arith.constant 1.000000e+04 : f32
    %div3A_15 = vector.broadcast %div3A_14 : f32 to vector<1x1024xf32>
    %div3A_16 = arith.divf %slice3A_13, %div3A_15 : vector<1x1024xf32>
    %mul3A = arith.mulf %div3A_12, %div3A_12 : vector<1x1024xf32>
    %sub3A = arith.subf %div3A_16, %mul3A : vector<1x1024xf32>
    %get3A_17 = arith.constant 0 : index
    %get3A_18 = arith.constant 0 : index
    %get3A_19 = vector.load %arg9[%get3A_17, %get3A_18] : memref<1x1024xf32, #tpu.memory_space<vmem>>, vector<1x1024xf32>
    %add3A = arith.constant 9.99999974E-6 : f32
    %add3A_20 = vector.broadcast %add3A : f32 to vector<1x1024xf32>
    %add3A_21 = arith.addf %sub3A, %add3A_20 : vector<1x1024xf32>
    %rsqrt3A = math.rsqrt %add3A_21 : vector<1x1024xf32>
    %mul3A_22 = arith.mulf %get3A_19, %rsqrt3A : vector<1x1024xf32>
    %get3A_23 = arith.constant 0 : index
    %get3A_24 = arith.constant 0 : index
    %get3A_25 = vector.load %arg10[%get3A_23, %get3A_24] : memref<1x1024xf32, #tpu.memory_space<vmem>>, vector<1x1024xf32>
    %mul3A_26 = arith.mulf %div3A_12, %mul3A_22 : vector<1x1024xf32>
    %sub3A_27 = arith.subf %get3A_25, %mul3A_26 : vector<1x1024xf32>
    %get3A_28 = arith.constant 0 : index
    %get3A_29 = arith.constant 0 : index
    %get3A_30 = vector.load %arg1[%get3A_28, %get3A_29] : memref<1000x256xf32, #tpu.memory_space<vmem>>, vector<1000x256xf32>
    %get3A_31 = arith.constant 0 : index
    %get3A_32 = arith.constant 0 : index
    %get3A_33 = vector.load %arg2[%get3A_31, %get3A_32] : memref<1000x256xf32, #tpu.memory_space<vmem>>, vector<1000x256xf32>
    %get3A_34 = arith.constant 0 : index
    %get3A_35 = arith.constant 0 : index
    %get3A_36 = vector.load %arg3[%get3A_34, %get3A_35] : memref<1000x256xf32, #tpu.memory_space<vmem>>, vector<1000x256xf32>
    %get3A_37 = arith.constant 0 : index
    %get3A_38 = arith.constant 0 : index
    %get3A_39 = vector.load %arg4[%get3A_37, %get3A_38] : memref<1000x256xf32, #tpu.memory_space<vmem>>, vector<1000x256xf32>
    %concatenate3A_40 = tpu.concatenate %get3A_30, %get3A_33, %get3A_36, %get3A_39 in 1 : vector<1000x256xf32>, vector<1000x256xf32>, vector<1000x256xf32>, vector<1000x256xf32> -> vector<1000x1024xf32>
    %mul3A_41 = vector.broadcast %mul3A_22 : vector<1x1024xf32> to vector<1000x1024xf32>
    %mul3A_42 = arith.mulf %concatenate3A_40, %mul3A_41 : vector<1000x1024xf32>
    %get3A_43 = arith.constant 0 : index
    %get3A_44 = arith.constant 0 : index
    %get3A_45 = vector.load %arg11[%get3A_43, %get3A_44] : memref<1024x256xf32, #tpu.memory_space<vmem>>, vector<1024x256xf32>
    %dot_general3A = arith.constant dense<0.000000e+00> : vector<1000x256xf32>
    %dot_general3A_46 = tpu.matmul %mul3A_42, %get3A_45, %dot_general3A {dimension_numbers = #tpu.dot_dimension_numbers<[1], [0], [0], [1], [0, 0, 1, 1], [], []>, transpose_lhs_hint = false} : vector<1000x1024xf32>, vector<1024x256xf32>, vector<1000x256xf32> -> vector<1000x256xf32>
    %get3A_47 = arith.constant 0 : index
    %get3A_48 = arith.constant 0 : index
    %get3A_49 = vector.load %arg11[%get3A_47, %get3A_48] : memref<1024x256xf32, #tpu.memory_space<vmem>>, vector<1024x256xf32>
    %dot_general3A_50 = arith.constant dense<0.000000e+00> : vector<1x256xf32>
    %dot_general3A_51 = tpu.matmul %sub3A_27, %get3A_49, %dot_general3A_50 {dimension_numbers = #tpu.dot_dimension_numbers<[1], [0], [0], [1], [0, 0, 1, 1], [], []>, transpose_lhs_hint = false} : vector<1x1024xf32>, vector<1024x256xf32>, vector<1x256xf32> -> vector<1x256xf32>
    %add3A_52 = vector.broadcast %dot_general3A_51 : vector<1x256xf32> to vector<1000x256xf32>
    %add3A_53 = arith.addf %dot_general3A_46, %add3A_52 : vector<1000x256xf32>
    %get3A_54 = arith.constant 0 : index
    %get3A_55 = arith.constant 0 : index
    %get3A_56 = vector.load %arg12[%get3A_54, %get3A_55] : memref<1x256xf32, #tpu.memory_space<vmem>>, vector<1x256xf32>
    %add3A_57 = vector.broadcast %get3A_56 : vector<1x256xf32> to vector<1000x256xf32>
    %add3A_58 = arith.addf %add3A_53, %add3A_57 : vector<1000x256xf32>
    %swap3A = arith.constant 0 : index
    %swap3A_59 = arith.constant 0 : index
    %swap3A_60 = vector.load %arg13[%swap3A, %swap3A_59] : memref<1000x256xf32, #tpu.memory_space<vmem>>, vector<1000x256xf32>
    tpu.vector_store %arg13[%swap3A, %swap3A_59], %add3A_58 {strides = array<i32>} : memref<1000x256xf32, #tpu.memory_space<vmem>>, vector<1000x256xf32>,
    return
  }
  func.func @transform_0(%arg0: i32) -> (i32, i32) {
    %c0_i32 = arith.constant 0 : i32
    %c0_i32_0 = arith.constant 0 : i32
    return %arg0, %c0_i32 : i32, i32
  }
  func.func @transform_1(%arg0: i32) -> (i32, i32) {
    %c0_i32 = arith.constant 0 : i32
    %c0_i32_0 = arith.constant 0 : i32
    return %arg0, %c0_i32 : i32, i32
  }
  func.func @transform_2(%arg0: i32) -> (i32, i32) {
    %c0_i32 = arith.constant 0 : i32
    %c0_i32_0 = arith.constant 0 : i32
    return %arg0, %c0_i32 : i32, i32
  }
  func.func @transform_3(%arg0: i32) -> (i32, i32) {
    %c0_i32 = arith.constant 0 : i32
    %c0_i32_0 = arith.constant 0 : i32
    return %arg0, %c0_i32 : i32, i32
  }
  func.func @transform_4(%arg0: i32) -> (i32, i32) {
    %c0_i32 = arith.constant 0 : i32
    %c0_i32_0 = arith.constant 0 : i32
    %c0_i32_1 = arith.constant 0 : i32
    return %c0_i32, %c0_i32_0 : i32, i32
  }
  func.func @transform_5(%arg0: i32) -> (i32, i32) {
    %c0_i32 = arith.constant 0 : i32
    %c0_i32_0 = arith.constant 0 : i32
    %c0_i32_1 = arith.constant 0 : i32
    return %c0_i32, %c0_i32_0 : i32, i32
  }
  func.func @transform_6(%arg0: i32) -> (i32, i32) {
    %c0_i32 = arith.constant 0 : i32
    %c0_i32_0 = arith.constant 0 : i32
    %c0_i32_1 = arith.constant 0 : i32
    return %c0_i32, %c0_i32_0 : i32, i32
  }
  func.func @transform_7(%arg0: i32) -> (i32, i32) {
    %c0_i32 = arith.constant 0 : i32
    %c0_i32_0 = arith.constant 0 : i32
    %c0_i32_1 = arith.constant 0 : i32
    return %c0_i32, %c0_i32_0 : i32, i32
  }
  func.func @transform_8(%arg0: i32) -> (i32, i32) {
    %c0_i32 = arith.constant 0 : i32
    %c0_i32_0 = arith.constant 0 : i32
    %c0_i32_1 = arith.constant 0 : i32
    return %c0_i32, %c0_i32_0 : i32, i32
  }
  func.func @transform_9(%arg0: i32) -> (i32, i32) {
    %c0_i32 = arith.constant 0 : i32
    %c0_i32_0 = arith.constant 0 : i32
    %c0_i32_1 = arith.constant 0 : i32
    return %c0_i32, %c0_i32_0 : i32, i32
  }
  func.func @transform_10(%arg0: i32) -> (i32, i32) {
    %c0_i32 = arith.constant 0 : i32
    %c0_i32_0 = arith.constant 0 : i32
    %c0_i32_1 = arith.constant 0 : i32
    return %c0_i32, %c0_i32_0 : i32, i32
  }
  func.func @transform_11(%arg0: i32) -> (i32, i32) {
    %c0_i32 = arith.constant 0 : i32
    %c0_i32_0 = arith.constant 0 : i32
    %c0_i32_1 = arith.constant 0 : i32
    return %c0_i32, %c0_i32_0 : i32, i32
  }
  func.func @transform_12(%arg0: i32) -> (i32, i32) {
    %c0_i32 = arith.constant 0 : i32
    %c0_i32_0 = arith.constant 0 : i32
    return %arg0, %c0_i32 : i32, i32
  }
}

</mosaic_0001>

<sc_bundles>
// kernel: kernel.11.cloned.1.call-start
scs
__scs_entry_jumppad:
0x0: {  	(pc) =	sbr.rel $0x88, $3  }
0x1: {  	(tag) =	ssettag $0x0;
	lr =	simm.s32 $0x1  }
0x2: {  	[smem:$0x3F95] =	sst lr;
	_ =	strace $0xD0000000  }
0x3: {  	_ = 	snop  }
0x4: {  	_ = 	snop  }
0x5: {  	_ = 	snop  }
0x6: {  	_ = 	snop  }
0x7: {  	_ = 	snop  }
__scs_overlays_trampoline_lowered:
0x8: {  	[smem:$0x3FA4] =	sst s0  }
0x9: {  	[smem:$0x3FA5] =	sst s1  }
0xa: {  	[smem:$0x3FA6] =	sst s2  }
0xb: {  	[smem:$0x3FA7] =	sst s3  }
0xc: {  	[smem:$0x3FA8] =	sst s4  }
0xd: {  	[smem:$0x3FA9] =	sst s5  }
0xe: {  	[smem:$0x3FAA] =	sst s6  }
0xf: {  	[smem:$0x3FAB] =	sst s7  }
0x10: {  	[smem:$0x3FAC] =	sst s8  }
0x11: {  	[smem:$0x3FAD] =	sst s9;
	s0 =	simm.s32 @!p0 $0x0  }
0x12: {  	s1 =	sld [smem:$0x3F93];
	s0 =	simm.s32 @p0 $0x1  }
0x13: {  	[smem:$0x3FAE] =	sst s0;
	s0 =	simm.s32 @!p1 $0x0  }
0x14: {  	s2 =	sld [smem:$0x3F92];
	s0 =	simm.s32 @p1 $0x1  }
0x15: {  	[smem:$0x3FAF] =	sst s0;
	s0 =	simm.s32 @!p2 $0x0  }
0x16: {  	s3 =	sld [smem:$0x3FDB];
	s0 =	simm.s32 @p2 $0x1  }
0x17: {  	s4 =	simm.s32 $0x1BF5;
	[smem:$0x3FB1] =	sst s0  }
0x18: {  	s0 =	sld [smem:$0x3F94];
	_ =	swait.ge [sflag:s4], $0x0  }
0x19: {  	s7 =	sld [smem:$0x3F95]  }
0x1a: {  	s8 =	sadd.s32 $0xFFFFE003, lr  }
0x1b: {  	s9 =	sadd.s32 $0xFFFFFEF7, lr;
	s5 =	simm.s32 $0xFFFFFFFF;
	p2 =	slt.u32 s8, $0xFFFFF086  }
0x1c: {  	p1 =	slt.u32 s9, $0xF7A;
	s5 =	simm.s32 @!p2 $0x0  }
0x1d: {  	s5 =	simm.s32 @p1 $0x1;
	p0 =	seq.s32 s7, s2  }
0x1e: {  	s7 =	smul.u32 @!p0 $0xF7A, s2;
	p2 =	seq.s32 @!p0 s5, $0x0  }
0x1f: {  	s9 =	smul.u32 $0xF7A, s1;
	s8 =	simm.s32 @!p0 $0x1BF5;
	p2 =	por !p2, p0  }
0x20: {  	[sflag:s8] =	ssyncset.s32 @!p0 $0xFFFFF086;
	s6 =	sadd.s32 @!p0 s3, s7;
	s7 =	simm.s32 @!p0 $0x108  }
0x21: {  	s3 =	sadd.s32 s3, s9;
	s6 =	sadd.s32 @!p0 $0x88, s6;
	s7 =	simm.s32 @p2 $0x1082  }
0x22: {  	[simem:s7], [sflag:s8] =	dma.local @!p0 [hbm:s6], $0xF7A  }
0x23: {  	s9 =	sor.u32 $0xD0000000, s2;
	s6 =	simm.s32 $0x108;
	_ =	swait.ge @!p0 [sflag:s8], $0x0  }
0x24: {  	s3 =	sadd.s32 $0x88, s3;
	s6 =	simm.s32 @!p1 $0x1082;
	[sflag:s4] =	ssyncset.s32 $0xFFFFF086  }
0x25: {  	[simem:s6], [sflag:s4] =	dma.local [hbm:s3], $0xF7A  }
0x26: {  	[smem:$0x3F95] =	sst s1;
	(tag) =	ssettag s2;
	_ =	strace s9  }
0x27: {  	s1 =	sld [smem:$0x3FA5]  }
0x28: {  	s2 =	sld [smem:$0x3FA6]  }
0x29: {  	s4 =	sld [smem:$0x3FA8]  }
0x2a: {  	p0 =	seq.s32 s5, $0x0;
	s5 =	sld [smem:$0x3FA9]  }
0x2b: {  	s6 =	sld [smem:$0x3FAA]  }
0x2c: {  	s7 =	sld [smem:$0x3FAB]  }
0x2d: {  	s3 =	simm.s32 $0x108;
	s8 =	sld [smem:$0x3FAC]  }
0x2e: {  	s3 =	simm.s32 @!p0 $0x1082;
	s9 =	sld [smem:$0x3FAD]  }
0x2f: {  	lr =	sadd.s32 s0, s3;
	s0 =	sld [smem:$0x3FA4]  }
0x30: {  	s3 =	sld [smem:$0x3FA7]  }
0x31: {  	[smem:$0x3FB0] =	sst s10  }
0x32: {  	s10 =	sld [smem:$0x3FAE];
	_ =	sdelay $0x3  }
0x33: {  	p0 =	seq.s32 s10, $0x1;
	s10 =	sld [smem:$0x3FB0];
	_ =	sdelay $0x3  }
0x34: {  	[smem:$0x3FB0] =	sst s10  }
0x35: {  	s10 =	sld [smem:$0x3FAF];
	_ =	sdelay $0x3  }
0x36: {  	p1 =	seq.s32 s10, $0x1;
	s10 =	sld [smem:$0x3FB0];
	_ =	sdelay $0x3  }
0x37: {  	[smem:$0x3FB0] =	sst s10  }
0x38: {  	s10 =	sld [smem:$0x3FB1]  }
0x39: {  	_ = 	snop;
	(pc) =	sbr.ind lr, $3  }
0x3a: {  	_ = 	snop  }
0x3b: {  	_ = 	snop  }
0x3c: {  	p2 =	seq.s32 s10, $0x1;
	s10 =	sld [smem:$0x3FB0]  }
0x3d: {  	_ =	shalt  }
0x3e: {  	_ =	shalt  }
0x3f: {  	_ =	shalt  }
0x40: {  	_ =	shalt  }
0x41: {  	_ =	shalt  }
0x42: {  	_ =	shalt  }
0x43: {  	_ =	shalt  }
0x44: {  	_ =	shalt  }
0x45: {  	_ =	shalt  }
0x46: {  	_ =	shalt  }
0x47: {  	_ =	shalt  }
0x48: {  	_ =	shalt  }
0x49: {  	_ =	shalt  }
0x4a: {  	_ =	shalt  }
0x4b: {  	_ =	shalt  }
0x4c: {  	_ =	shalt  }
0x4d: {  	_ =	shalt  }
0x4e: {  	_ =	shalt  }
0x4f: {  	_ =	shalt  }
0x50: {  	_ =	shalt  }
0x51: {  	_ =	shalt  }
0x52: {  	_ =	shalt  }
0x53: {  	_ =	shalt  }
0x54: {  	_ =	shalt  }
0x55: {  	_ =	shalt  }
0x56: {  	_ =	shalt  }
0x57: {  	_ =	shalt  }
0x58: {  	_ =	shalt  }
0x59: {  	_ =	shalt  }
0x5a: {  	_ =	shalt  }
0x5b: {  	_ =	shalt  }
0x5c: {  	_ =	shalt  }
0x5d: {  	_ =	shalt  }
0x5e: {  	_ =	shalt  }
0x5f: {  	_ =	shalt  }
0x60: {  	_ =	shalt  }
0x61: {  	_ =	shalt  }
0x62: {  	_ =	shalt  }
0x63: {  	_ =	shalt  }
0x64: {  	_ =	shalt  }
0x65: {  	_ =	shalt  }
0x66: {  	_ =	shalt  }
0x67: {  	_ =	shalt  }
0x68: {  	_ =	shalt  }
0x69: {  	_ =	shalt  }
0x6a: {  	_ =	shalt  }
0x6b: {  	_ =	shalt  }
0x6c: {  	_ =	shalt  }
0x6d: {  	_ =	shalt  }
0x6e: {  	_ =	shalt  }
0x6f: {  	_ =	shalt  }
0x70: {  	_ =	shalt  }
0x71: {  	_ =	shalt  }
0x72: {  	_ =	shalt  }
0x73: {  	_ =	shalt  }
0x74: {  	_ =	shalt  }
0x75: {  	_ =	shalt  }
0x76: {  	_ =	shalt  }
0x77: {  	_ =	shalt  }
0x78: {  	_ =	shalt  }
0x79: {  	_ =	shalt  }
0x7a: {  	_ =	shalt  }
0x7b: {  	_ =	shalt  }
0x7c: {  	_ =	shalt  }
0x7d: {  	_ =	shalt  }
0x7e: {  	_ =	shalt  }
0x7f: {  	_ =	shalt  }
0x80: {  	_ =	shalt  }
0x81: {  	_ =	shalt  }
0x82: {  	_ =	shalt  }
0x83: {  	_ =	shalt  }
0x84: {  	_ =	shalt  }
0x85: {  	_ =	shalt  }
0x86: {  	_ =	shalt  }
0x87: {  	_ =	shalt  }
.Lfunc_end0:
.L_simem_size_0:
called_computation_lowered:
.L_overlay_start_0:
0x88: {  	s2 =	sld [smem:$0x3FD9]  }
0x89: {  	s3 =	sld [smem:$0x3FFE];
	_ =	sdelay $0x1  }
0x8a: {  	s1 =	srdreg.scid  }
0x8b: {  	s0 =	sand.u32 $0x1, s1  }
0x8c: {  	s16 =	sshll.u32 s0, $0xA;
	s2 =	sadd.s32 s3, s2  }
0x8d: {  	s2 =	sadd.s32 s2, s16  }
0x8e: {  	[smem:$0x3FBC] =	sst s2  }
0x8f: {  	_ = 	snop  }
0x90: {  	(tm) =	ssettm $0x1  }
0x91: {  	s17 =	sld [smem:$0x3FFB];
	_ =	sdelay $0x3  }
0x92: {  	_ =	strace s17  }
0x93: {  	s2 =	sld [smem:$0x3FFC];
	_ =	sdelay $0x3  }
0x94: {  	_ =	strace s2  }
0x95: {  	s2 =	sld [smem:$0x3FFD];
	_ =	sdelay $0x3  }
0x96: {  	_ =	strace s2  }
0x97: {  	_ =	strace $0x8FFFFFFF  }
0x98: {  	s18 =	sld [smem:$0x3FDB];
	_ =	sdelay $0x1  }
0x99: {  	s19 =	simm.s32 $_scs_section_size  }
0x9a: {  	s4 =	simm.s32 $_size__tile_overlayer_lowered;
	s5 =	simm.s32 $_tile_overlayer_lowered  }
0x9b: {  	s22 =	simm.s32 $0x1BFF;
	s21 =	sshll.u32 s5, $0x1;
	s2 =	sadd.s32 s19, s18  }
0x9c: {  	s6 =	simm.s32 $0x0;
	s20 =	sshll.u32 s4, $0x1;
	s4 =	sadd.s32 s21, s2  }
0x9d: {  	[timem:s6], [sflag:s22] =	dma.local [hbm:s4], s20  }
0x9e: {  	_ =	swait.ge [sflag:s22], s20  }
0x9f: {  	s3 =	ssub.s32 $0x0, s20;
	[sflag:s22] =	ssyncset.done $0x0  }
0xa0: {  	[sflag:s22] =	ssyncadd.s32 s3;
	_ =	sdelay $0x1  }
0xa1: {  	s23 =	simm.s32 $0x1B8B  }
0xa2: {  	_ =	swait.ge [sflag:s23], $0x1  }
0xa3: {  	[sflag:s23] =	ssyncset.done $0x0  }
0xa4: {  	s25 =	simm.s32 $0x1B8E;
	s24 =	sld [smem:$0x3FFE];
	[sflag:s23] =	ssyncadd.s32 $0xFFFFFFFF  }
0xa5: {  	s26 =	simm.s32 $execute0_lowered;
	[smem:$0x3FD2] =	sst s25  }
0xa6: {  	s4 =	sshll.u32 s26, $0x1;
	_ =	strace $0x80000046;
	[dreg:$0x1] =	wrdreg $0xFFFFFFFF  }
0xa7: {  	s28 =	simm.s32 $_size_execute0_lowered;
	s2 =	sadd.s32 s2, s4;
	[dreg:$0x0] =	wrdreg $0x0  }
0xa8: {  	s4 =	sshll.u32 s28, $0x1;
	[dreg:$0x2] =	wrdreg s2  }
0xa9: {  	[dreg:$0x3] =	wrdreg s4  }
0xaa: {  	[dreg:$0x4] =	wrdreg $0xC0  }
0xab: {  	_ =	task [dreg:s6], $0x5FFFF  }
0xac: {  	[dreg:$0x1] =	wrdreg $0xFFFFFFFF  }
0xad: {  	[dreg:$0x0] =	wrdreg $0x60  }
0xae: {  	[dreg:$0x2] =	wrdreg s24  }
0xaf: {  	[dreg:$0x3] =	wrdreg $0x0  }
0xb0: {  	[dreg:$0x4] =	wrdreg $0x9  }
0xb1: {  	_ =	task.clear_ibuf [dreg:s6], $0x5FFFF;
	_ =	strace $0x90000046  }
0xb2: {  	s29 =	simm.s32 $0x9;
	_ =	strace $0x80000048  }
0xb3: {  	_ =	swait.ge [sflag:s29], $0x1  }
0xb4: {  	[sflag:s29] =	ssyncadd.s32 $0xFFFFFFFF  }
0xb5: {  	_ =	strace $0x90000048  }
0xb6: {  	_ =	sfence  }
0xb7: {  	s30 =	sld [smem:$0x0];
	_ =	sdelay $0x2  }
0xb8: {  	s31 =	sshll.u32 s1, $0xD;
	s1 =	sshrl.u32 s1, $0x2  }
0xb9: {  	s3 =	sand.u32 $0x4000, s31;
	s1 =	sadd.s32 s1, s30  }
0xba: {  	s0 =	sor.u32 s3, s0;
	s1 =	sshll.u32 s1, $0x11  }
0xbb: {  	s0 =	sor.u32 s1, s0  }
0xbc: {  	s0 =	sadd.s32 $0x8F2B, s0  }
0xbd: {  	[sflag:s0] =	ssyncadd.remote.s32 $0x1  }
0xbe: {  	_ =	sfence.sel $0xFFFF  }
0xbf: {  	[dreg:$0x0] =	wrdreg $0xFFFFFFFF;
	(pc) =	sbr.abs _section_cstart, $3  }
0xc0: {  	[dreg:$0x1] =	wrdreg $0xFFFFFFFF  }
0xc1: {  	_ =	task.clear_ibuf [dreg:s6], $0x2FFFF;
	_ =	strace $0x9FFFFFFF  }
0xc2: {  	(tm) =	ssettm $0x7FFFFFFF  }
0xc3: {  	_ =	shalt  }
tec
execute0_lowered:
.L_overlay_start_1:
0x0: {  	(tag) =	ssettag $0x1  }
0x1: {  	s3 =	rddreg [dreg:$0x0]  }
0x2: {  	s1 =	rddreg [dreg:$0x1]  }
0x3: {  	s0 =	rddreg [dreg:$0x2];
	s12 =	stileid.u32  }
0x4: {  	s4 =	srdreg.scid;
	s2 =	simm.s32 $0x0;
	s11 =	simm.s32 $0x80  }
0x5: {  	s14 =	simm.s32 $0x0;
	s5 =	smul.u32 $0x500, s12;
	s4 =	sand.u32 $0x1, s4  }
0x6: {  	[smem:$0x7FF] =	sst s2;
	s8 =	smul.u32 $0x4E000, s12;
	p1 =	sne.s32 s12, $0xF  }
0x7: {  	p0 =	sne.s32 s12, $0x0;
	s12 =	simm.s32 $0x2798;
	s6 =	smul.u32 $0x27100, s4  }
0x8: {  	_ =	strace $0x80000047;
	s7 =	ssub.s32 $0x2, s4;
	s10 =	smul.u32 $0x280, s4  }
0x9: {  	s4 =	sadd.s32 $0x138000, s1;
	s13 =	sshrl.u32 @!p0 s1, $0x3;
	s5 =	sadd.s32 s5, s3  }
0xa: {  	s9 =	sshrl.u32 s7, $0x1;
	s30 =	sshrl.u32 s8, $0x2;
	s8 =	simm.s32 $0x6798  }
0xb: {  	s6 =	sadd.s32 s6, s3;
	s7 =	ssub.s32 s7, s9;
	s3 =	sadd.s32 s30, s1  }
0xc: {  	s31 =	sadd.s32 s10, s5;
	s9 =	simm.s32 $0x1;
	s10 =	simm.s32 $0x2718  }
0xd: {  	v0 =	vimm.f32 $0.0e+00;
	v1 =	vimm.f32 $1.000000000e+00;
	s5 =	sadd.s32 $0x9000, s6;
	s6 =	smax.u32 s7, $0x1;
	s7 =	sadd.s32 $0x4000, s31  }
.LBB2_1:
0xe: {  	s15 =	simm.s32 $0x0  }
.LBB2_2:
0xf: {  	p2 =	sne.s32 s15, $0x4DE00  }
.Ltmp0:
0x10: {  	_ = 	snop;
	(pc) =	sbr.rel @p2 .LBB2_2-.Ltmp0, $3  }
0x11: {  	_ =	sdelay $0x1  }
0x12: {  	s16 =	sshra.s32 s15, $0x2  }
0x13: {  	s15 =	sadd.s32 $0x200, s15;
	[tilespmem:s16+$0x6798] =	vst v0  }
0x14: {  	s15 =	simm.s32 $0x200;
	s16 =	simm.s32 $0x0  }
.LBB2_4:
0x15: {  	p2 =	sne.s32 s15, $0xFE00;
	[tilespmem:s16+$0x2798] =	vst v1;
	s16 =	smov.u32 s15;
	s15 =	sadd.s32 $0x200, s15  }
.Ltmp1:
0x16: {  	(pc) =	sbr.rel @p2 .LBB2_4-.Ltmp1, $2  }
0x17: {  	_ =	sdelay $0x2  }
0x18: {  	s16 =	sshra.s32 s16, $0x2  }
0x19: {  	[tilespmem:s16+$0x2798] =	vst v1  }
0x1a: {  	[spmem:s3] =	stream.linear.scatter [tilespmem:s8], [sflag:$0x1], $0x13800, $0x38;
	[tilespmem:$0x19F98] =	vst v63  }
0x1b: {  	_ =	swait.ge [sflag:s9], $0x13800  }
0x1c: {  	[sflag:s9] =	ssyncset.done $0x0  }
0x1d: {  	s15 =	simm.s32 @!p1 $0x6798;
	[sflag:s9] =	ssyncadd.s32 $0xFFFEC800  }
0x1e: {  	[spmem:s4] =	stream.linear.scatter @!p1 [tilespmem:s15], [sflag:$0x1], $0x800, $0x38;
	[tilespmem:$0x19F98] =	vst v63  }
0x1f: {  	s15 =	simm.s32 @!p1 $0x1  }
0x20: {  	_ =	swait.ge @!p1 [sflag:s15], $0x800  }
0x21: {  	[sflag:s15] =	ssyncset.done @!p1 $0x0  }
0x22: {  	[sflag:s15] =	ssyncadd.s32 @!p1 $0xFFFFF800  }
0x23: {  	s31 =	sadd.s32 $0x0, s7;
	[bflag:$0x0] =	sbarrier.arrive $0xFFFF  }
0x24: {  	[tilespmem:s10], [sflag:$0x1] =	stream.linear.gather [hbm4b:s31+s2], $0x80, $0x38;
	[tilespmem:$0x19F98] =	vst v63  }
0x25: {  	_ =	swait.ge [sflag:s9], $0x80  }
0x26: {  	[sflag:s9] =	ssyncset.done $0x0  }
0x27: {  	[sflag:s9] =	ssyncadd.s32 $0xFFFFFF80  }
0x28: {  	[spmem:s1] =	stream.indirect.scatter.add.f32 [tilespmem:s12], [sflag:$0x1], $0x10, s10, s11, $0xb8;
	[tilespmem:$0x19F98] =	vst v63  }
0x29: {  	_ =	swait.ge [sflag:s9], $0x800  }
0x2a: {  	s16 =	simm.s32 $0x20;
	s15 =	simm.s32 $0x10;
	[sflag:s9] =	ssyncset.done $0x0  }
.LBB2_6:
0x2b: {  	s17 =	sadd.s32 s15, s7  }
0x2c: {  	[sflag:s9] =	ssyncadd.s32 $0xFFFFF800;
	s15 =	smov.u32 s16;
	s18 =	sadd.s32 $0x10, s16  }
0x2d: {  	[tilespmem:s10], [sflag:$0x1] =	stream.linear.gather [hbm4b:s17+s2], $0x80, $0x38;
	[tilespmem:$0x19F98] =	vst v63  }
0x2e: {  	p2 =	sne.s32 s16, $0x270;
	_ =	swait.ge [sflag:s9], $0x80  }
.Ltmp2:
0x2f: {  	[sflag:s9] =	ssyncset.done $0x0;
	(pc) =	sbr.rel @p2 .LBB2_6-.Ltmp2, $4  }
0x30: {  	[sflag:s9] =	ssyncadd.s32 $0xFFFFFF80  }
0x31: {  	[spmem:s1] =	stream.indirect.scatter.add.f32 [tilespmem:s12], [sflag:$0x1], $0x10, s10, s11, $0xb8;
	[tilespmem:$0x19F98] =	vst v63  }
0x32: {  	_ =	swait.ge [sflag:s9], $0x800  }
0x33: {  	s16 =	smov.u32 s18;
	[sflag:s9] =	ssyncset.done $0x0  }
0x34: {  	s15 =	sadd.s32 s15, s7;
	[sflag:s9] =	ssyncadd.s32 $0xFFFFF800  }
0x35: {  	[tilespmem:s10], [sflag:$0x1] =	stream.linear.gather [hbm4b:s15+s2], $0x80, $0x38;
	[tilespmem:$0x19F98] =	vst v63  }
0x36: {  	_ =	swait.ge [sflag:s9], $0x80  }
0x37: {  	[sflag:s9] =	ssyncset.done $0x0  }
0x38: {  	[sflag:s9] =	ssyncadd.s32 $0xFFFFFF80  }
0x39: {  	[spmem:s1] =	stream.indirect.scatter.add.f32 [tilespmem:s12], [sflag:$0x1], $0x10, s10, s11, $0xb8;
	[tilespmem:$0x19F98] =	vst v63  }
0x3a: {  	_ =	swait.ge [sflag:s9], $0x800  }
0x3b: {  	[sflag:s9] =	ssyncset.done $0x0  }
0x3c: {  	s14 =	sadd.s32 $0x1, s14;
	[sflag:s9] =	ssyncadd.s32 $0xFFFFF800  }
0x3d: {  	s15 =	simm.s32 @!p0 $0x1C01;
	p2 =	sne.s32 s14, s6;
	[bflag:$0x0] =	sbarrier.arrive $0xFFFF  }
0x3e: {  	[hbm:s5], [sflag:s15] =	dma.local @!p0 [spmem:s13], $0x27100  }
.Ltmp3:
0x3f: {  	_ = 	snop;
	(pc) =	sbr.rel @p2 .LBB2_1-.Ltmp3, $4  }
0x40: {  	s15 =	simm.s32 @!p0 $0x1  }
0x41: {  	_ =	swait.ge @!p0 [sflag:s15], $0x27100  }
0x42: {  	[sflag:s15] =	ssyncset.done @!p0 $0x0  }
0x43: {  	[sflag:s15] =	ssyncadd.s32 @!p0 $0xFFFD8F00  }
0x44: {  	_ =	sfence.sel $0x180000  }
0x45: {  	[bflag:$0x0] =	sbarrier.arrive $0xFFFF  }
0x46: {  	_ =	strace $0x90000047  }
0x47: {  	s0 =	sadd.s32 @!p0 $0x100000, s0;
	[bflag:$0x2] =	sbarrier.arrive $0xFFFF  }
0x48: {  	[sflag:s0] =	ssyncadd.tile.s32 @!p0 $0x1;
	_ =	shalt  }
.Lfunc_end2:
_tile_overlayer_lowered:
.L_overlay_start_2:
0x49: {  	(tag) =	ssettag $0x2  }
0x4a: {  	s0 =	rddreg [dreg:$0x0];
	s2 =	stileid.u32  }
0x4b: {  	s1 =	rddreg [dreg:$0x1];
	p0 =	sne.s32 s2, $0x0  }
0x4c: {  	s3 =	rddreg [dreg:$0x2];
	[bflag:$0x3] =	sbarrier.arrive $0xFFFF;
	s2 =	simm.s32 @!p0 $0x1C01  }
0x4d: {  	[timem:s3], [sflag:s2] =	dma.local @!p0 [hbm:s0], s1  }
0x4e: {  	s0 =	simm.s32 @!p0 $0x1  }
0x4f: {  	_ =	swait.ge @!p0 [sflag:s0], s1  }
0x50: {  	s1 =	ssub.s32 @!p0 $0x0, s1;
	[sflag:s0] =	ssyncset.done @!p0 $0x0  }
0x51: {  	[sflag:s0] =	ssyncadd.s32 @!p0 s1  }
0x52: {  	[bflag:$0x3] =	sbarrier.arrive $0xFFFF  }
0x53: {  	_ =	shalt  }

// kernel: kernel.14.cloned.1.call-start
scs
__scs_entry_jumppad:
0x0: {  	(pc) =	sbr.rel $0x88, $3  }
0x1: {  	(tag) =	ssettag $0x0;
	lr =	simm.s32 $0x1  }
0x2: {  	[smem:$0x3F95] =	sst lr;
	_ =	strace $0xD0000000  }
0x3: {  	_ = 	snop  }
0x4: {  	_ = 	snop  }
0x5: {  	_ = 	snop  }
0x6: {  	_ = 	snop  }
0x7: {  	_ = 	snop  }
__scs_overlays_trampoline_lowered:
0x8: {  	[smem:$0x3FA4] =	sst s0  }
0x9: {  	[smem:$0x3FA5] =	sst s1  }
0xa: {  	[smem:$0x3FA6] =	sst s2  }
0xb: {  	[smem:$0x3FA7] =	sst s3  }
0xc: {  	[smem:$0x3FA8] =	sst s4  }
0xd: {  	[smem:$0x3FA9] =	sst s5  }
0xe: {  	[smem:$0x3FAA] =	sst s6  }
0xf: {  	[smem:$0x3FAB] =	sst s7  }
0x10: {  	[smem:$0x3FAC] =	sst s8  }
0x11: {  	[smem:$0x3FAD] =	sst s9;
	s0 =	simm.s32 @!p0 $0x0  }
0x12: {  	s1 =	sld [smem:$0x3F93];
	s0 =	simm.s32 @p0 $0x1  }
0x13: {  	[smem:$0x3FAE] =	sst s0;
	s0 =	simm.s32 @!p1 $0x0  }
0x14: {  	s2 =	sld [smem:$0x3F92];
	s0 =	simm.s32 @p1 $0x1  }
0x15: {  	[smem:$0x3FAF] =	sst s0;
	s0 =	simm.s32 @!p2 $0x0  }
0x16: {  	s3 =	sld [smem:$0x3FDB];
	s0 =	simm.s32 @p2 $0x1  }
0x17: {  	s4 =	simm.s32 $0x1BF5;
	[smem:$0x3FB1] =	sst s0  }
0x18: {  	s0 =	sld [smem:$0x3F94];
	_ =	swait.ge [sflag:s4], $0x0  }
0x19: {  	s7 =	sld [smem:$0x3F95]  }
0x1a: {  	s8 =	sadd.s32 $0xFFFFE003, lr  }
0x1b: {  	s9 =	sadd.s32 $0xFFFFFEF7, lr;
	s5 =	simm.s32 $0xFFFFFFFF;
	p2 =	slt.u32 s8, $0xFFFFF086  }
0x1c: {  	p1 =	slt.u32 s9, $0xF7A;
	s5 =	simm.s32 @!p2 $0x0  }
0x1d: {  	s5 =	simm.s32 @p1 $0x1;
	p0 =	seq.s32 s7, s2  }
0x1e: {  	s7 =	smul.u32 @!p0 $0xF7A, s2;
	p2 =	seq.s32 @!p0 s5, $0x0  }
0x1f: {  	s9 =	smul.u32 $0xF7A, s1;
	s8 =	simm.s32 @!p0 $0x1BF5;
	p2 =	por !p2, p0  }
0x20: {  	[sflag:s8] =	ssyncset.s32 @!p0 $0xFFFFF086;
	s6 =	sadd.s32 @!p0 s3, s7;
	s7 =	simm.s32 @!p0 $0x108  }
0x21: {  	s3 =	sadd.s32 s3, s9;
	s6 =	sadd.s32 @!p0 $0x88, s6;
	s7 =	simm.s32 @p2 $0x1082  }
0x22: {  	[simem:s7], [sflag:s8] =	dma.local @!p0 [hbm:s6], $0xF7A  }
0x23: {  	s9 =	sor.u32 $0xD0000000, s2;
	s6 =	simm.s32 $0x108;
	_ =	swait.ge @!p0 [sflag:s8], $0x0  }
0x24: {  	s3 =	sadd.s32 $0x88, s3;
	s6 =	simm.s32 @!p1 $0x1082;
	[sflag:s4] =	ssyncset.s32 $0xFFFFF086  }
0x25: {  	[simem:s6], [sflag:s4] =	dma.local [hbm:s3], $0xF7A  }
0x26: {  	[smem:$0x3F95] =	sst s1;
	(tag) =	ssettag s2;
	_ =	strace s9  }
0x27: {  	s1 =	sld [smem:$0x3FA5]  }
0x28: {  	s2 =	sld [smem:$0x3FA6]  }
0x29: {  	s4 =	sld [smem:$0x3FA8]  }
0x2a: {  	p0 =	seq.s32 s5, $0x0;
	s5 =	sld [smem:$0x3FA9]  }
0x2b: {  	s6 =	sld [smem:$0x3FAA]  }
0x2c: {  	s7 =	sld [smem:$0x3FAB]  }
0x2d: {  	s3 =	simm.s32 $0x108;
	s8 =	sld [smem:$0x3FAC]  }
0x2e: {  	s3 =	simm.s32 @!p0 $0x1082;
	s9 =	sld [smem:$0x3FAD]  }
0x2f: {  	lr =	sadd.s32 s0, s3;
	s0 =	sld [smem:$0x3FA4]  }
0x30: {  	s3 =	sld [smem:$0x3FA7]  }
0x31: {  	[smem:$0x3FB0] =	sst s10  }
0x32: {  	s10 =	sld [smem:$0x3FAE];
	_ =	sdelay $0x3  }
0x33: {  	p0 =	seq.s32 s10, $0x1;
	s10 =	sld [smem:$0x3FB0];
	_ =	sdelay $0x3  }
0x34: {  	[smem:$0x3FB0] =	sst s10  }
0x35: {  	s10 =	sld [smem:$0x3FAF];
	_ =	sdelay $0x3  }
0x36: {  	p1 =	seq.s32 s10, $0x1;
	s10 =	sld [smem:$0x3FB0];
	_ =	sdelay $0x3  }
0x37: {  	[smem:$0x3FB0] =	sst s10  }
0x38: {  	s10 =	sld [smem:$0x3FB1]  }
0x39: {  	_ = 	snop;
	(pc) =	sbr.ind lr, $3  }
0x3a: {  	_ = 	snop  }
0x3b: {  	_ = 	snop  }
0x3c: {  	p2 =	seq.s32 s10, $0x1;
	s10 =	sld [smem:$0x3FB0]  }
0x3d: {  	_ =	shalt  }
0x3e: {  	_ =	shalt  }
0x3f: {  	_ =	shalt  }
0x40: {  	_ =	shalt  }
0x41: {  	_ =	shalt  }
0x42: {  	_ =	shalt  }
0x43: {  	_ =	shalt  }
0x44: {  	_ =	shalt  }
0x45: {  	_ =	shalt  }
0x46: {  	_ =	shalt  }
0x47: {  	_ =	shalt  }
0x48: {  	_ =	shalt  }
0x49: {  	_ =	shalt  }
0x4a: {  	_ =	shalt  }
0x4b: {  	_ =	shalt  }
0x4c: {  	_ =	shalt  }
0x4d: {  	_ =	shalt  }
0x4e: {  	_ =	shalt  }
0x4f: {  	_ =	shalt  }
0x50: {  	_ =	shalt  }
0x51: {  	_ =	shalt  }
0x52: {  	_ =	shalt  }
0x53: {  	_ =	shalt  }
0x54: {  	_ =	shalt  }
0x55: {  	_ =	shalt  }
0x56: {  	_ =	shalt  }
0x57: {  	_ =	shalt  }
0x58: {  	_ =	shalt  }
0x59: {  	_ =	shalt  }
0x5a: {  	_ =	shalt  }
0x5b: {  	_ =	shalt  }
0x5c: {  	_ =	shalt  }
0x5d: {  	_ =	shalt  }
0x5e: {  	_ =	shalt  }
0x5f: {  	_ =	shalt  }
0x60: {  	_ =	shalt  }
0x61: {  	_ =	shalt  }
0x62: {  	_ =	shalt  }
0x63: {  	_ =	shalt  }
0x64: {  	_ =	shalt  }
0x65: {  	_ =	shalt  }
0x66: {  	_ =	shalt  }
0x67: {  	_ =	shalt  }
0x68: {  	_ =	shalt  }
0x69: {  	_ =	shalt  }
0x6a: {  	_ =	shalt  }
0x6b: {  	_ =	shalt  }
0x6c: {  	_ =	shalt  }
0x6d: {  	_ =	shalt  }
0x6e: {  	_ =	shalt  }
0x6f: {  	_ =	shalt  }
0x70: {  	_ =	shalt  }
0x71: {  	_ =	shalt  }
0x72: {  	_ =	shalt  }
0x73: {  	_ =	shalt  }
0x74: {  	_ =	shalt  }
0x75: {  	_ =	shalt  }
0x76: {  	_ =	shalt  }
0x77: {  	_ =	shalt  }
0x78: {  	_ =	shalt  }
0x79: {  	_ =	shalt  }
0x7a: {  	_ =	shalt  }
0x7b: {  	_ =	shalt  }
0x7c: {  	_ =	shalt  }
0x7d: {  	_ =	shalt  }
0x7e: {  	_ =	shalt  }
0x7f: {  	_ =	shalt  }
0x80: {  	_ =	shalt  }
0x81: {  	_ =	shalt  }
0x82: {  	_ =	shalt  }
0x83: {  	_ =	shalt  }
0x84: {  	_ =	shalt  }
0x85: {  	_ =	shalt  }
0x86: {  	_ =	shalt  }
0x87: {  	_ =	shalt  }
.Lfunc_end0:
.L_simem_size_0:
called_computation.1_lowered:
.L_overlay_start_0:
0x88: {  	s2 =	sld [smem:$0x3FD9]  }
0x89: {  	s3 =	sld [smem:$0x3FFE];
	_ =	sdelay $0x1  }
0x8a: {  	s1 =	srdreg.scid  }
0x8b: {  	s0 =	sand.u32 $0x1, s1  }
0x8c: {  	s17 =	sshll.u32 s0, $0xA;
	s2 =	sadd.s32 s3, s2  }
0x8d: {  	s2 =	sadd.s32 s2, s17  }
0x8e: {  	[smem:$0x3FBC] =	sst s2  }
0x8f: {  	_ = 	snop  }
0x90: {  	s2 =	sld [smem:$0x3FD0];
	(tm) =	ssettm $0x1  }
0x91: {  	s18 =	sld [smem:$0x3FFB];
	_ =	sdelay $0x3  }
0x92: {  	_ =	strace s18  }
0x93: {  	s3 =	sld [smem:$0x3FFC];
	_ =	sdelay $0x3  }
0x94: {  	_ =	strace s3  }
0x95: {  	s3 =	sld [smem:$0x3FFD];
	_ =	sdelay $0x3  }
0x96: {  	_ =	strace s3  }
0x97: {  	_ =	strace $0x8FFFFFFF  }
0x98: {  	s19 =	sld [smem:$0x3FDB];
	_ =	sdelay $0x1  }
0x99: {  	s4 =	simm.s32 $_scs_section_size  }
0x9a: {  	s5 =	simm.s32 $_size__tile_overlayer_lowered;
	s6 =	simm.s32 $_tile_overlayer_lowered  }
0x9b: {  	s22 =	simm.s32 $0x1BFF;
	s21 =	sshll.u32 s6, $0x1;
	s3 =	sadd.s32 s4, s19  }
0x9c: {  	s7 =	simm.s32 $0x0;
	s20 =	sshll.u32 s5, $0x1;
	s5 =	sadd.s32 s21, s3  }
0x9d: {  	[timem:s7], [sflag:s22] =	dma.local [hbm:s5], s20  }
0x9e: {  	_ =	swait.ge [sflag:s22], s20  }
0x9f: {  	s4 =	ssub.s32 $0x0, s20;
	[sflag:s22] =	ssyncset.done $0x0  }
0xa0: {  	[sflag:s22] =	ssyncadd.s32 s4;
	_ =	sdelay $0x1  }
0xa1: {  	s23 =	simm.s32 $0x1B8B  }
0xa2: {  	_ =	swait.ge [sflag:s23], $0x1  }
0xa3: {  	[sflag:s23] =	ssyncset.done $0x0  }
0xa4: {  	s25 =	simm.s32 $0x1B8E;
	s24 =	sld [smem:$0x3FFE];
	[sflag:s23] =	ssyncadd.s32 $0xFFFFFFFF  }
0xa5: {  	s26 =	simm.s32 $execute0_lowered;
	[smem:$0x3FD2] =	sst s25  }
0xa6: {  	s5 =	sshll.u32 s26, $0x1;
	_ =	strace $0x80000049;
	[dreg:$0x1] =	wrdreg $0xFFFFFFFF  }
0xa7: {  	s28 =	simm.s32 $_size_execute0_lowered;
	s3 =	sadd.s32 s3, s5;
	[dreg:$0x0] =	wrdreg $0x0  }
0xa8: {  	s5 =	sshll.u32 s28, $0x1;
	[dreg:$0x2] =	wrdreg s3  }
0xa9: {  	[dreg:$0x3] =	wrdreg s5  }
0xaa: {  	[dreg:$0x4] =	wrdreg $0xC0  }
0xab: {  	_ =	task [dreg:s7], $0x5FFFF  }
0xac: {  	[dreg:$0x1] =	wrdreg $0xFFFFFFFF  }
0xad: {  	[dreg:$0x0] =	wrdreg $0x60  }
0xae: {  	[dreg:$0x2] =	wrdreg s2  }
0xaf: {  	[dreg:$0x3] =	wrdreg s24  }
0xb0: {  	[dreg:$0x4] =	wrdreg $0x0  }
0xb1: {  	[dreg:$0x5] =	wrdreg $0x9  }
0xb2: {  	_ =	task.clear_ibuf [dreg:s7], $0x6FFFF;
	_ =	strace $0x90000049  }
0xb3: {  	s29 =	simm.s32 $0x9;
	_ =	strace $0x8000004B  }
0xb4: {  	_ =	swait.ge [sflag:s29], $0x1  }
0xb5: {  	[sflag:s29] =	ssyncadd.s32 $0xFFFFFFFF  }
0xb6: {  	_ =	strace $0x9000004B  }
0xb7: {  	_ =	sfence  }
0xb8: {  	s30 =	sld [smem:$0x0];
	_ =	sdelay $0x2  }
0xb9: {  	s31 =	sshll.u32 s1, $0xD;
	s1 =	sshrl.u32 s1, $0x2  }
0xba: {  	s3 =	sand.u32 $0x4000, s31;
	s1 =	sadd.s32 s1, s30  }
0xbb: {  	s0 =	sor.u32 s3, s0;
	s1 =	sshll.u32 s1, $0x11  }
0xbc: {  	s0 =	sor.u32 s1, s0  }
0xbd: {  	s0 =	sadd.s32 $0x8F2B, s0  }
0xbe: {  	[sflag:s0] =	ssyncadd.remote.s32 $0x1  }
0xbf: {  	_ =	sfence.sel $0xFFFF  }
0xc0: {  	[dreg:$0x0] =	wrdreg $0xFFFFFFFF;
	(pc) =	sbr.abs _section_cstart, $3  }
0xc1: {  	[dreg:$0x1] =	wrdreg $0xFFFFFFFF  }
0xc2: {  	_ =	task.clear_ibuf [dreg:s7], $0x2FFFF;
	_ =	strace $0x9FFFFFFF  }
0xc3: {  	(tm) =	ssettm $0x7FFFFFFF  }
tec
execute0_lowered:
.L_overlay_start_1:
0x0: {  	(tag) =	ssettag $0x1  }
0x1: {  	s0 =	rddreg [dreg:$0x0]  }
0x2: {  	s4 =	rddreg [dreg:$0x1];
	s1 =	srdreg.scid  }
0x3: {  	s24 =	stileid.u32;
	s2 =	rddreg [dreg:$0x2];
	s3 =	simm.s32 $0x0  }
0x4: {  	s11 =	simm.s32 $0x5;
	s12 =	simm.s32 $0x1E2C0;
	s13 =	simm.s32 $0x80  }
0x5: {  	s14 =	simm.s32 $0x160C0;
	s15 =	simm.s32 $0x162C0;
	s16 =	simm.s32 $0x16140  }
0x6: {  	s17 =	simm.s32 $0x1A2C0;
	s18 =	simm.s32 $0x161C0;
	s19 =	simm.s32 $0x16240  }
0x7: {  	s20 =	simm.s32 $0x1;
	s21 =	simm.s32 $0x2;
	s22 =	simm.s32 $0x3  }
0x8: {  	s5 =	sand.u32 $0x1, s1;
	s6 =	smul.u32 $0x500, s24;
	s1 =	rddreg [dreg:$0x3]  }
0x9: {  	s23 =	simm.s32 $0x4;
	[smem:$0x7FF] =	sst s3;
	s9 =	smul.u32 $0x4E000, s24  }
0xa: {  	p0 =	sne.s32 s24, $0xF;
	p1 =	sne.s32 s24, $0x0;
	s7 =	smul.u32 $0x5000, s5  }
0xb: {  	s24 =	simm.s32 $0x0;
	s8 =	smul.u32 $0x27100, s5;
	s5 =	ssub.s32 $0x2, s5  }
0xc: {  	_ =	strace $0x8000004A;
	s10 =	sadd.s32 s6, s4;
	s29 =	sshrl.u32 s5, $0x1  }
0xd: {  	s30 =	sshrl.u32 s9, $0x2;
	s7 =	sadd.s32 s6, s7;
	s8 =	sadd.s32 s8, s4  }
0xe: {  	s31 =	ssub.s32 s5, s29;
	s5 =	sadd.s32 s30, s2;
	s6 =	sadd.s32 $0x138000, s2  }
0xf: {  	s9 =	sadd.s32 $0x4000, s10;
	s10 =	simm.s32 $0x138C0;
	s7 =	sadd.s32 s7, s4  }
0x10: {  	v0 =	vimm.f32 $0.0e+00;
	s4 =	sadd.s32 $0x57200, s7;
	s7 =	sadd.s32 $0x61200, s8;
	s8 =	smax.u32 s31, $0x1  }
.LBB2_1:
0x11: {  	[tilespmem:s10], [sflag:$0x5] =	stream.linear.gather [hbm4b:s4+s3], $0x2800, $0x38;
	[tilespmem:$0x1EAC0] =	vst v63  }
0x12: {  	_ =	swait.ge [sflag:s11], $0x2800  }
0x13: {  	[sflag:s11] =	ssyncset.done $0x0  }
0x14: {  	s25 =	simm.s32 $0x0;
	s26 =	simm.s32 $0x200;
	[sflag:s11] =	ssyncadd.s32 $0xFFFFD800  }
.LBB2_2:
0x15: {  	p2 =	sne.s32 s26, $0x1E00;
	[tilespmem:s25+$0x1E330] =	vst v0  }
0x16: {  	[tilespmem:s25+$0x1E2C0] =	vst v0  }
0x17: {  	[tilespmem:s25+$0x1E2D0] =	vst v0  }
.Ltmp0:
0x18: {  	[tilespmem:s25+$0x1E2E0] =	vst v0;
	(pc) =	sbr.rel @p2 .LBB2_2-.Ltmp0, $4  }
0x19: {  	[tilespmem:s25+$0x1E2F0] =	vst v0  }
0x1a: {  	[tilespmem:s25+$0x1E300] =	vst v0  }
0x1b: {  	[tilespmem:s25+$0x1E310] =	vst v0  }
0x1c: {  	[tilespmem:s25+$0x1E320] =	vst v0;
	s25 =	sshra.s32 s26, $0x2;
	s26 =	sadd.s32 $0x200, s26  }
0x1d: {  	[tilespmem:s25+$0x1E330] =	vst v0  }
0x1e: {  	[tilespmem:s25+$0x1E2C0] =	vst v0  }
0x1f: {  	[tilespmem:s25+$0x1E2D0] =	vst v0  }
0x20: {  	[tilespmem:s25+$0x1E2E0] =	vst v0  }
0x21: {  	[tilespmem:s25+$0x1E2F0] =	vst v0  }
0x22: {  	[tilespmem:s25+$0x1E300] =	vst v0  }
0x23: {  	[tilespmem:s25+$0x1E310] =	vst v0  }
0x24: {  	[tilespmem:s25+$0x1E320] =	vst v0;
	s31 =	sadd.s32 $0x0, s5  }
0x25: {  	[spmem:s31] =	stream.linear.scatter [tilespmem:s12], [sflag:$0x5], $0x800, $0x38;
	[tilespmem:$0x1EAC0] =	vst v63  }
0x26: {  	s25 =	simm.s32 $0x2000;
	_ =	swait.ge [sflag:s11], $0x800  }
.LBB2_4:
0x27: {  	s26 =	sshra.s32 s25, $0x2;
	[sflag:s11] =	ssyncset.done $0x0;
	p2 =	sne.s32 s25, $0x4C000  }
.Ltmp1:
0x28: {  	s26 =	sadd.s32 s26, s5;
	[sflag:s11] =	ssyncadd.s32 $0xFFFFF800;
	(pc) =	sbr.rel @p2 .LBB2_4-.Ltmp1, $3  }
0x29: {  	[spmem:s26] =	stream.linear.scatter [tilespmem:s12], [sflag:$0x5], $0x800, $0x38;
	[tilespmem:$0x1EAC0] =	vst v63  }
0x2a: {  	s25 =	sadd.s32 $0x2000, s25;
	_ =	sdelay $0x1  }
0x2b: {  	_ =	swait.ge [sflag:s11], $0x800  }
0x2c: {  	[sflag:s11] =	ssyncset.done $0x0  }
0x2d: {  	s25 =	simm.s32 @!p0 $0x1E2C0;
	[sflag:s11] =	ssyncadd.s32 $0xFFFFF800  }
0x2e: {  	[spmem:s6] =	stream.linear.scatter @!p0 [tilespmem:s25], [sflag:$0x5], $0x800, $0x38;
	[tilespmem:$0x1EAC0] =	vst v63  }
0x2f: {  	s25 =	simm.s32 @!p0 $0x5  }
0x30: {  	_ =	swait.ge @!p0 [sflag:s25], $0x800  }
0x31: {  	[sflag:s25] =	ssyncset.done @!p0 $0x0  }
0x32: {  	[sflag:s25] =	ssyncadd.s32 @!p0 $0xFFFFF800  }
0x33: {  	s25 =	simm.s32 $0x13940;
	[bflag:$0x0] =	sbarrier.arrive $0xFFFF  }
0x34: {  	v1 =	vld [tilespmem:s25+$0xFFFFFF80];
	_ =	sdelay $0x4  }
0x35: {  	[tilespmem:$0x160C0] =	vst v1  }
0x36: {  	v1 =	vld [tilespmem:s25+$0xFFFFFF90];
	_ =	sdelay $0x4  }
0x37: {  	[tilespmem:$0x160D0] =	vst v1  }
0x38: {  	v1 =	vld [tilespmem:s25+$0xFFFFFFA0];
	_ =	sdelay $0x4  }
0x39: {  	[tilespmem:$0x160E0] =	vst v1  }
0x3a: {  	v1 =	vld [tilespmem:s25+$0xFFFFFFB0];
	_ =	sdelay $0x4  }
0x3b: {  	[tilespmem:$0x160F0] =	vst v1  }
0x3c: {  	v1 =	vld [tilespmem:s25+$0xFFFFFFC0];
	_ =	sdelay $0x4  }
0x3d: {  	[tilespmem:$0x16100] =	vst v1  }
0x3e: {  	v1 =	vld [tilespmem:s25+$0xFFFFFFD0];
	_ =	sdelay $0x4  }
0x3f: {  	[tilespmem:$0x16110] =	vst v1  }
0x40: {  	v1 =	vld [tilespmem:s25+$0xFFFFFFE0];
	_ =	sdelay $0x4  }
0x41: {  	[tilespmem:$0x16120] =	vst v1  }
0x42: {  	v1 =	vld [tilespmem:s25+$0xFFFFFFF0];
	_ =	sdelay $0x4  }
0x43: {  	[tilespmem:$0x16130] =	vst v1  }
0x44: {  	[tilespmem:s15], [sflag:$0x1] =	stream.indirect.gather [hbm4b:s0+s13], $0x80, s14, s13, $0xb8;
	[tilespmem:$0x1EAC0] =	vst v63  }
0x45: {  	v1 =	vld [tilespmem:s25+$0x0];
	_ =	sdelay $0x4  }
0x46: {  	[tilespmem:$0x16140] =	vst v1  }
0x47: {  	v1 =	vld [tilespmem:s25+$0x10];
	_ =	sdelay $0x4  }
0x48: {  	[tilespmem:$0x16150] =	vst v1  }
0x49: {  	v1 =	vld [tilespmem:s25+$0x20];
	_ =	sdelay $0x4  }
0x4a: {  	[tilespmem:$0x16160] =	vst v1  }
0x4b: {  	v1 =	vld [tilespmem:s25+$0x30];
	_ =	sdelay $0x4  }
0x4c: {  	[tilespmem:$0x16170] =	vst v1  }
0x4d: {  	v1 =	vld [tilespmem:s25+$0x40];
	_ =	sdelay $0x4  }
0x4e: {  	[tilespmem:$0x16180] =	vst v1  }
0x4f: {  	v1 =	vld [tilespmem:s25+$0x50];
	_ =	sdelay $0x4  }
0x50: {  	[tilespmem:$0x16190] =	vst v1  }
0x51: {  	v1 =	vld [tilespmem:s25+$0x60];
	_ =	sdelay $0x4  }
0x52: {  	[tilespmem:$0x161A0] =	vst v1  }
0x53: {  	v1 =	vld [tilespmem:s25+$0x70];
	_ =	sdelay $0x4  }
0x54: {  	[tilespmem:$0x161B0] =	vst v1  }
0x55: {  	[tilespmem:s17], [sflag:$0x2] =	stream.indirect.gather [hbm4b:s0+s13], $0x80, s16, s13, $0xb8;
	[tilespmem:$0x1EAC0] =	vst v63  }
0x56: {  	s26 =	sadd.s32 $0x0, s9  }
0x57: {  	[tilespmem:s18], [sflag:$0x5] =	stream.linear.gather [hbm4b:s26+s3], $0x80, $0x38;
	[tilespmem:$0x1EAC0] =	vst v63  }
0x58: {  	_ =	swait.ge [sflag:s11], $0x80  }
0x59: {  	[sflag:s11] =	ssyncset.done $0x0  }
0x5a: {  	s26 =	sadd.s32 $0x10, s26;
	[sflag:s11] =	ssyncadd.s32 $0xFFFFFF80  }
0x5b: {  	[tilespmem:s19], [sflag:$0x5] =	stream.linear.gather [hbm4b:s26+s3], $0x80, $0x38;
	[tilespmem:$0x1EAC0] =	vst v63  }
0x5c: {  	_ =	swait.ge [sflag:s11], $0x80  }
0x5d: {  	[sflag:s11] =	ssyncset.done $0x0  }
0x5e: {  	[sflag:s11] =	ssyncadd.s32 $0xFFFFFF80  }
0x5f: {  	_ =	swait.ge [sflag:s20], $0x4000  }
0x60: {  	[sflag:s20] =	ssyncset.done $0x0  }
0x61: {  	[sflag:s20] =	ssyncadd.s32 $0xFFFFC000  }
0x62: {  	[spmem:s2] =	stream.indirect.scatter.add.f32 [tilespmem:s15], [sflag:$0x3], $0x80, s18, s13, $0xb8;
	[tilespmem:$0x1EAC0] =	vst v63  }
0x63: {  	_ =	swait.ge [sflag:s21], $0x4000  }
0x64: {  	[sflag:s21] =	ssyncset.done $0x0  }
0x65: {  	[sflag:s21] =	ssyncadd.s32 $0xFFFFC000  }
0x66: {  	[spmem:s2] =	stream.indirect.scatter.add.f32 [tilespmem:s17], [sflag:$0x4], $0x80, s19, s13, $0xb8;
	[tilespmem:$0x1EAC0] =	vst v63  }
0x67: {  	_ =	swait.ge [sflag:s22], $0x4000  }
0x68: {  	[sflag:s22] =	ssyncset.done $0x0  }
0x69: {  	[sflag:s22] =	ssyncadd.s32 $0xFFFFC000  }
0x6a: {  	_ =	swait.ge [sflag:s23], $0x4000  }
0x6b: {  	s26 =	simm.s32 $0x20;
	[sflag:s23] =	ssyncset.done $0x0  }
.LBB2_6:
0x6c: {  	p2 =	sne.s32 s26, $0x4E0;
	[sflag:s23] =	ssyncadd.s32 $0xFFFFC000;
	s25 =	sadd.s32 $0x100, s25  }
0x6d: {  	s28 =	smov.u32 s26;
	s26 =	sadd.s32 $0x20, s26;
	v1 =	vld [tilespmem:s25+$0xFFFFFF80];
	_ =	sdelay $0x4  }
0x6e: {  	[tilespmem:$0x160C0] =	vst v1  }
0x6f: {  	v1 =	vld [tilespmem:s25+$0xFFFFFF90];
	_ =	sdelay $0x4  }
0x70: {  	[tilespmem:$0x160D0] =	vst v1  }
0x71: {  	v1 =	vld [tilespmem:s25+$0xFFFFFFA0];
	_ =	sdelay $0x4  }
0x72: {  	[tilespmem:$0x160E0] =	vst v1  }
0x73: {  	v1 =	vld [tilespmem:s25+$0xFFFFFFB0];
	_ =	sdelay $0x4  }
0x74: {  	[tilespmem:$0x160F0] =	vst v1  }
0x75: {  	v1 =	vld [tilespmem:s25+$0xFFFFFFC0];
	_ =	sdelay $0x4  }
0x76: {  	[tilespmem:$0x16100] =	vst v1  }
0x77: {  	v1 =	vld [tilespmem:s25+$0xFFFFFFD0];
	_ =	sdelay $0x4  }
0x78: {  	[tilespmem:$0x16110] =	vst v1  }
0x79: {  	v1 =	vld [tilespmem:s25+$0xFFFFFFE0];
	_ =	sdelay $0x4  }
0x7a: {  	[tilespmem:$0x16120] =	vst v1  }
0x7b: {  	v1 =	vld [tilespmem:s25+$0xFFFFFFF0];
	_ =	sdelay $0x4  }
0x7c: {  	[tilespmem:$0x16130] =	vst v1  }
0x7d: {  	[tilespmem:s15], [sflag:$0x1] =	stream.indirect.gather [hbm4b:s0+s13], $0x80, s14, s13, $0xb8;
	[tilespmem:$0x1EAC0] =	vst v63  }
0x7e: {  	v1 =	vld [tilespmem:s25+$0x0];
	_ =	sdelay $0x4  }
0x7f: {  	[tilespmem:$0x16140] =	vst v1  }
0x80: {  	v1 =	vld [tilespmem:s25+$0x10];
	_ =	sdelay $0x4  }
0x81: {  	[tilespmem:$0x16150] =	vst v1  }
0x82: {  	v1 =	vld [tilespmem:s25+$0x20];
	_ =	sdelay $0x4  }
0x83: {  	[tilespmem:$0x16160] =	vst v1  }
0x84: {  	v1 =	vld [tilespmem:s25+$0x30];
	_ =	sdelay $0x4  }
0x85: {  	[tilespmem:$0x16170] =	vst v1  }
0x86: {  	v1 =	vld [tilespmem:s25+$0x40];
	_ =	sdelay $0x4  }
0x87: {  	[tilespmem:$0x16180] =	vst v1  }
0x88: {  	v1 =	vld [tilespmem:s25+$0x50];
	_ =	sdelay $0x4  }
0x89: {  	[tilespmem:$0x16190] =	vst v1  }
0x8a: {  	v1 =	vld [tilespmem:s25+$0x60];
	_ =	sdelay $0x4  }
0x8b: {  	[tilespmem:$0x161A0] =	vst v1  }
0x8c: {  	v1 =	vld [tilespmem:s25+$0x70];
	_ =	sdelay $0x4  }
0x8d: {  	[tilespmem:$0x161B0] =	vst v1  }
0x8e: {  	[tilespmem:s17], [sflag:$0x2] =	stream.indirect.gather [hbm4b:s0+s13], $0x80, s16, s13, $0xb8;
	[tilespmem:$0x1EAC0] =	vst v63  }
0x8f: {  	s28 =	sadd.s32 s28, s9  }
0x90: {  	[tilespmem:s18], [sflag:$0x5] =	stream.linear.gather [hbm4b:s28+s3], $0x80, $0x38;
	[tilespmem:$0x1EAC0] =	vst v63  }
0x91: {  	_ =	swait.ge [sflag:s11], $0x80  }
0x92: {  	[sflag:s11] =	ssyncset.done $0x0  }
0x93: {  	s28 =	sadd.s32 $0x10, s28;
	[sflag:s11] =	ssyncadd.s32 $0xFFFFFF80  }
0x94: {  	[tilespmem:s19], [sflag:$0x5] =	stream.linear.gather [hbm4b:s28+s3], $0x80, $0x38;
	[tilespmem:$0x1EAC0] =	vst v63  }
0x95: {  	_ =	swait.ge [sflag:s11], $0x80  }
0x96: {  	[sflag:s11] =	ssyncset.done $0x0  }
0x97: {  	[sflag:s11] =	ssyncadd.s32 $0xFFFFFF80  }
0x98: {  	_ =	swait.ge [sflag:s20], $0x4000  }
0x99: {  	[sflag:s20] =	ssyncset.done $0x0  }
0x9a: {  	[sflag:s20] =	ssyncadd.s32 $0xFFFFC000  }
0x9b: {  	[spmem:s2] =	stream.indirect.scatter.add.f32 [tilespmem:s15], [sflag:$0x3], $0x80, s18, s13, $0xb8;
	[tilespmem:$0x1EAC0] =	vst v63  }
0x9c: {  	_ =	swait.ge [sflag:s21], $0x4000  }
0x9d: {  	[sflag:s21] =	ssyncset.done $0x0  }
0x9e: {  	[sflag:s21] =	ssyncadd.s32 $0xFFFFC000  }
0x9f: {  	[spmem:s2] =	stream.indirect.scatter.add.f32 [tilespmem:s17], [sflag:$0x4], $0x80, s19, s13, $0xb8;
	[tilespmem:$0x1EAC0] =	vst v63  }
.Ltmp2:
0xa0: {  	_ =	swait.ge [sflag:s22], $0x4000;
	(pc) =	sbr.rel @p2 .LBB2_6-.Ltmp2, $4  }
0xa1: {  	[sflag:s22] =	ssyncset.done $0x0  }
0xa2: {  	[sflag:s22] =	ssyncadd.s32 $0xFFFFC000  }
0xa3: {  	_ =	swait.ge [sflag:s23], $0x4000  }
0xa4: {  	[sflag:s23] =	ssyncset.done $0x0  }
0xa5: {  	[sflag:s23] =	ssyncadd.s32 $0xFFFFC000;
	s25 =	sshrl.u32 @!p1 s2, $0x3;
	s24 =	sadd.s32 $0x1, s24  }
0xa6: {  	s26 =	simm.s32 @!p1 $0x1C05;
	[bflag:$0x0] =	sbarrier.arrive $0xFFFF;
	p2 =	sne.s32 s24, s8  }
0xa7: {  	[hbm:s7], [sflag:s26] =	dma.local @!p1 [spmem:s25], $0x27100  }
.Ltmp3:
0xa8: {  	_ = 	snop;
	(pc) =	sbr.rel @p2 .LBB2_1-.Ltmp3, $4  }
0xa9: {  	s25 =	simm.s32 @!p1 $0x5  }
0xaa: {  	_ =	swait.ge @!p1 [sflag:s25], $0x27100  }
0xab: {  	[sflag:s25] =	ssyncset.done @!p1 $0x0  }
0xac: {  	[sflag:s25] =	ssyncadd.s32 @!p1 $0xFFFD8F00  }
0xad: {  	_ =	sfence.sel $0x180000  }
0xae: {  	[bflag:$0x0] =	sbarrier.arrive $0xFFFF  }
0xaf: {  	_ =	strace $0x9000004A  }
0xb0: {  	s0 =	sadd.s32 @!p1 $0x100000, s1;
	[bflag:$0x2] =	sbarrier.arrive $0xFFFF  }
0xb1: {  	[sflag:s0] =	ssyncadd.tile.s32 @!p1 $0x1;
	_ =	shalt  }
.Lfunc_end2:
_tile_overlayer_lowered:
.L_overlay_start_2:
0xb2: {  	(tag) =	ssettag $0x2  }
0xb3: {  	s0 =	rddreg [dreg:$0x0];
	s2 =	stileid.u32  }
0xb4: {  	s1 =	rddreg [dreg:$0x1];
	p0 =	sne.s32 s2, $0x0  }
0xb5: {  	s3 =	rddreg [dreg:$0x2];
	[bflag:$0x3] =	sbarrier.arrive $0xFFFF;
	s2 =	simm.s32 @!p0 $0x1C05  }
0xb6: {  	[timem:s3], [sflag:s2] =	dma.local @!p0 [hbm:s0], s1  }
0xb7: {  	s0 =	simm.s32 @!p0 $0x5  }
0xb8: {  	_ =	swait.ge @!p0 [sflag:s0], s1  }
0xb9: {  	s1 =	ssub.s32 @!p0 $0x0, s1;
	[sflag:s0] =	ssyncset.done @!p0 $0x0  }
0xba: {  	[sflag:s0] =	ssyncadd.s32 @!p0 s1  }
0xbb: {  	[bflag:$0x3] =	sbarrier.arrive $0xFFFF  }
0xbc: {  	_ =	shalt  }

// kernel: kernel.17.cloned.1.call-start
scs
__scs_entry_jumppad:
0x0: {  	(pc) =	sbr.rel $0x88, $3  }
0x1: {  	(tag) =	ssettag $0x0;
	lr =	simm.s32 $0x1  }
0x2: {  	[smem:$0x3F95] =	sst lr;
	_ =	strace $0xD0000000  }
0x3: {  	_ = 	snop  }
0x4: {  	_ = 	snop  }
0x5: {  	_ = 	snop  }
0x6: {  	_ = 	snop  }
0x7: {  	_ = 	snop  }
__scs_overlays_trampoline_lowered:
0x8: {  	[smem:$0x3FA4] =	sst s0  }
0x9: {  	[smem:$0x3FA5] =	sst s1  }
0xa: {  	[smem:$0x3FA6] =	sst s2  }
0xb: {  	[smem:$0x3FA7] =	sst s3  }
0xc: {  	[smem:$0x3FA8] =	sst s4  }
0xd: {  	[smem:$0x3FA9] =	sst s5  }
0xe: {  	[smem:$0x3FAA] =	sst s6  }
0xf: {  	[smem:$0x3FAB] =	sst s7  }
0x10: {  	[smem:$0x3FAC] =	sst s8  }
0x11: {  	[smem:$0x3FAD] =	sst s9;
	s0 =	simm.s32 @!p0 $0x0  }
0x12: {  	s1 =	sld [smem:$0x3F93];
	s0 =	simm.s32 @p0 $0x1  }
0x13: {  	[smem:$0x3FAE] =	sst s0;
	s0 =	simm.s32 @!p1 $0x0  }
0x14: {  	s2 =	sld [smem:$0x3F92];
	s0 =	simm.s32 @p1 $0x1  }
0x15: {  	[smem:$0x3FAF] =	sst s0;
	s0 =	simm.s32 @!p2 $0x0  }
0x16: {  	s3 =	sld [smem:$0x3FDB];
	s0 =	simm.s32 @p2 $0x1  }
0x17: {  	s4 =	simm.s32 $0x1BF5;
	[smem:$0x3FB1] =	sst s0  }
0x18: {  	s0 =	sld [smem:$0x3F94];
	_ =	swait.ge [sflag:s4], $0x0  }
0x19: {  	s7 =	sld [smem:$0x3F95]  }
0x1a: {  	s8 =	sadd.s32 $0xFFFFE003, lr  }
0x1b: {  	s9 =	sadd.s32 $0xFFFFFEF7, lr;
	s5 =	simm.s32 $0xFFFFFFFF;
	p2 =	slt.u32 s8, $0xFFFFF086  }
0x1c: {  	p1 =	slt.u32 s9, $0xF7A;
	s5 =	simm.s32 @!p2 $0x0  }
0x1d: {  	s5 =	simm.s32 @p1 $0x1;
	p0 =	seq.s32 s7, s2  }
0x1e: {  	s7 =	smul.u32 @!p0 $0xF7A, s2;
	p2 =	seq.s32 @!p0 s5, $0x0  }
0x1f: {  	s9 =	smul.u32 $0xF7A, s1;
	s8 =	simm.s32 @!p0 $0x1BF5;
	p2 =	por !p2, p0  }
0x20: {  	[sflag:s8] =	ssyncset.s32 @!p0 $0xFFFFF086;
	s6 =	sadd.s32 @!p0 s3, s7;
	s7 =	simm.s32 @!p0 $0x108  }
0x21: {  	s3 =	sadd.s32 s3, s9;
	s6 =	sadd.s32 @!p0 $0x88, s6;
	s7 =	simm.s32 @p2 $0x1082  }
0x22: {  	[simem:s7], [sflag:s8] =	dma.local @!p0 [hbm:s6], $0xF7A  }
0x23: {  	s9 =	sor.u32 $0xD0000000, s2;
	s6 =	simm.s32 $0x108;
	_ =	swait.ge @!p0 [sflag:s8], $0x0  }
0x24: {  	s3 =	sadd.s32 $0x88, s3;
	s6 =	simm.s32 @!p1 $0x1082;
	[sflag:s4] =	ssyncset.s32 $0xFFFFF086  }
0x25: {  	[simem:s6], [sflag:s4] =	dma.local [hbm:s3], $0xF7A  }
0x26: {  	[smem:$0x3F95] =	sst s1;
	(tag) =	ssettag s2;
	_ =	strace s9  }
0x27: {  	s1 =	sld [smem:$0x3FA5]  }
0x28: {  	s2 =	sld [smem:$0x3FA6]  }
0x29: {  	s4 =	sld [smem:$0x3FA8]  }
0x2a: {  	p0 =	seq.s32 s5, $0x0;
	s5 =	sld [smem:$0x3FA9]  }
0x2b: {  	s6 =	sld [smem:$0x3FAA]  }
0x2c: {  	s7 =	sld [smem:$0x3FAB]  }
0x2d: {  	s3 =	simm.s32 $0x108;
	s8 =	sld [smem:$0x3FAC]  }
0x2e: {  	s3 =	simm.s32 @!p0 $0x1082;
	s9 =	sld [smem:$0x3FAD]  }
0x2f: {  	lr =	sadd.s32 s0, s3;
	s0 =	sld [smem:$0x3FA4]  }
0x30: {  	s3 =	sld [smem:$0x3FA7]  }
0x31: {  	[smem:$0x3FB0] =	sst s10  }
0x32: {  	s10 =	sld [smem:$0x3FAE];
	_ =	sdelay $0x3  }
0x33: {  	p0 =	seq.s32 s10, $0x1;
	s10 =	sld [smem:$0x3FB0];
	_ =	sdelay $0x3  }
0x34: {  	[smem:$0x3FB0] =	sst s10  }
0x35: {  	s10 =	sld [smem:$0x3FAF];
	_ =	sdelay $0x3  }
0x36: {  	p1 =	seq.s32 s10, $0x1;
	s10 =	sld [smem:$0x3FB0];
	_ =	sdelay $0x3  }
0x37: {  	[smem:$0x3FB0] =	sst s10  }
0x38: {  	s10 =	sld [smem:$0x3FB1]  }
0x39: {  	_ = 	snop;
	(pc) =	sbr.ind lr, $3  }
0x3a: {  	_ = 	snop  }
0x3b: {  	_ = 	snop  }
0x3c: {  	p2 =	seq.s32 s10, $0x1;
	s10 =	sld [smem:$0x3FB0]  }
0x3d: {  	_ =	shalt  }
0x3e: {  	_ =	shalt  }
0x3f: {  	_ =	shalt  }
0x40: {  	_ =	shalt  }
0x41: {  	_ =	shalt  }
0x42: {  	_ =	shalt  }
0x43: {  	_ =	shalt  }
0x44: {  	_ =	shalt  }
0x45: {  	_ =	shalt  }
0x46: {  	_ =	shalt  }
0x47: {  	_ =	shalt  }
0x48: {  	_ =	shalt  }
0x49: {  	_ =	shalt  }
0x4a: {  	_ =	shalt  }
0x4b: {  	_ =	shalt  }
0x4c: {  	_ =	shalt  }
0x4d: {  	_ =	shalt  }
0x4e: {  	_ =	shalt  }
0x4f: {  	_ =	shalt  }
0x50: {  	_ =	shalt  }
0x51: {  	_ =	shalt  }
0x52: {  	_ =	shalt  }
0x53: {  	_ =	shalt  }
0x54: {  	_ =	shalt  }
0x55: {  	_ =	shalt  }
0x56: {  	_ =	shalt  }
0x57: {  	_ =	shalt  }
0x58: {  	_ =	shalt  }
0x59: {  	_ =	shalt  }
0x5a: {  	_ =	shalt  }
0x5b: {  	_ =	shalt  }
0x5c: {  	_ =	shalt  }
0x5d: {  	_ =	shalt  }
0x5e: {  	_ =	shalt  }
0x5f: {  	_ =	shalt  }
0x60: {  	_ =	shalt  }
0x61: {  	_ =	shalt  }
0x62: {  	_ =	shalt  }
0x63: {  	_ =	shalt  }
0x64: {  	_ =	shalt  }
0x65: {  	_ =	shalt  }
0x66: {  	_ =	shalt  }
0x67: {  	_ =	shalt  }
0x68: {  	_ =	shalt  }
0x69: {  	_ =	shalt  }
0x6a: {  	_ =	shalt  }
0x6b: {  	_ =	shalt  }
0x6c: {  	_ =	shalt  }
0x6d: {  	_ =	shalt  }
0x6e: {  	_ =	shalt  }
0x6f: {  	_ =	shalt  }
0x70: {  	_ =	shalt  }
0x71: {  	_ =	shalt  }
0x72: {  	_ =	shalt  }
0x73: {  	_ =	shalt  }
0x74: {  	_ =	shalt  }
0x75: {  	_ =	shalt  }
0x76: {  	_ =	shalt  }
0x77: {  	_ =	shalt  }
0x78: {  	_ =	shalt  }
0x79: {  	_ =	shalt  }
0x7a: {  	_ =	shalt  }
0x7b: {  	_ =	shalt  }
0x7c: {  	_ =	shalt  }
0x7d: {  	_ =	shalt  }
0x7e: {  	_ =	shalt  }
0x7f: {  	_ =	shalt  }
0x80: {  	_ =	shalt  }
0x81: {  	_ =	shalt  }
0x82: {  	_ =	shalt  }
0x83: {  	_ =	shalt  }
0x84: {  	_ =	shalt  }
0x85: {  	_ =	shalt  }
0x86: {  	_ =	shalt  }
0x87: {  	_ =	shalt  }
.Lfunc_end0:
.L_simem_size_0:
called_computation.2_lowered:
.L_overlay_start_0:
0x88: {  	s2 =	sld [smem:$0x3FD9]  }
0x89: {  	s3 =	sld [smem:$0x3FFE];
	_ =	sdelay $0x1  }
0x8a: {  	s1 =	srdreg.scid  }
0x8b: {  	s0 =	sand.u32 $0x1, s1  }
0x8c: {  	s16 =	sshll.u32 s0, $0xA;
	s2 =	sadd.s32 s3, s2  }
0x8d: {  	s2 =	sadd.s32 s2, s16  }
0x8e: {  	[smem:$0x3FBC] =	sst s2  }
0x8f: {  	_ = 	snop  }
0x90: {  	(tm) =	ssettm $0x1  }
0x91: {  	s17 =	sld [smem:$0x3FFB];
	_ =	sdelay $0x3  }
0x92: {  	_ =	strace s17  }
0x93: {  	s2 =	sld [smem:$0x3FFC];
	_ =	sdelay $0x3  }
0x94: {  	_ =	strace s2  }
0x95: {  	s2 =	sld [smem:$0x3FFD];
	_ =	sdelay $0x3  }
0x96: {  	_ =	strace s2  }
0x97: {  	_ =	strace $0x8FFFFFFF  }
0x98: {  	s18 =	sld [smem:$0x3FDB];
	_ =	sdelay $0x1  }
0x99: {  	s19 =	simm.s32 $_scs_section_size  }
0x9a: {  	s4 =	simm.s32 $_size__tile_overlayer_lowered;
	s5 =	simm.s32 $_tile_overlayer_lowered  }
0x9b: {  	s22 =	simm.s32 $0x1BFF;
	s21 =	sshll.u32 s5, $0x1;
	s2 =	sadd.s32 s19, s18  }
0x9c: {  	s6 =	simm.s32 $0x0;
	s20 =	sshll.u32 s4, $0x1;
	s4 =	sadd.s32 s21, s2  }
0x9d: {  	[timem:s6], [sflag:s22] =	dma.local [hbm:s4], s20  }
0x9e: {  	_ =	swait.ge [sflag:s22], s20  }
0x9f: {  	s3 =	ssub.s32 $0x0, s20;
	[sflag:s22] =	ssyncset.done $0x0  }
0xa0: {  	[sflag:s22] =	ssyncadd.s32 s3;
	_ =	sdelay $0x1  }
0xa1: {  	s23 =	simm.s32 $0x1B8B  }
0xa2: {  	_ =	swait.ge [sflag:s23], $0x1  }
0xa3: {  	[sflag:s23] =	ssyncset.done $0x0  }
0xa4: {  	s25 =	simm.s32 $0x1B8E;
	s24 =	sld [smem:$0x3FFE];
	[sflag:s23] =	ssyncadd.s32 $0xFFFFFFFF  }
0xa5: {  	s26 =	simm.s32 $execute0_lowered;
	[smem:$0x3FD2] =	sst s25  }
0xa6: {  	s4 =	sshll.u32 s26, $0x1;
	_ =	strace $0x8000004C;
	[dreg:$0x1] =	wrdreg $0xFFFFFFFF  }
0xa7: {  	s28 =	simm.s32 $_size_execute0_lowered;
	s2 =	sadd.s32 s2, s4;
	[dreg:$0x0] =	wrdreg $0x0  }
0xa8: {  	s4 =	sshll.u32 s28, $0x1;
	[dreg:$0x2] =	wrdreg s2  }
0xa9: {  	[dreg:$0x3] =	wrdreg s4  }
0xaa: {  	[dreg:$0x4] =	wrdreg $0xC0  }
0xab: {  	_ =	task [dreg:s6], $0x5FFFF  }
0xac: {  	[dreg:$0x1] =	wrdreg $0xFFFFFFFF  }
0xad: {  	[dreg:$0x0] =	wrdreg $0x60  }
0xae: {  	[dreg:$0x2] =	wrdreg s24  }
0xaf: {  	[dreg:$0x3] =	wrdreg $0x0  }
0xb0: {  	[dreg:$0x4] =	wrdreg $0x9  }
0xb1: {  	_ =	task.clear_ibuf [dreg:s6], $0x5FFFF;
	_ =	strace $0x9000004C  }
0xb2: {  	s29 =	simm.s32 $0x9;
	_ =	strace $0x8000004E  }
0xb3: {  	_ =	swait.ge [sflag:s29], $0x1  }
0xb4: {  	[sflag:s29] =	ssyncadd.s32 $0xFFFFFFFF  }
0xb5: {  	_ =	strace $0x9000004E  }
0xb6: {  	_ =	sfence  }
0xb7: {  	s30 =	sld [smem:$0x0];
	_ =	sdelay $0x2  }
0xb8: {  	s31 =	sshll.u32 s1, $0xD;
	s1 =	sshrl.u32 s1, $0x2  }
0xb9: {  	s3 =	sand.u32 $0x4000, s31;
	s1 =	sadd.s32 s1, s30  }
0xba: {  	s0 =	sor.u32 s3, s0;
	s1 =	sshll.u32 s1, $0x11  }
0xbb: {  	s0 =	sor.u32 s1, s0  }
0xbc: {  	s0 =	sadd.s32 $0x8F2B, s0  }
0xbd: {  	[sflag:s0] =	ssyncadd.remote.s32 $0x1  }
0xbe: {  	_ =	sfence.sel $0xFFFF  }
0xbf: {  	[dreg:$0x0] =	wrdreg $0xFFFFFFFF;
	(pc) =	sbr.abs _section_cstart, $3  }
0xc0: {  	[dreg:$0x1] =	wrdreg $0xFFFFFFFF  }
0xc1: {  	_ =	task.clear_ibuf [dreg:s6], $0x2FFFF;
	_ =	strace $0x9FFFFFFF  }
0xc2: {  	(tm) =	ssettm $0x7FFFFFFF  }
0xc3: {  	_ =	shalt  }
tec
execute0_lowered:
.L_overlay_start_1:
0x0: {  	(tag) =	ssettag $0x1  }
0x1: {  	s4 =	rddreg [dreg:$0x0]  }
0x2: {  	s1 =	rddreg [dreg:$0x1]  }
0x3: {  	s0 =	rddreg [dreg:$0x2]  }
0x4: {  	s3 =	srdreg.scid;
	s24 =	stileid.u32;
	s2 =	simm.s32 $0x0  }
0x5: {  	s11 =	simm.s32 $0x5;
	s12 =	simm.s32 $0x1E2C0;
	s13 =	simm.s32 $0x80  }
0x6: {  	s14 =	simm.s32 $0x160C0;
	s15 =	simm.s32 $0x162C0;
	s16 =	simm.s32 $0x16140  }
0x7: {  	s17 =	simm.s32 $0x1A2C0;
	s18 =	simm.s32 $0x161C0;
	s19 =	simm.s32 $0x16240  }
0x8: {  	s20 =	simm.s32 $0x1;
	s21 =	simm.s32 $0x2;
	s22 =	simm.s32 $0x3  }
0x9: {  	s23 =	simm.s32 $0x4;
	s5 =	sand.u32 $0x1, s3;
	s6 =	smul.u32 $0x500, s24  }
0xa: {  	[smem:$0x7FF] =	sst s2;
	s3 =	sadd.s32 $0x61200, s4;
	s9 =	smul.u32 $0x4E000, s24  }
0xb: {  	p0 =	sne.s32 s24, $0xF;
	p1 =	sne.s32 s24, $0x0;
	s7 =	smul.u32 $0x5000, s5  }
0xc: {  	s24 =	simm.s32 $0x0;
	s8 =	smul.u32 $0x27100, s5;
	s5 =	ssub.s32 $0x2, s5  }
0xd: {  	_ =	strace $0x8000004D;
	s10 =	sadd.s32 s6, s4;
	s29 =	sshrl.u32 s5, $0x1  }
0xe: {  	s30 =	sshrl.u32 s9, $0x2;
	s7 =	sadd.s32 s6, s7;
	s8 =	sadd.s32 s8, s4  }
0xf: {  	s31 =	ssub.s32 s5, s29;
	s5 =	sadd.s32 s30, s1;
	s6 =	sadd.s32 $0x138000, s1  }
0x10: {  	s9 =	sadd.s32 $0x4000, s10;
	s10 =	simm.s32 $0x138C0;
	s7 =	sadd.s32 s7, s4  }
0x11: {  	v0 =	vimm.f32 $0.0e+00;
	s4 =	sadd.s32 $0x57200, s7;
	s7 =	sadd.s32 $0xAF400, s8;
	s8 =	smax.u32 s31, $0x1  }
.LBB2_1:
0x12: {  	[tilespmem:s10], [sflag:$0x5] =	stream.linear.gather [hbm4b:s4+s2], $0x2800, $0x38;
	[tilespmem:$0x1EAC0] =	vst v63  }
0x13: {  	_ =	swait.ge [sflag:s11], $0x2800  }
0x14: {  	[sflag:s11] =	ssyncset.done $0x0  }
0x15: {  	s25 =	simm.s32 $0x0;
	s26 =	simm.s32 $0x200;
	[sflag:s11] =	ssyncadd.s32 $0xFFFFD800  }
.LBB2_2:
0x16: {  	p2 =	sne.s32 s26, $0x1E00;
	[tilespmem:s25+$0x1E330] =	vst v0  }
0x17: {  	[tilespmem:s25+$0x1E2C0] =	vst v0  }
0x18: {  	[tilespmem:s25+$0x1E2D0] =	vst v0  }
.Ltmp0:
0x19: {  	[tilespmem:s25+$0x1E2E0] =	vst v0;
	(pc) =	sbr.rel @p2 .LBB2_2-.Ltmp0, $4  }
0x1a: {  	[tilespmem:s25+$0x1E2F0] =	vst v0  }
0x1b: {  	[tilespmem:s25+$0x1E300] =	vst v0  }
0x1c: {  	[tilespmem:s25+$0x1E310] =	vst v0  }
0x1d: {  	[tilespmem:s25+$0x1E320] =	vst v0;
	s25 =	sshra.s32 s26, $0x2;
	s26 =	sadd.s32 $0x200, s26  }
0x1e: {  	[tilespmem:s25+$0x1E330] =	vst v0  }
0x1f: {  	[tilespmem:s25+$0x1E2C0] =	vst v0  }
0x20: {  	[tilespmem:s25+$0x1E2D0] =	vst v0  }
0x21: {  	[tilespmem:s25+$0x1E2E0] =	vst v0  }
0x22: {  	[tilespmem:s25+$0x1E2F0] =	vst v0  }
0x23: {  	[tilespmem:s25+$0x1E300] =	vst v0  }
0x24: {  	[tilespmem:s25+$0x1E310] =	vst v0  }
0x25: {  	[tilespmem:s25+$0x1E320] =	vst v0;
	s31 =	sadd.s32 $0x0, s5  }
0x26: {  	[spmem:s31] =	stream.linear.scatter [tilespmem:s12], [sflag:$0x5], $0x800, $0x38;
	[tilespmem:$0x1EAC0] =	vst v63  }
0x27: {  	s25 =	simm.s32 $0x2000;
	_ =	swait.ge [sflag:s11], $0x800  }
.LBB2_4:
0x28: {  	s26 =	sshra.s32 s25, $0x2;
	[sflag:s11] =	ssyncset.done $0x0;
	p2 =	sne.s32 s25, $0x4C000  }
.Ltmp1:
0x29: {  	s26 =	sadd.s32 s26, s5;
	[sflag:s11] =	ssyncadd.s32 $0xFFFFF800;
	(pc) =	sbr.rel @p2 .LBB2_4-.Ltmp1, $3  }
0x2a: {  	[spmem:s26] =	stream.linear.scatter [tilespmem:s12], [sflag:$0x5], $0x800, $0x38;
	[tilespmem:$0x1EAC0] =	vst v63  }
0x2b: {  	s25 =	sadd.s32 $0x2000, s25;
	_ =	sdelay $0x1  }
0x2c: {  	_ =	swait.ge [sflag:s11], $0x800  }
0x2d: {  	[sflag:s11] =	ssyncset.done $0x0  }
0x2e: {  	s25 =	simm.s32 @!p0 $0x1E2C0;
	[sflag:s11] =	ssyncadd.s32 $0xFFFFF800  }
0x2f: {  	[spmem:s6] =	stream.linear.scatter @!p0 [tilespmem:s25], [sflag:$0x5], $0x800, $0x38;
	[tilespmem:$0x1EAC0] =	vst v63  }
0x30: {  	s25 =	simm.s32 @!p0 $0x5  }
0x31: {  	_ =	swait.ge @!p0 [sflag:s25], $0x800  }
0x32: {  	[sflag:s25] =	ssyncset.done @!p0 $0x0  }
0x33: {  	[sflag:s25] =	ssyncadd.s32 @!p0 $0xFFFFF800  }
0x34: {  	s25 =	simm.s32 $0x13940;
	[bflag:$0x0] =	sbarrier.arrive $0xFFFF  }
0x35: {  	v1 =	vld [tilespmem:s25+$0xFFFFFF80];
	_ =	sdelay $0x4  }
0x36: {  	[tilespmem:$0x160C0] =	vst v1  }
0x37: {  	v1 =	vld [tilespmem:s25+$0xFFFFFF90];
	_ =	sdelay $0x4  }
0x38: {  	[tilespmem:$0x160D0] =	vst v1  }
0x39: {  	v1 =	vld [tilespmem:s25+$0xFFFFFFA0];
	_ =	sdelay $0x4  }
0x3a: {  	[tilespmem:$0x160E0] =	vst v1  }
0x3b: {  	v1 =	vld [tilespmem:s25+$0xFFFFFFB0];
	_ =	sdelay $0x4  }
0x3c: {  	[tilespmem:$0x160F0] =	vst v1  }
0x3d: {  	v1 =	vld [tilespmem:s25+$0xFFFFFFC0];
	_ =	sdelay $0x4  }
0x3e: {  	[tilespmem:$0x16100] =	vst v1  }
0x3f: {  	v1 =	vld [tilespmem:s25+$0xFFFFFFD0];
	_ =	sdelay $0x4  }
0x40: {  	[tilespmem:$0x16110] =	vst v1  }
0x41: {  	v1 =	vld [tilespmem:s25+$0xFFFFFFE0];
	_ =	sdelay $0x4  }
0x42: {  	[tilespmem:$0x16120] =	vst v1  }
0x43: {  	v1 =	vld [tilespmem:s25+$0xFFFFFFF0];
	_ =	sdelay $0x4  }
0x44: {  	[tilespmem:$0x16130] =	vst v1  }
0x45: {  	[tilespmem:s15], [sflag:$0x1] =	stream.indirect.gather [hbm4b:s3+s13], $0x80, s14, s13, $0xb8;
	[tilespmem:$0x1EAC0] =	vst v63  }
0x46: {  	v1 =	vld [tilespmem:s25+$0x0];
	_ =	sdelay $0x4  }
0x47: {  	[tilespmem:$0x16140] =	vst v1  }
0x48: {  	v1 =	vld [tilespmem:s25+$0x10];
	_ =	sdelay $0x4  }
0x49: {  	[tilespmem:$0x16150] =	vst v1  }
0x4a: {  	v1 =	vld [tilespmem:s25+$0x20];
	_ =	sdelay $0x4  }
0x4b: {  	[tilespmem:$0x16160] =	vst v1  }
0x4c: {  	v1 =	vld [tilespmem:s25+$0x30];
	_ =	sdelay $0x4  }
0x4d: {  	[tilespmem:$0x16170] =	vst v1  }
0x4e: {  	v1 =	vld [tilespmem:s25+$0x40];
	_ =	sdelay $0x4  }
0x4f: {  	[tilespmem:$0x16180] =	vst v1  }
0x50: {  	v1 =	vld [tilespmem:s25+$0x50];
	_ =	sdelay $0x4  }
0x51: {  	[tilespmem:$0x16190] =	vst v1  }
0x52: {  	v1 =	vld [tilespmem:s25+$0x60];
	_ =	sdelay $0x4  }
0x53: {  	[tilespmem:$0x161A0] =	vst v1  }
0x54: {  	v1 =	vld [tilespmem:s25+$0x70];
	_ =	sdelay $0x4  }
0x55: {  	[tilespmem:$0x161B0] =	vst v1  }
0x56: {  	[tilespmem:s17], [sflag:$0x2] =	stream.indirect.gather [hbm4b:s3+s13], $0x80, s16, s13, $0xb8;
	[tilespmem:$0x1EAC0] =	vst v63  }
0x57: {  	s26 =	sadd.s32 $0x0, s9  }
0x58: {  	[tilespmem:s18], [sflag:$0x5] =	stream.linear.gather [hbm4b:s26+s2], $0x80, $0x38;
	[tilespmem:$0x1EAC0] =	vst v63  }
0x59: {  	_ =	swait.ge [sflag:s11], $0x80  }
0x5a: {  	[sflag:s11] =	ssyncset.done $0x0  }
0x5b: {  	s26 =	sadd.s32 $0x10, s26;
	[sflag:s11] =	ssyncadd.s32 $0xFFFFFF80  }
0x5c: {  	[tilespmem:s19], [sflag:$0x5] =	stream.linear.gather [hbm4b:s26+s2], $0x80, $0x38;
	[tilespmem:$0x1EAC0] =	vst v63  }
0x5d: {  	_ =	swait.ge [sflag:s11], $0x80  }
0x5e: {  	[sflag:s11] =	ssyncset.done $0x0  }
0x5f: {  	[sflag:s11] =	ssyncadd.s32 $0xFFFFFF80  }
0x60: {  	_ =	swait.ge [sflag:s20], $0x4000  }
0x61: {  	[sflag:s20] =	ssyncset.done $0x0  }
0x62: {  	[sflag:s20] =	ssyncadd.s32 $0xFFFFC000  }
0x63: {  	[spmem:s1] =	stream.indirect.scatter.add.f32 [tilespmem:s15], [sflag:$0x3], $0x80, s18, s13, $0xb8;
	[tilespmem:$0x1EAC0] =	vst v63  }
0x64: {  	_ =	swait.ge [sflag:s21], $0x4000  }
0x65: {  	[sflag:s21] =	ssyncset.done $0x0  }
0x66: {  	[sflag:s21] =	ssyncadd.s32 $0xFFFFC000  }
0x67: {  	[spmem:s1] =	stream.indirect.scatter.add.f32 [tilespmem:s17], [sflag:$0x4], $0x80, s19, s13, $0xb8;
	[tilespmem:$0x1EAC0] =	vst v63  }
0x68: {  	_ =	swait.ge [sflag:s22], $0x4000  }
0x69: {  	[sflag:s22] =	ssyncset.done $0x0  }
0x6a: {  	[sflag:s22] =	ssyncadd.s32 $0xFFFFC000  }
0x6b: {  	_ =	swait.ge [sflag:s23], $0x4000  }
0x6c: {  	s26 =	simm.s32 $0x20;
	[sflag:s23] =	ssyncset.done $0x0  }
.LBB2_6:
0x6d: {  	p2 =	sne.s32 s26, $0x4E0;
	[sflag:s23] =	ssyncadd.s32 $0xFFFFC000;
	s25 =	sadd.s32 $0x100, s25  }
0x6e: {  	s28 =	smov.u32 s26;
	s26 =	sadd.s32 $0x20, s26;
	v1 =	vld [tilespmem:s25+$0xFFFFFF80];
	_ =	sdelay $0x4  }
0x6f: {  	[tilespmem:$0x160C0] =	vst v1  }
0x70: {  	v1 =	vld [tilespmem:s25+$0xFFFFFF90];
	_ =	sdelay $0x4  }
0x71: {  	[tilespmem:$0x160D0] =	vst v1  }
0x72: {  	v1 =	vld [tilespmem:s25+$0xFFFFFFA0];
	_ =	sdelay $0x4  }
0x73: {  	[tilespmem:$0x160E0] =	vst v1  }
0x74: {  	v1 =	vld [tilespmem:s25+$0xFFFFFFB0];
	_ =	sdelay $0x4  }
0x75: {  	[tilespmem:$0x160F0] =	vst v1  }
0x76: {  	v1 =	vld [tilespmem:s25+$0xFFFFFFC0];
	_ =	sdelay $0x4  }
0x77: {  	[tilespmem:$0x16100] =	vst v1  }
0x78: {  	v1 =	vld [tilespmem:s25+$0xFFFFFFD0];
	_ =	sdelay $0x4  }
0x79: {  	[tilespmem:$0x16110] =	vst v1  }
0x7a: {  	v1 =	vld [tilespmem:s25+$0xFFFFFFE0];
	_ =	sdelay $0x4  }
0x7b: {  	[tilespmem:$0x16120] =	vst v1  }
0x7c: {  	v1 =	vld [tilespmem:s25+$0xFFFFFFF0];
	_ =	sdelay $0x4  }
0x7d: {  	[tilespmem:$0x16130] =	vst v1  }
0x7e: {  	[tilespmem:s15], [sflag:$0x1] =	stream.indirect.gather [hbm4b:s3+s13], $0x80, s14, s13, $0xb8;
	[tilespmem:$0x1EAC0] =	vst v63  }
0x7f: {  	v1 =	vld [tilespmem:s25+$0x0];
	_ =	sdelay $0x4  }
0x80: {  	[tilespmem:$0x16140] =	vst v1  }
0x81: {  	v1 =	vld [tilespmem:s25+$0x10];
	_ =	sdelay $0x4  }
0x82: {  	[tilespmem:$0x16150] =	vst v1  }
0x83: {  	v1 =	vld [tilespmem:s25+$0x20];
	_ =	sdelay $0x4  }
0x84: {  	[tilespmem:$0x16160] =	vst v1  }
0x85: {  	v1 =	vld [tilespmem:s25+$0x30];
	_ =	sdelay $0x4  }
0x86: {  	[tilespmem:$0x16170] =	vst v1  }
0x87: {  	v1 =	vld [tilespmem:s25+$0x40];
	_ =	sdelay $0x4  }
0x88: {  	[tilespmem:$0x16180] =	vst v1  }
0x89: {  	v1 =	vld [tilespmem:s25+$0x50];
	_ =	sdelay $0x4  }
0x8a: {  	[tilespmem:$0x16190] =	vst v1  }
0x8b: {  	v1 =	vld [tilespmem:s25+$0x60];
	_ =	sdelay $0x4  }
0x8c: {  	[tilespmem:$0x161A0] =	vst v1  }
0x8d: {  	v1 =	vld [tilespmem:s25+$0x70];
	_ =	sdelay $0x4  }
0x8e: {  	[tilespmem:$0x161B0] =	vst v1  }
0x8f: {  	[tilespmem:s17], [sflag:$0x2] =	stream.indirect.gather [hbm4b:s3+s13], $0x80, s16, s13, $0xb8;
	[tilespmem:$0x1EAC0] =	vst v63  }
0x90: {  	s28 =	sadd.s32 s28, s9  }
0x91: {  	[tilespmem:s18], [sflag:$0x5] =	stream.linear.gather [hbm4b:s28+s2], $0x80, $0x38;
	[tilespmem:$0x1EAC0] =	vst v63  }
0x92: {  	_ =	swait.ge [sflag:s11], $0x80  }
0x93: {  	[sflag:s11] =	ssyncset.done $0x0  }
0x94: {  	s28 =	sadd.s32 $0x10, s28;
	[sflag:s11] =	ssyncadd.s32 $0xFFFFFF80  }
0x95: {  	[tilespmem:s19], [sflag:$0x5] =	stream.linear.gather [hbm4b:s28+s2], $0x80, $0x38;
	[tilespmem:$0x1EAC0] =	vst v63  }
0x96: {  	_ =	swait.ge [sflag:s11], $0x80  }
0x97: {  	[sflag:s11] =	ssyncset.done $0x0  }
0x98: {  	[sflag:s11] =	ssyncadd.s32 $0xFFFFFF80  }
0x99: {  	_ =	swait.ge [sflag:s20], $0x4000  }
0x9a: {  	[sflag:s20] =	ssyncset.done $0x0  }
0x9b: {  	[sflag:s20] =	ssyncadd.s32 $0xFFFFC000  }
0x9c: {  	[spmem:s1] =	stream.indirect.scatter.add.f32 [tilespmem:s15], [sflag:$0x3], $0x80, s18, s13, $0xb8;
	[tilespmem:$0x1EAC0] =	vst v63  }
0x9d: {  	_ =	swait.ge [sflag:s21], $0x4000  }
0x9e: {  	[sflag:s21] =	ssyncset.done $0x0  }
0x9f: {  	[sflag:s21] =	ssyncadd.s32 $0xFFFFC000  }
0xa0: {  	[spmem:s1] =	stream.indirect.scatter.add.f32 [tilespmem:s17], [sflag:$0x4], $0x80, s19, s13, $0xb8;
	[tilespmem:$0x1EAC0] =	vst v63  }
.Ltmp2:
0xa1: {  	_ =	swait.ge [sflag:s22], $0x4000;
	(pc) =	sbr.rel @p2 .LBB2_6-.Ltmp2, $4  }
0xa2: {  	[sflag:s22] =	ssyncset.done $0x0  }
0xa3: {  	[sflag:s22] =	ssyncadd.s32 $0xFFFFC000  }
0xa4: {  	_ =	swait.ge [sflag:s23], $0x4000  }
0xa5: {  	[sflag:s23] =	ssyncset.done $0x0  }
0xa6: {  	[sflag:s23] =	ssyncadd.s32 $0xFFFFC000;
	s25 =	sshrl.u32 @!p1 s1, $0x3;
	s24 =	sadd.s32 $0x1, s24  }
0xa7: {  	s26 =	simm.s32 @!p1 $0x1C05;
	[bflag:$0x0] =	sbarrier.arrive $0xFFFF;
	p2 =	sne.s32 s24, s8  }
0xa8: {  	[hbm:s7], [sflag:s26] =	dma.local @!p1 [spmem:s25], $0x27100  }
.Ltmp3:
0xa9: {  	_ = 	snop;
	(pc) =	sbr.rel @p2 .LBB2_1-.Ltmp3, $4  }
0xaa: {  	s25 =	simm.s32 @!p1 $0x5  }
0xab: {  	_ =	swait.ge @!p1 [sflag:s25], $0x27100  }
0xac: {  	[sflag:s25] =	ssyncset.done @!p1 $0x0  }
0xad: {  	[sflag:s25] =	ssyncadd.s32 @!p1 $0xFFFD8F00  }
0xae: {  	_ =	sfence.sel $0x180000  }
0xaf: {  	[bflag:$0x0] =	sbarrier.arrive $0xFFFF  }
0xb0: {  	_ =	strace $0x9000004D  }
0xb1: {  	s0 =	sadd.s32 @!p1 $0x100000, s0;
	[bflag:$0x2] =	sbarrier.arrive $0xFFFF  }
0xb2: {  	[sflag:s0] =	ssyncadd.tile.s32 @!p1 $0x1;
	_ =	shalt  }
.Lfunc_end2:
_tile_overlayer_lowered:
.L_overlay_start_2:
0xb3: {  	(tag) =	ssettag $0x2  }
0xb4: {  	s0 =	rddreg [dreg:$0x0];
	s2 =	stileid.u32  }
0xb5: {  	s1 =	rddreg [dreg:$0x1];
	p0 =	sne.s32 s2, $0x0  }
0xb6: {  	s3 =	rddreg [dreg:$0x2];
	[bflag:$0x3] =	sbarrier.arrive $0xFFFF;
	s2 =	simm.s32 @!p0 $0x1C05  }
0xb7: {  	[timem:s3], [sflag:s2] =	dma.local @!p0 [hbm:s0], s1  }
0xb8: {  	s0 =	simm.s32 @!p0 $0x5  }
0xb9: {  	_ =	swait.ge @!p0 [sflag:s0], s1  }
0xba: {  	s1 =	ssub.s32 @!p0 $0x0, s1;
	[sflag:s0] =	ssyncset.done @!p0 $0x0  }
0xbb: {  	[sflag:s0] =	ssyncadd.s32 @!p0 s1  }
0xbc: {  	[bflag:$0x3] =	sbarrier.arrive $0xFFFF  }
0xbd: {  	_ =	shalt  }

// kernel: kernel.20.cloned.1.call-start
scs
__scs_entry_jumppad:
0x0: {  	(pc) =	sbr.rel $0x88, $3  }
0x1: {  	(tag) =	ssettag $0x0;
	lr =	simm.s32 $0x1  }
0x2: {  	[smem:$0x3F95] =	sst lr;
	_ =	strace $0xD0000000  }
0x3: {  	_ = 	snop  }
0x4: {  	_ = 	snop  }
0x5: {  	_ = 	snop  }
0x6: {  	_ = 	snop  }
0x7: {  	_ = 	snop  }
__scs_overlays_trampoline_lowered:
0x8: {  	[smem:$0x3FA4] =	sst s0  }
0x9: {  	[smem:$0x3FA5] =	sst s1  }
0xa: {  	[smem:$0x3FA6] =	sst s2  }
0xb: {  	[smem:$0x3FA7] =	sst s3  }
0xc: {  	[smem:$0x3FA8] =	sst s4  }
0xd: {  	[smem:$0x3FA9] =	sst s5  }
0xe: {  	[smem:$0x3FAA] =	sst s6  }
0xf: {  	[smem:$0x3FAB] =	sst s7  }
0x10: {  	[smem:$0x3FAC] =	sst s8  }
0x11: {  	[smem:$0x3FAD] =	sst s9;
	s0 =	simm.s32 @!p0 $0x0  }
0x12: {  	s1 =	sld [smem:$0x3F93];
	s0 =	simm.s32 @p0 $0x1  }
0x13: {  	[smem:$0x3FAE] =	sst s0;
	s0 =	simm.s32 @!p1 $0x0  }
0x14: {  	s2 =	sld [smem:$0x3F92];
	s0 =	simm.s32 @p1 $0x1  }
0x15: {  	[smem:$0x3FAF] =	sst s0;
	s0 =	simm.s32 @!p2 $0x0  }
0x16: {  	s3 =	sld [smem:$0x3FDB];
	s0 =	simm.s32 @p2 $0x1  }
0x17: {  	s4 =	simm.s32 $0x1BF5;
	[smem:$0x3FB1] =	sst s0  }
0x18: {  	s0 =	sld [smem:$0x3F94];
	_ =	swait.ge [sflag:s4], $0x0  }
0x19: {  	s7 =	sld [smem:$0x3F95]  }
0x1a: {  	s8 =	sadd.s32 $0xFFFFE003, lr  }
0x1b: {  	s9 =	sadd.s32 $0xFFFFFEF7, lr;
	s5 =	simm.s32 $0xFFFFFFFF;
	p2 =	slt.u32 s8, $0xFFFFF086  }
0x1c: {  	p1 =	slt.u32 s9, $0xF7A;
	s5 =	simm.s32 @!p2 $0x0  }
0x1d: {  	s5 =	simm.s32 @p1 $0x1;
	p0 =	seq.s32 s7, s2  }
0x1e: {  	s7 =	smul.u32 @!p0 $0xF7A, s2;
	p2 =	seq.s32 @!p0 s5, $0x0  }
0x1f: {  	s9 =	smul.u32 $0xF7A, s1;
	s8 =	simm.s32 @!p0 $0x1BF5;
	p2 =	por !p2, p0  }
0x20: {  	[sflag:s8] =	ssyncset.s32 @!p0 $0xFFFFF086;
	s6 =	sadd.s32 @!p0 s3, s7;
	s7 =	simm.s32 @!p0 $0x108  }
0x21: {  	s3 =	sadd.s32 s3, s9;
	s6 =	sadd.s32 @!p0 $0x88, s6;
	s7 =	simm.s32 @p2 $0x1082  }
0x22: {  	[simem:s7], [sflag:s8] =	dma.local @!p0 [hbm:s6], $0xF7A  }
0x23: {  	s9 =	sor.u32 $0xD0000000, s2;
	s6 =	simm.s32 $0x108;
	_ =	swait.ge @!p0 [sflag:s8], $0x0  }
0x24: {  	s3 =	sadd.s32 $0x88, s3;
	s6 =	simm.s32 @!p1 $0x1082;
	[sflag:s4] =	ssyncset.s32 $0xFFFFF086  }
0x25: {  	[simem:s6], [sflag:s4] =	dma.local [hbm:s3], $0xF7A  }
0x26: {  	[smem:$0x3F95] =	sst s1;
	(tag) =	ssettag s2;
	_ =	strace s9  }
0x27: {  	s1 =	sld [smem:$0x3FA5]  }
0x28: {  	s2 =	sld [smem:$0x3FA6]  }
0x29: {  	s4 =	sld [smem:$0x3FA8]  }
0x2a: {  	p0 =	seq.s32 s5, $0x0;
	s5 =	sld [smem:$0x3FA9]  }
0x2b: {  	s6 =	sld [smem:$0x3FAA]  }
0x2c: {  	s7 =	sld [smem:$0x3FAB]  }
0x2d: {  	s3 =	simm.s32 $0x108;
	s8 =	sld [smem:$0x3FAC]  }
0x2e: {  	s3 =	simm.s32 @!p0 $0x1082;
	s9 =	sld [smem:$0x3FAD]  }
0x2f: {  	lr =	sadd.s32 s0, s3;
	s0 =	sld [smem:$0x3FA4]  }
0x30: {  	s3 =	sld [smem:$0x3FA7]  }
0x31: {  	[smem:$0x3FB0] =	sst s10  }
0x32: {  	s10 =	sld [smem:$0x3FAE];
	_ =	sdelay $0x3  }
0x33: {  	p0 =	seq.s32 s10, $0x1;
	s10 =	sld [smem:$0x3FB0];
	_ =	sdelay $0x3  }
0x34: {  	[smem:$0x3FB0] =	sst s10  }
0x35: {  	s10 =	sld [smem:$0x3FAF];
	_ =	sdelay $0x3  }
0x36: {  	p1 =	seq.s32 s10, $0x1;
	s10 =	sld [smem:$0x3FB0];
	_ =	sdelay $0x3  }
0x37: {  	[smem:$0x3FB0] =	sst s10  }
0x38: {  	s10 =	sld [smem:$0x3FB1]  }
0x39: {  	_ = 	snop;
	(pc) =	sbr.ind lr, $3  }
0x3a: {  	_ = 	snop  }
0x3b: {  	_ = 	snop  }
0x3c: {  	p2 =	seq.s32 s10, $0x1;
	s10 =	sld [smem:$0x3FB0]  }
0x3d: {  	_ =	shalt  }
0x3e: {  	_ =	shalt  }
0x3f: {  	_ =	shalt  }
0x40: {  	_ =	shalt  }
0x41: {  	_ =	shalt  }
0x42: {  	_ =	shalt  }
0x43: {  	_ =	shalt  }
0x44: {  	_ =	shalt  }
0x45: {  	_ =	shalt  }
0x46: {  	_ =	shalt  }
0x47: {  	_ =	shalt  }
0x48: {  	_ =	shalt  }
0x49: {  	_ =	shalt  }
0x4a: {  	_ =	shalt  }
0x4b: {  	_ =	shalt  }
0x4c: {  	_ =	shalt  }
0x4d: {  	_ =	shalt  }
0x4e: {  	_ =	shalt  }
0x4f: {  	_ =	shalt  }
0x50: {  	_ =	shalt  }
0x51: {  	_ =	shalt  }
0x52: {  	_ =	shalt  }
0x53: {  	_ =	shalt  }
0x54: {  	_ =	shalt  }
0x55: {  	_ =	shalt  }
0x56: {  	_ =	shalt  }
0x57: {  	_ =	shalt  }
0x58: {  	_ =	shalt  }
0x59: {  	_ =	shalt  }
0x5a: {  	_ =	shalt  }
0x5b: {  	_ =	shalt  }
0x5c: {  	_ =	shalt  }
0x5d: {  	_ =	shalt  }
0x5e: {  	_ =	shalt  }
0x5f: {  	_ =	shalt  }
0x60: {  	_ =	shalt  }
0x61: {  	_ =	shalt  }
0x62: {  	_ =	shalt  }
0x63: {  	_ =	shalt  }
0x64: {  	_ =	shalt  }
0x65: {  	_ =	shalt  }
0x66: {  	_ =	shalt  }
0x67: {  	_ =	shalt  }
0x68: {  	_ =	shalt  }
0x69: {  	_ =	shalt  }
0x6a: {  	_ =	shalt  }
0x6b: {  	_ =	shalt  }
0x6c: {  	_ =	shalt  }
0x6d: {  	_ =	shalt  }
0x6e: {  	_ =	shalt  }
0x6f: {  	_ =	shalt  }
0x70: {  	_ =	shalt  }
0x71: {  	_ =	shalt  }
0x72: {  	_ =	shalt  }
0x73: {  	_ =	shalt  }
0x74: {  	_ =	shalt  }
0x75: {  	_ =	shalt  }
0x76: {  	_ =	shalt  }
0x77: {  	_ =	shalt  }
0x78: {  	_ =	shalt  }
0x79: {  	_ =	shalt  }
0x7a: {  	_ =	shalt  }
0x7b: {  	_ =	shalt  }
0x7c: {  	_ =	shalt  }
0x7d: {  	_ =	shalt  }
0x7e: {  	_ =	shalt  }
0x7f: {  	_ =	shalt  }
0x80: {  	_ =	shalt  }
0x81: {  	_ =	shalt  }
0x82: {  	_ =	shalt  }
0x83: {  	_ =	shalt  }
0x84: {  	_ =	shalt  }
0x85: {  	_ =	shalt  }
0x86: {  	_ =	shalt  }
0x87: {  	_ =	shalt  }
.Lfunc_end0:
.L_simem_size_0:
called_computation.3_lowered:
.L_overlay_start_0:
0x88: {  	s2 =	sld [smem:$0x3FD9]  }
0x89: {  	s3 =	sld [smem:$0x3FFE];
	_ =	sdelay $0x1  }
0x8a: {  	s1 =	srdreg.scid  }
0x8b: {  	s0 =	sand.u32 $0x1, s1  }
0x8c: {  	s16 =	sshll.u32 s0, $0xA;
	s2 =	sadd.s32 s3, s2  }
0x8d: {  	s2 =	sadd.s32 s2, s16  }
0x8e: {  	[smem:$0x3FBC] =	sst s2  }
0x8f: {  	_ = 	snop  }
0x90: {  	(tm) =	ssettm $0x1  }
0x91: {  	s17 =	sld [smem:$0x3FFB];
	_ =	sdelay $0x3  }
0x92: {  	_ =	strace s17  }
0x93: {  	s2 =	sld [smem:$0x3FFC];
	_ =	sdelay $0x3  }
0x94: {  	_ =	strace s2  }
0x95: {  	s2 =	sld [smem:$0x3FFD];
	_ =	sdelay $0x3  }
0x96: {  	_ =	strace s2  }
0x97: {  	_ =	strace $0x8FFFFFFF  }
0x98: {  	s18 =	sld [smem:$0x3FDB];
	_ =	sdelay $0x1  }
0x99: {  	s19 =	simm.s32 $_scs_section_size  }
0x9a: {  	s4 =	simm.s32 $_size__tile_overlayer_lowered;
	s5 =	simm.s32 $_tile_overlayer_lowered  }
0x9b: {  	s22 =	simm.s32 $0x1BFF;
	s21 =	sshll.u32 s5, $0x1;
	s2 =	sadd.s32 s19, s18  }
0x9c: {  	s6 =	simm.s32 $0x0;
	s20 =	sshll.u32 s4, $0x1;
	s4 =	sadd.s32 s21, s2  }
0x9d: {  	[timem:s6], [sflag:s22] =	dma.local [hbm:s4], s20  }
0x9e: {  	_ =	swait.ge [sflag:s22], s20  }
0x9f: {  	s3 =	ssub.s32 $0x0, s20;
	[sflag:s22] =	ssyncset.done $0x0  }
0xa0: {  	[sflag:s22] =	ssyncadd.s32 s3;
	_ =	sdelay $0x1  }
0xa1: {  	s23 =	simm.s32 $0x1B8B  }
0xa2: {  	_ =	swait.ge [sflag:s23], $0x1  }
0xa3: {  	[sflag:s23] =	ssyncset.done $0x0  }
0xa4: {  	s25 =	simm.s32 $0x1B8E;
	s24 =	sld [smem:$0x3FFE];
	[sflag:s23] =	ssyncadd.s32 $0xFFFFFFFF  }
0xa5: {  	s26 =	simm.s32 $execute0_lowered;
	[smem:$0x3FD2] =	sst s25  }
0xa6: {  	s4 =	sshll.u32 s26, $0x1;
	_ =	strace $0x8000004F;
	[dreg:$0x1] =	wrdreg $0xFFFFFFFF  }
0xa7: {  	s28 =	simm.s32 $_size_execute0_lowered;
	s2 =	sadd.s32 s2, s4;
	[dreg:$0x0] =	wrdreg $0x0  }
0xa8: {  	s4 =	sshll.u32 s28, $0x1;
	[dreg:$0x2] =	wrdreg s2  }
0xa9: {  	[dreg:$0x3] =	wrdreg s4  }
0xaa: {  	[dreg:$0x4] =	wrdreg $0xC0  }
0xab: {  	_ =	task [dreg:s6], $0x5FFFF  }
0xac: {  	[dreg:$0x1] =	wrdreg $0xFFFFFFFF  }
0xad: {  	[dreg:$0x0] =	wrdreg $0x60  }
0xae: {  	[dreg:$0x2] =	wrdreg s24  }
0xaf: {  	[dreg:$0x3] =	wrdreg $0x0  }
0xb0: {  	[dreg:$0x4] =	wrdreg $0x9  }
0xb1: {  	_ =	task.clear_ibuf [dreg:s6], $0x5FFFF;
	_ =	strace $0x9000004F  }
0xb2: {  	s29 =	simm.s32 $0x9;
	_ =	strace $0x80000051  }
0xb3: {  	_ =	swait.ge [sflag:s29], $0x1  }
0xb4: {  	[sflag:s29] =	ssyncadd.s32 $0xFFFFFFFF  }
0xb5: {  	_ =	strace $0x90000051  }
0xb6: {  	_ =	sfence  }
0xb7: {  	s30 =	sld [smem:$0x0];
	_ =	sdelay $0x2  }
0xb8: {  	s31 =	sshll.u32 s1, $0xD;
	s1 =	sshrl.u32 s1, $0x2  }
0xb9: {  	s3 =	sand.u32 $0x4000, s31;
	s1 =	sadd.s32 s1, s30  }
0xba: {  	s0 =	sor.u32 s3, s0;
	s1 =	sshll.u32 s1, $0x11  }
0xbb: {  	s0 =	sor.u32 s1, s0  }
0xbc: {  	s0 =	sadd.s32 $0x8F2B, s0  }
0xbd: {  	[sflag:s0] =	ssyncadd.remote.s32 $0x1  }
0xbe: {  	_ =	sfence.sel $0xFFFF  }
0xbf: {  	[dreg:$0x0] =	wrdreg $0xFFFFFFFF;
	(pc) =	sbr.abs _section_cstart, $3  }
0xc0: {  	[dreg:$0x1] =	wrdreg $0xFFFFFFFF  }
0xc1: {  	_ =	task.clear_ibuf [dreg:s6], $0x2FFFF;
	_ =	strace $0x9FFFFFFF  }
0xc2: {  	(tm) =	ssettm $0x7FFFFFFF  }
0xc3: {  	_ =	shalt  }
tec
execute0_lowered:
.L_overlay_start_1:
0x0: {  	(tag) =	ssettag $0x1  }
0x1: {  	s4 =	rddreg [dreg:$0x0]  }
0x2: {  	s1 =	rddreg [dreg:$0x1]  }
0x3: {  	s0 =	rddreg [dreg:$0x2]  }
0x4: {  	s3 =	srdreg.scid;
	s24 =	stileid.u32;
	s2 =	simm.s32 $0x0  }
0x5: {  	s11 =	simm.s32 $0x5;
	s12 =	simm.s32 $0x1E2C0;
	s13 =	simm.s32 $0x80  }
0x6: {  	s14 =	simm.s32 $0x160C0;
	s15 =	simm.s32 $0x162C0;
	s16 =	simm.s32 $0x16140  }
0x7: {  	s17 =	simm.s32 $0x1A2C0;
	s18 =	simm.s32 $0x161C0;
	s19 =	simm.s32 $0x16240  }
0x8: {  	s20 =	simm.s32 $0x1;
	s21 =	simm.s32 $0x2;
	s22 =	simm.s32 $0x3  }
0x9: {  	s23 =	simm.s32 $0x4;
	s5 =	sand.u32 $0x1, s3;
	s6 =	smul.u32 $0x500, s24  }
0xa: {  	[smem:$0x7FF] =	sst s2;
	s3 =	sadd.s32 $0x61200, s4;
	s9 =	smul.u32 $0x4E000, s24  }
0xb: {  	p0 =	sne.s32 s24, $0xF;
	p1 =	sne.s32 s24, $0x0;
	s7 =	smul.u32 $0x5000, s5  }
0xc: {  	s24 =	simm.s32 $0x0;
	s8 =	smul.u32 $0x27100, s5;
	s5 =	ssub.s32 $0x2, s5  }
0xd: {  	_ =	strace $0x80000050;
	s10 =	sadd.s32 s6, s4;
	s29 =	sshrl.u32 s5, $0x1  }
0xe: {  	s30 =	sshrl.u32 s9, $0x2;
	s7 =	sadd.s32 s6, s7;
	s8 =	sadd.s32 s8, s4  }
0xf: {  	s31 =	ssub.s32 s5, s29;
	s5 =	sadd.s32 s30, s1;
	s6 =	sadd.s32 $0x138000, s1  }
0x10: {  	s9 =	sadd.s32 $0x4000, s10;
	s10 =	simm.s32 $0x138C0;
	s7 =	sadd.s32 s7, s4  }
0x11: {  	v0 =	vimm.f32 $0.0e+00;
	s4 =	sadd.s32 $0x57200, s7;
	s7 =	sadd.s32 $0xFD600, s8;
	s8 =	smax.u32 s31, $0x1  }
.LBB2_1:
0x12: {  	[tilespmem:s10], [sflag:$0x5] =	stream.linear.gather [hbm4b:s4+s2], $0x2800, $0x38;
	[tilespmem:$0x1EAC0] =	vst v63  }
0x13: {  	_ =	swait.ge [sflag:s11], $0x2800  }
0x14: {  	[sflag:s11] =	ssyncset.done $0x0  }
0x15: {  	s25 =	simm.s32 $0x0;
	s26 =	simm.s32 $0x200;
	[sflag:s11] =	ssyncadd.s32 $0xFFFFD800  }
.LBB2_2:
0x16: {  	p2 =	sne.s32 s26, $0x1E00;
	[tilespmem:s25+$0x1E330] =	vst v0  }
0x17: {  	[tilespmem:s25+$0x1E2C0] =	vst v0  }
0x18: {  	[tilespmem:s25+$0x1E2D0] =	vst v0  }
.Ltmp0:
0x19: {  	[tilespmem:s25+$0x1E2E0] =	vst v0;
	(pc) =	sbr.rel @p2 .LBB2_2-.Ltmp0, $4  }
0x1a: {  	[tilespmem:s25+$0x1E2F0] =	vst v0  }
0x1b: {  	[tilespmem:s25+$0x1E300] =	vst v0  }
0x1c: {  	[tilespmem:s25+$0x1E310] =	vst v0  }
0x1d: {  	[tilespmem:s25+$0x1E320] =	vst v0;
	s25 =	sshra.s32 s26, $0x2;
	s26 =	sadd.s32 $0x200, s26  }
0x1e: {  	[tilespmem:s25+$0x1E330] =	vst v0  }
0x1f: {  	[tilespmem:s25+$0x1E2C0] =	vst v0  }
0x20: {  	[tilespmem:s25+$0x1E2D0] =	vst v0  }
0x21: {  	[tilespmem:s25+$0x1E2E0] =	vst v0  }
0x22: {  	[tilespmem:s25+$0x1E2F0] =	vst v0  }
0x23: {  	[tilespmem:s25+$0x1E300] =	vst v0  }
0x24: {  	[tilespmem:s25+$0x1E310] =	vst v0  }
0x25: {  	[tilespmem:s25+$0x1E320] =	vst v0;
	s31 =	sadd.s32 $0x0, s5  }
0x26: {  	[spmem:s31] =	stream.linear.scatter [tilespmem:s12], [sflag:$0x5], $0x800, $0x38;
	[tilespmem:$0x1EAC0] =	vst v63  }
0x27: {  	s25 =	simm.s32 $0x2000;
	_ =	swait.ge [sflag:s11], $0x800  }
.LBB2_4:
0x28: {  	s26 =	sshra.s32 s25, $0x2;
	[sflag:s11] =	ssyncset.done $0x0;
	p2 =	sne.s32 s25, $0x4C000  }
.Ltmp1:
0x29: {  	s26 =	sadd.s32 s26, s5;
	[sflag:s11] =	ssyncadd.s32 $0xFFFFF800;
	(pc) =	sbr.rel @p2 .LBB2_4-.Ltmp1, $3  }
0x2a: {  	[spmem:s26] =	stream.linear.scatter [tilespmem:s12], [sflag:$0x5], $0x800, $0x38;
	[tilespmem:$0x1EAC0] =	vst v63  }
0x2b: {  	s25 =	sadd.s32 $0x2000, s25;
	_ =	sdelay $0x1  }
0x2c: {  	_ =	swait.ge [sflag:s11], $0x800  }
0x2d: {  	[sflag:s11] =	ssyncset.done $0x0  }
0x2e: {  	s25 =	simm.s32 @!p0 $0x1E2C0;
	[sflag:s11] =	ssyncadd.s32 $0xFFFFF800  }
0x2f: {  	[spmem:s6] =	stream.linear.scatter @!p0 [tilespmem:s25], [sflag:$0x5], $0x800, $0x38;
	[tilespmem:$0x1EAC0] =	vst v63  }
0x30: {  	s25 =	simm.s32 @!p0 $0x5  }
0x31: {  	_ =	swait.ge @!p0 [sflag:s25], $0x800  }
0x32: {  	[sflag:s25] =	ssyncset.done @!p0 $0x0  }
0x33: {  	[sflag:s25] =	ssyncadd.s32 @!p0 $0xFFFFF800  }
0x34: {  	s25 =	simm.s32 $0x13940;
	[bflag:$0x0] =	sbarrier.arrive $0xFFFF  }
0x35: {  	v1 =	vld [tilespmem:s25+$0xFFFFFF80];
	_ =	sdelay $0x4  }
0x36: {  	[tilespmem:$0x160C0] =	vst v1  }
0x37: {  	v1 =	vld [tilespmem:s25+$0xFFFFFF90];
	_ =	sdelay $0x4  }
0x38: {  	[tilespmem:$0x160D0] =	vst v1  }
0x39: {  	v1 =	vld [tilespmem:s25+$0xFFFFFFA0];
	_ =	sdelay $0x4  }
0x3a: {  	[tilespmem:$0x160E0] =	vst v1  }
0x3b: {  	v1 =	vld [tilespmem:s25+$0xFFFFFFB0];
	_ =	sdelay $0x4  }
0x3c: {  	[tilespmem:$0x160F0] =	vst v1  }
0x3d: {  	v1 =	vld [tilespmem:s25+$0xFFFFFFC0];
	_ =	sdelay $0x4  }
0x3e: {  	[tilespmem:$0x16100] =	vst v1  }
0x3f: {  	v1 =	vld [tilespmem:s25+$0xFFFFFFD0];
	_ =	sdelay $0x4  }
0x40: {  	[tilespmem:$0x16110] =	vst v1  }
0x41: {  	v1 =	vld [tilespmem:s25+$0xFFFFFFE0];
	_ =	sdelay $0x4  }
0x42: {  	[tilespmem:$0x16120] =	vst v1  }
0x43: {  	v1 =	vld [tilespmem:s25+$0xFFFFFFF0];
	_ =	sdelay $0x4  }
0x44: {  	[tilespmem:$0x16130] =	vst v1  }
0x45: {  	[tilespmem:s15], [sflag:$0x1] =	stream.indirect.gather [hbm4b:s3+s13], $0x80, s14, s13, $0xb8;
	[tilespmem:$0x1EAC0] =	vst v63  }
0x46: {  	v1 =	vld [tilespmem:s25+$0x0];
	_ =	sdelay $0x4  }
0x47: {  	[tilespmem:$0x16140] =	vst v1  }
0x48: {  	v1 =	vld [tilespmem:s25+$0x10];
	_ =	sdelay $0x4  }
0x49: {  	[tilespmem:$0x16150] =	vst v1  }
0x4a: {  	v1 =	vld [tilespmem:s25+$0x20];
	_ =	sdelay $0x4  }
0x4b: {  	[tilespmem:$0x16160] =	vst v1  }
0x4c: {  	v1 =	vld [tilespmem:s25+$0x30];
	_ =	sdelay $0x4  }
0x4d: {  	[tilespmem:$0x16170] =	vst v1  }
0x4e: {  	v1 =	vld [tilespmem:s25+$0x40];
	_ =	sdelay $0x4  }
0x4f: {  	[tilespmem:$0x16180] =	vst v1  }
0x50: {  	v1 =	vld [tilespmem:s25+$0x50];
	_ =	sdelay $0x4  }
0x51: {  	[tilespmem:$0x16190] =	vst v1  }
0x52: {  	v1 =	vld [tilespmem:s25+$0x60];
	_ =	sdelay $0x4  }
0x53: {  	[tilespmem:$0x161A0] =	vst v1  }
0x54: {  	v1 =	vld [tilespmem:s25+$0x70];
	_ =	sdelay $0x4  }
0x55: {  	[tilespmem:$0x161B0] =	vst v1  }
0x56: {  	[tilespmem:s17], [sflag:$0x2] =	stream.indirect.gather [hbm4b:s3+s13], $0x80, s16, s13, $0xb8;
	[tilespmem:$0x1EAC0] =	vst v63  }
0x57: {  	s26 =	sadd.s32 $0x0, s9  }
0x58: {  	[tilespmem:s18], [sflag:$0x5] =	stream.linear.gather [hbm4b:s26+s2], $0x80, $0x38;
	[tilespmem:$0x1EAC0] =	vst v63  }
0x59: {  	_ =	swait.ge [sflag:s11], $0x80  }
0x5a: {  	[sflag:s11] =	ssyncset.done $0x0  }
0x5b: {  	s26 =	sadd.s32 $0x10, s26;
	[sflag:s11] =	ssyncadd.s32 $0xFFFFFF80  }
0x5c: {  	[tilespmem:s19], [sflag:$0x5] =	stream.linear.gather [hbm4b:s26+s2], $0x80, $0x38;
	[tilespmem:$0x1EAC0] =	vst v63  }
0x5d: {  	_ =	swait.ge [sflag:s11], $0x80  }
0x5e: {  	[sflag:s11] =	ssyncset.done $0x0  }
0x5f: {  	[sflag:s11] =	ssyncadd.s32 $0xFFFFFF80  }
0x60: {  	_ =	swait.ge [sflag:s20], $0x4000  }
0x61: {  	[sflag:s20] =	ssyncset.done $0x0  }
0x62: {  	[sflag:s20] =	ssyncadd.s32 $0xFFFFC000  }
0x63: {  	[spmem:s1] =	stream.indirect.scatter.add.f32 [tilespmem:s15], [sflag:$0x3], $0x80, s18, s13, $0xb8;
	[tilespmem:$0x1EAC0] =	vst v63  }
0x64: {  	_ =	swait.ge [sflag:s21], $0x4000  }
0x65: {  	[sflag:s21] =	ssyncset.done $0x0  }
0x66: {  	[sflag:s21] =	ssyncadd.s32 $0xFFFFC000  }
0x67: {  	[spmem:s1] =	stream.indirect.scatter.add.f32 [tilespmem:s17], [sflag:$0x4], $0x80, s19, s13, $0xb8;
	[tilespmem:$0x1EAC0] =	vst v63  }
0x68: {  	_ =	swait.ge [sflag:s22], $0x4000  }
0x69: {  	[sflag:s22] =	ssyncset.done $0x0  }
0x6a: {  	[sflag:s22] =	ssyncadd.s32 $0xFFFFC000  }
0x6b: {  	_ =	swait.ge [sflag:s23], $0x4000  }
0x6c: {  	s26 =	simm.s32 $0x20;
	[sflag:s23] =	ssyncset.done $0x0  }
.LBB2_6:
0x6d: {  	p2 =	sne.s32 s26, $0x4E0;
	[sflag:s23] =	ssyncadd.s32 $0xFFFFC000;
	s25 =	sadd.s32 $0x100, s25  }
0x6e: {  	s28 =	smov.u32 s26;
	s26 =	sadd.s32 $0x20, s26;
	v1 =	vld [tilespmem:s25+$0xFFFFFF80];
	_ =	sdelay $0x4  }
0x6f: {  	[tilespmem:$0x160C0] =	vst v1  }
0x70: {  	v1 =	vld [tilespmem:s25+$0xFFFFFF90];
	_ =	sdelay $0x4  }
0x71: {  	[tilespmem:$0x160D0] =	vst v1  }
0x72: {  	v1 =	vld [tilespmem:s25+$0xFFFFFFA0];
	_ =	sdelay $0x4  }
0x73: {  	[tilespmem:$0x160E0] =	vst v1  }
0x74: {  	v1 =	vld [tilespmem:s25+$0xFFFFFFB0];
	_ =	sdelay $0x4  }
0x75: {  	[tilespmem:$0x160F0] =	vst v1  }
0x76: {  	v1 =	vld [tilespmem:s25+$0xFFFFFFC0];
	_ =	sdelay $0x4  }
0x77: {  	[tilespmem:$0x16100] =	vst v1  }
0x78: {  	v1 =	vld [tilespmem:s25+$0xFFFFFFD0];
	_ =	sdelay $0x4  }
0x79: {  	[tilespmem:$0x16110] =	vst v1  }
0x7a: {  	v1 =	vld [tilespmem:s25+$0xFFFFFFE0];
	_ =	sdelay $0x4  }
0x7b: {  	[tilespmem:$0x16120] =	vst v1  }
0x7c: {  	v1 =	vld [tilespmem:s25+$0xFFFFFFF0];
	_ =	sdelay $0x4  }
0x7d: {  	[tilespmem:$0x16130] =	vst v1  }
0x7e: {  	[tilespmem:s15], [sflag:$0x1] =	stream.indirect.gather [hbm4b:s3+s13], $0x80, s14, s13, $0xb8;
	[tilespmem:$0x1EAC0] =	vst v63  }
0x7f: {  	v1 =	vld [tilespmem:s25+$0x0];
	_ =	sdelay $0x4  }
0x80: {  	[tilespmem:$0x16140] =	vst v1  }
0x81: {  	v1 =	vld [tilespmem:s25+$0x10];
	_ =	sdelay $0x4  }
0x82: {  	[tilespmem:$0x16150] =	vst v1  }
0x83: {  	v1 =	vld [tilespmem:s25+$0x20];
	_ =	sdelay $0x4  }
0x84: {  	[tilespmem:$0x16160] =	vst v1  }
0x85: {  	v1 =	vld [tilespmem:s25+$0x30];
	_ =	sdelay $0x4  }
0x86: {  	[tilespmem:$0x16170] =	vst v1  }
0x87: {  	v1 =	vld [tilespmem:s25+$0x40];
	_ =	sdelay $0x4  }
0x88: {  	[tilespmem:$0x16180] =	vst v1  }
0x89: {  	v1 =	vld [tilespmem:s25+$0x50];
	_ =	sdelay $0x4  }
0x8a: {  	[tilespmem:$0x16190] =	vst v1  }
0x8b: {  	v1 =	vld [tilespmem:s25+$0x60];
	_ =	sdelay $0x4  }
0x8c: {  	[tilespmem:$0x161A0] =	vst v1  }
0x8d: {  	v1 =	vld [tilespmem:s25+$0x70];
	_ =	sdelay $0x4  }
0x8e: {  	[tilespmem:$0x161B0] =	vst v1  }
0x8f: {  	[tilespmem:s17], [sflag:$0x2] =	stream.indirect.gather [hbm4b:s3+s13], $0x80, s16, s13, $0xb8;
	[tilespmem:$0x1EAC0] =	vst v63  }
0x90: {  	s28 =	sadd.s32 s28, s9  }
0x91: {  	[tilespmem:s18], [sflag:$0x5] =	stream.linear.gather [hbm4b:s28+s2], $0x80, $0x38;
	[tilespmem:$0x1EAC0] =	vst v63  }
0x92: {  	_ =	swait.ge [sflag:s11], $0x80  }
0x93: {  	[sflag:s11] =	ssyncset.done $0x0  }
0x94: {  	s28 =	sadd.s32 $0x10, s28;
	[sflag:s11] =	ssyncadd.s32 $0xFFFFFF80  }
0x95: {  	[tilespmem:s19], [sflag:$0x5] =	stream.linear.gather [hbm4b:s28+s2], $0x80, $0x38;
	[tilespmem:$0x1EAC0] =	vst v63  }
0x96: {  	_ =	swait.ge [sflag:s11], $0x80  }
0x97: {  	[sflag:s11] =	ssyncset.done $0x0  }
0x98: {  	[sflag:s11] =	ssyncadd.s32 $0xFFFFFF80  }
0x99: {  	_ =	swait.ge [sflag:s20], $0x4000  }
0x9a: {  	[sflag:s20] =	ssyncset.done $0x0  }
0x9b: {  	[sflag:s20] =	ssyncadd.s32 $0xFFFFC000  }
0x9c: {  	[spmem:s1] =	stream.indirect.scatter.add.f32 [tilespmem:s15], [sflag:$0x3], $0x80, s18, s13, $0xb8;
	[tilespmem:$0x1EAC0] =	vst v63  }
0x9d: {  	_ =	swait.ge [sflag:s21], $0x4000  }
0x9e: {  	[sflag:s21] =	ssyncset.done $0x0  }
0x9f: {  	[sflag:s21] =	ssyncadd.s32 $0xFFFFC000  }
0xa0: {  	[spmem:s1] =	stream.indirect.scatter.add.f32 [tilespmem:s17], [sflag:$0x4], $0x80, s19, s13, $0xb8;
	[tilespmem:$0x1EAC0] =	vst v63  }
.Ltmp2:
0xa1: {  	_ =	swait.ge [sflag:s22], $0x4000;
	(pc) =	sbr.rel @p2 .LBB2_6-.Ltmp2, $4  }
0xa2: {  	[sflag:s22] =	ssyncset.done $0x0  }
0xa3: {  	[sflag:s22] =	ssyncadd.s32 $0xFFFFC000  }
0xa4: {  	_ =	swait.ge [sflag:s23], $0x4000  }
0xa5: {  	[sflag:s23] =	ssyncset.done $0x0  }
0xa6: {  	[sflag:s23] =	ssyncadd.s32 $0xFFFFC000;
	s25 =	sshrl.u32 @!p1 s1, $0x3;
	s24 =	sadd.s32 $0x1, s24  }
0xa7: {  	s26 =	simm.s32 @!p1 $0x1C05;
	[bflag:$0x0] =	sbarrier.arrive $0xFFFF;
	p2 =	sne.s32 s24, s8  }
0xa8: {  	[hbm:s7], [sflag:s26] =	dma.local @!p1 [spmem:s25], $0x27100  }
.Ltmp3:
0xa9: {  	_ = 	snop;
	(pc) =	sbr.rel @p2 .LBB2_1-.Ltmp3, $4  }
0xaa: {  	s25 =	simm.s32 @!p1 $0x5  }
0xab: {  	_ =	swait.ge @!p1 [sflag:s25], $0x27100  }
0xac: {  	[sflag:s25] =	ssyncset.done @!p1 $0x0  }
0xad: {  	[sflag:s25] =	ssyncadd.s32 @!p1 $0xFFFD8F00  }
0xae: {  	_ =	sfence.sel $0x180000  }
0xaf: {  	[bflag:$0x0] =	sbarrier.arrive $0xFFFF  }
0xb0: {  	_ =	strace $0x90000050  }
0xb1: {  	s0 =	sadd.s32 @!p1 $0x100000, s0;
	[bflag:$0x2] =	sbarrier.arrive $0xFFFF  }
0xb2: {  	[sflag:s0] =	ssyncadd.tile.s32 @!p1 $0x1;
	_ =	shalt  }
.Lfunc_end2:
_tile_overlayer_lowered:
.L_overlay_start_2:
0xb3: {  	(tag) =	ssettag $0x2  }
0xb4: {  	s0 =	rddreg [dreg:$0x0];
	s2 =	stileid.u32  }
0xb5: {  	s1 =	rddreg [dreg:$0x1];
	p0 =	sne.s32 s2, $0x0  }
0xb6: {  	s3 =	rddreg [dreg:$0x2];
	[bflag:$0x3] =	sbarrier.arrive $0xFFFF;
	s2 =	simm.s32 @!p0 $0x1C05  }
0xb7: {  	[timem:s3], [sflag:s2] =	dma.local @!p0 [hbm:s0], s1  }
0xb8: {  	s0 =	simm.s32 @!p0 $0x5  }
0xb9: {  	_ =	swait.ge @!p0 [sflag:s0], s1  }
0xba: {  	s1 =	ssub.s32 @!p0 $0x0, s1;
	[sflag:s0] =	ssyncset.done @!p0 $0x0  }
0xbb: {  	[sflag:s0] =	ssyncadd.s32 @!p0 s1  }
0xbc: {  	[bflag:$0x3] =	sbarrier.arrive $0xFFFF  }
0xbd: {  	_ =	shalt  }

</sc_bundles>
